<compile_context>
chip_gen: v7x
topology: tpu7x:2x2x1
jax: 0.10.2.dev20260603
libtpu: 0.0.44.dev20260713+nightly
codegen_flags: <defaults>
</compile_context>

<pallas_src>
import functools

import jax
import jax.numpy as jnp
from jax import lax
from jax.experimental import pallas as pl
from jax.experimental.pallas import tpu as pltpu
from jax.experimental.pallas import tpu_sc as plsc

_N = 32
_LANES = 128
_BC = 128
_NSTREAMS = 2


def _gram_kernel(thr_ref, xa_ref, xb_ref, kill_ref, sup_ref, acc_ref, *, nsteps):
    k = pl.program_id(0)

    @pl.when(k == 0)
    def _():
        acc_ref[...] = jnp.zeros_like(acc_ref)

    rowg = lax.broadcasted_iota(jnp.int32, (8 * _N, 8 * _N), 0) % 8
    colg = lax.broadcasted_iota(jnp.int32, (8 * _N, 8 * _N), 1) % 8
    diag8 = rowg == colg
    h_acc = jnp.zeros((8 * _N, 8 * _N), jnp.float32)
    for x_ref in (xa_ref, xb_ref):
        for g in range(_BC // 8):
            z = x_ref[:, g * 8:(g + 1) * 8, :].reshape(8 * _N, _LANES)
            zb = z.astype(jnp.bfloat16)
            h = lax.dot_general(
                zb, zb, (((1,), (1,)), ((), ())),
                preferred_element_type=jnp.float32,
            )
            h_acc += jnp.where(diag8, h, 0.0)
    acc_ref[...] += h_acc

    @pl.when(k == nsteps - 1)
    def _():
        ha = acc_ref[...]
        e_row = lax.broadcasted_iota(jnp.int32, (8 * _N, _N), 0) // 8
        e_col = lax.broadcasted_iota(jnp.int32, (8 * _N, _N), 1)
        ep = jnp.where(e_row == e_col, 1.0, 0.0)
        s = lax.dot_general(
            ep, ha, (((0,), (0,)), ((), ())),
            preferred_element_type=jnp.float32,
            precision=lax.Precision.HIGHEST,
        )
        g = lax.dot_general(
            s, ep, (((1,), (0,)), ((), ())),
            preferred_element_type=jnp.float32,
            precision=lax.Precision.HIGHEST,
        )
        thr = thr_ref[0]
        row_id = lax.broadcasted_iota(jnp.int32, (_N, _N), 0)
        col_id = lax.broadcasted_iota(jnp.int32, (_N, _N), 1)
        gdiag = jnp.where(row_id == col_id, g, 0.0)
        score_col = jnp.sum(gdiag, axis=1, keepdims=True)
        score_row = jnp.sum(gdiag, axis=0, keepdims=True)
        iou = g / (score_col + score_row - g)
        hit = iou > thr
        killf = jnp.where(hit & (score_col > score_row), 1.0, 0.0)
        supf = jnp.where(hit & (score_row > score_col), 1.0, 0.0)
        r8 = lax.broadcasted_iota(jnp.int32, (8, _N), 0)
        c8 = lax.broadcasted_iota(jnp.int32, (8, _N), 1)

        def pack(m):
            parts = []
            for q in range(4):
                sq = jnp.where(c8 == 4 * r8 + q, 1.0, 0.0)
                parts.append(
                    lax.dot_general(
                        sq, m, (((1,), (0,)), ((), ())),
                        preferred_element_type=jnp.float32,
                    )
                )
            return jnp.concatenate(parts, axis=1).astype(jnp.int32)

        kill_ref[...] = pack(killf)
        sup_ref[...] = pack(supf)


def _sc_nms_body(kill_hbm, sup_hbm, out_hbm, kill_v, sup_v, out_v):
    cid = lax.axis_index("c")
    sid = lax.axis_index("s")

    @pl.when(jnp.logical_and(cid == 0, sid == 0))
    def _():
        pltpu.sync_copy(kill_hbm, kill_v)
        pltpu.sync_copy(sup_hbm, sup_v)
        lane = lax.iota(jnp.int32, 16)
        lane_hi = lane + 16
        ind_lo = jnp.full((16,), 1, jnp.int32)
        ind_hi = jnp.full((16,), 1, jnp.int32)
        for i in range(_N):
            is_i = lane == (i % 16)
            ind_half = ind_lo if i < 16 else ind_hi
            active = plsc.all_reduce_population_count(is_i & (ind_half != 0)) > 0
            r, c0 = i // 4, (i % 4) * 32
            kr_lo = kill_v[r, pl.ds(c0, 16)]
            kr_hi = kill_v[r, pl.ds(c0 + 16, 16)]
            sr_lo = sup_v[r, pl.ds(c0, 16)]
            sr_hi = sup_v[r, pl.ds(c0 + 16, 16)]
            ffs_lo = plsc.all_reduce_ffs(kr_lo != 0)
            ffs_hi = plsc.all_reduce_ffs(kr_hi != 0)
            jstar = jnp.where(ffs_lo < 16, ffs_lo, 16 + ffs_hi)
            jstar = jnp.where(active, jstar, _N)
            sup_n = plsc.all_reduce_population_count(
                (sr_lo != 0) & (lane <= jstar)
            ) + plsc.all_reduce_population_count((sr_hi != 0) & (lane_hi <= jstar))
            suppress = active & (sup_n > 0)
            if i < 16:
                ind_lo = jnp.where(is_i & suppress, 0, ind_lo)
            else:
                ind_hi = jnp.where(is_i & suppress, 0, ind_hi)
            ind_lo = jnp.where(lane == jstar, 0, ind_lo)
            ind_hi = jnp.where(lane_hi == jstar, 0, ind_hi)
        out_v[pl.ds(0, 16)] = ind_lo
        out_v[pl.ds(16, 16)] = ind_hi
        pltpu.sync_copy(out_v, out_hbm)


_sc_nms = pl.kernel(
    _sc_nms_body,
    out_type=jax.ShapeDtypeStruct((_N,), jnp.int32),
    mesh=plsc.VectorSubcoreMesh(core_axis_name="c", subcore_axis_name="s"),
    compiler_params=pltpu.CompilerParams(needs_layout_passes=False),
    scratch_types=[
        pltpu.VMEM((8, 128), jnp.int32),
        pltpu.VMEM((8, 128), jnp.int32),
        pltpu.VMEM((_N,), jnp.int32),
    ],
)


def _tc_part(mask, threshold):
    x = jnp.transpose(mask, (0, 1, 2, 4, 3)).reshape(_N, -1, _LANES)
    nsteps = x.shape[1] // (_BC * _NSTREAMS)
    thr = jnp.asarray(threshold, jnp.float32).reshape(1)
    kill, sup = pl.pallas_call(
        functools.partial(_gram_kernel, nsteps=nsteps),
        grid=(nsteps,),
        in_specs=[
            pl.BlockSpec(memory_space=pltpu.SMEM),
            pl.BlockSpec((_N, _BC, _LANES), lambda k: (0, 2 * k, 0)),
            pl.BlockSpec((_N, _BC, _LANES), lambda k: (0, 2 * k + 1, 0)),
        ],
        out_specs=[
            pl.BlockSpec((8, 128), lambda k: (0, 0)),
            pl.BlockSpec((8, 128), lambda k: (0, 0)),
        ],
        out_shape=[
            jax.ShapeDtypeStruct((8, 128), jnp.int32),
            jax.ShapeDtypeStruct((8, 128), jnp.int32),
        ],
        scratch_shapes=[pltpu.VMEM((8 * _N, 8 * _N), jnp.float32)],
    )(thr, x, x)
    return kill, sup


@jax.jit
def kernel(mask, threshold):
    kill, sup = _tc_part(mask, threshold)
    return _sc_nms(kill, sup) > 0

# --- scband reference (transcript-rebuilt; emitter-appended) ---
"""Pipeline reference for scband-nms-26989574488094 (READ-ONLY COPY).

The authoritative reference and input builder live on the scoring server;
editing this copy changes nothing except your own understanding.
"""

import jax, jax.numpy as jnp
import numpy as np


def setup_inputs(seed=0) -> dict:
    key = jax.random.key(seed)
    # Binary {0,1} float masks, matching the module's expectation of boolean-valued float tensors
    mask = (jax.random.uniform(key, (1, 32, 256, 256, 8)) > 0.5).astype(jnp.float32)
    return {"mask": mask, "threshold": jnp.asarray(0.5, dtype=jnp.float32)}


def _pairwise_iou(mask):
    # Faithful vectorization of _iou(mask[:, i], mask[:, j]) for all (i, j).
    # _iou: val = a + b; intersection = (val > 1).sum(); union = (val > 0).sum(); return inter / union
    # IoU depends only on the pair of masks (not on the running `ind` state), so
    # precomputing the full matrix is mathematically identical to the torch loop.
    N = mask.shape[1]
    flat = jnp.moveaxis(mask, 1, 0).reshape(N, -1)  # [N, B*X*Y*Z]
    rows = []
    for i in range(N):
        val = flat[i][None, :] + flat          # [N, V]
        intersection = (val > 1).sum(-1)       # int counts
        union = (val > 0).sum(-1)
        rows.append(intersection / union)      # true division -> float
    return jnp.stack(rows)                      # [N, N]


def _nms_forward(mask, threshold=0.5):
    n = mask.shape[1]
    if n == 0:
        return jnp.zeros(n) > 0
    max_instances = mask.shape[1]
    score = jnp.squeeze(mask, 0).reshape(max_instances, -1).sum(-1)
    iou = _pairwise_iou(mask)
    ind = jnp.ones(max_instances, dtype=jnp.int32)

    def outer_body(i, ind):
        active_i = ind[i] != 0

        def inner_body(j, carry):
            ind, broken = carry
            hit = active_i & jnp.logical_not(broken) & (iou[i, j] > threshold)
            ind = ind.at[i].set(jnp.where(hit & (score[j] > score[i]), 0, ind[i]))
            kill_j = hit & (score[i] > score[j])
            ind = ind.at[j].set(jnp.where(kill_j, 0, ind[j]))
            return ind, broken | kill_j

        ind, _ = jax.lax.fori_loop(
            0, max_instances, inner_body, (ind, jnp.asarray(False))
        )
        return ind

    ind = jax.lax.fori_loop(0, max_instances, outer_body, ind)
    return ind > 0


def reference(mask, threshold=0.5):
    return _nms_forward(mask, threshold)

if __name__ == "__main__":
    import jax
    _d = setup_inputs()
    print(jax.jit(kernel)(*tuple(_d.values())))

</pallas_src>

<mosaic_0001>
#map = affine_map<(d0, d1) -> (0, 0)>
#map1 = affine_map<(d0, d1) -> (0)>
module attributes {stable_mosaic.version = 14 : i64} {
  func.func @_sc_nms_body(%arg0: i32, %arg1: i32, %arg2: memref<8x128xi32, #tpu.memory_space<hbm>>, %arg3: memref<8x128xi32, #tpu.memory_space<hbm>>, %arg4: memref<32xi32, #tpu.memory_space<hbm>>, %arg5: memref<8x128xi32, #tpu.memory_space<vmem>>, %arg6: memref<8x128xi32, #tpu.memory_space<vmem>>, %arg7: memref<32xi32, #tpu.memory_space<vmem>>) attributes {dimension_semantics = [#tpu.dimension_semantics<core_parallel>, #tpu.dimension_semantics<subcore_parallel>], iteration_bounds = array<i64: 2, 16>, scalar_prefetch = 0 : i64, scratch_operands = 3 : i64, tpu.core_type = #tpu.core_type<sc_vector_subcore>, window_params = [{transform_indices = #map}, {transform_indices = #map}, {transform_indices = #map1}]} {
    %eq3A = arith.constant 0 : i32
    %eq3A_0 = arith.cmpi eq, %arg0, %eq3A : i32
    %eq3A_1 = arith.constant 0 : i32
    %eq3A_2 = arith.cmpi eq, %arg1, %eq3A_1 : i32
    %and3A = arith.andi %eq3A_0, %eq3A_2 : i1
    %convert_element_type3A = arith.extui %and3A : i1 to i32
    %cond3A = arith.constant 0 : i32
    %cond3A_3 = arith.cmpi ne, %convert_element_type3A, %cond3A : i32
    scf.if %cond3A_3 {
      "tpu.region"() ({
        %run_scoped3A = tpu.sem_alloc : memref<!tpu.dma_semaphore, #tpu.memory_space<semaphore_mem>>
        tpu.enqueue_dma source(%arg2 : memref<8x128xi32, #tpu.memory_space<hbm>>) target(%arg5 : memref<8x128xi32, #tpu.memory_space<vmem>>) target_semaphore(%run_scoped3A : memref<!tpu.dma_semaphore, #tpu.memory_space<semaphore_mem>>)
        tpu.wait_dma2 semaphore(%run_scoped3A : memref<!tpu.dma_semaphore, #tpu.memory_space<semaphore_mem>>) src(%arg2 : memref<8x128xi32, #tpu.memory_space<hbm>>) dst(%arg5 : memref<8x128xi32, #tpu.memory_space<vmem>>)
        tpu.yield
      }) : () -> ()
      "tpu.region"() ({
        %run_scoped3A = tpu.sem_alloc : memref<!tpu.dma_semaphore, #tpu.memory_space<semaphore_mem>>
        tpu.enqueue_dma source(%arg3 : memref<8x128xi32, #tpu.memory_space<hbm>>) target(%arg6 : memref<8x128xi32, #tpu.memory_space<vmem>>) target_semaphore(%run_scoped3A : memref<!tpu.dma_semaphore, #tpu.memory_space<semaphore_mem>>)
        tpu.wait_dma2 semaphore(%run_scoped3A : memref<!tpu.dma_semaphore, #tpu.memory_space<semaphore_mem>>) src(%arg3 : memref<8x128xi32, #tpu.memory_space<hbm>>) dst(%arg6 : memref<8x128xi32, #tpu.memory_space<vmem>>)
        tpu.yield
      }) : () -> ()
      %iota3A = tpu.iota {dimensions = array<i32: 0>} : vector<16xi32>
      %add3A = arith.constant 16 : i32
      %add3A_4 = vector.broadcast %add3A : i32 to vector<16xi32>
      %add3A_5 = arith.addi %iota3A, %add3A_4 : vector<16xi32>
      %broadcast_in_dim3A = arith.constant 1 : i32
      %broadcast_in_dim3A_6 = vector.broadcast %broadcast_in_dim3A : i32 to vector<16xi32>
      %broadcast_in_dim3A_7 = arith.constant 1 : i32
      %broadcast_in_dim3A_8 = vector.broadcast %broadcast_in_dim3A_7 : i32 to vector<16xi32>
      %eq3A_9 = arith.constant 0 : i32
      %eq3A_10 = vector.broadcast %eq3A_9 : i32 to vector<16xi32>
      %eq3A_11 = arith.cmpi eq, %iota3A, %eq3A_10 : vector<16xi32>
      %ne3A = arith.constant 0 : i32
      %ne3A_12 = vector.broadcast %ne3A : i32 to vector<16xi32>
      %ne3A_13 = arith.cmpi ne, %broadcast_in_dim3A_6, %ne3A_12 : vector<16xi32>
      %and3A_14 = arith.andi %eq3A_11, %ne3A_13 : vector<16xi1>
      %all_reduce_population_count3A = tpu.all_reduce %and3A_14 {dim = 0 : i64, kind = #tpu.reduction_kind<sum>} : vector<16xi1> -> vector<16xi32>
      %gt3A = arith.constant 0 : i32
      %gt3A_15 = vector.broadcast %gt3A : i32 to vector<16xi32>
      %gt3A_16 = arith.cmpi sgt, %all_reduce_population_count3A, %gt3A_15 : vector<16xi32>
      %get3A = arith.constant 0 : i32
      %get3A_17 = arith.index_cast %get3A : i32 to index
      %get3A_18 = arith.constant 0 : index
      %get3A_19 = tpu.vector_load %arg5[%get3A_17, %get3A_18] {strides = array<i32>} : memref<8x128xi32, #tpu.memory_space<vmem>>, vector<16xi32>,
      %get3A_20 = arith.constant 0 : i32
      %get3A_21 = arith.index_cast %get3A_20 : i32 to index
      %get3A_22 = arith.constant 16 : index
      %get3A_23 = tpu.vector_load %arg5[%get3A_21, %get3A_22] {strides = array<i32>} : memref<8x128xi32, #tpu.memory_space<vmem>>, vector<16xi32>,
      %get3A_24 = arith.constant 0 : i32
      %get3A_25 = arith.index_cast %get3A_24 : i32 to index
      %get3A_26 = arith.constant 0 : index
      %get3A_27 = tpu.vector_load %arg6[%get3A_25, %get3A_26] {strides = array<i32>} : memref<8x128xi32, #tpu.memory_space<vmem>>, vector<16xi32>,
      %get3A_28 = arith.constant 0 : i32
      %get3A_29 = arith.index_cast %get3A_28 : i32 to index
      %get3A_30 = arith.constant 16 : index
      %get3A_31 = tpu.vector_load %arg6[%get3A_29, %get3A_30] {strides = array<i32>} : memref<8x128xi32, #tpu.memory_space<vmem>>, vector<16xi32>,
      %ne3A_32 = arith.constant 0 : i32
      %ne3A_33 = vector.broadcast %ne3A_32 : i32 to vector<16xi32>
      %ne3A_34 = arith.cmpi ne, %get3A_19, %ne3A_33 : vector<16xi32>
      %all_reduce_ffs3A = tpu.all_reduce %ne3A_34 {dim = 0 : i64, kind = #tpu.reduction_kind<find_first_set>} : vector<16xi1> -> vector<16xi32>
      %ne3A_35 = arith.constant 0 : i32
      %ne3A_36 = vector.broadcast %ne3A_35 : i32 to vector<16xi32>
      %ne3A_37 = arith.cmpi ne, %get3A_23, %ne3A_36 : vector<16xi32>
      %all_reduce_ffs3A_38 = tpu.all_reduce %ne3A_37 {dim = 0 : i64, kind = #tpu.reduction_kind<find_first_set>} : vector<16xi1> -> vector<16xi32>
      %lt3A = arith.constant 16 : i32
      %lt3A_39 = vector.broadcast %lt3A : i32 to vector<16xi32>
      %lt3A_40 = arith.cmpi slt, %all_reduce_ffs3A, %lt3A_39 : vector<16xi32>
      %add3A_41 = arith.constant 16 : i32
      %add3A_42 = vector.broadcast %add3A_41 : i32 to vector<16xi32>
      %add3A_43 = arith.addi %add3A_42, %all_reduce_ffs3A_38 : vector<16xi32>
      %select_n3A = arith.select %lt3A_40, %all_reduce_ffs3A, %add3A_43 : vector<16xi1>, vector<16xi32>
      %jit3A = arith.constant 32 : i32
      %broadcast_in_dim3A_44 = vector.broadcast %jit3A : i32 to vector<16xi32>
      %select_n3A_45 = arith.select %gt3A_16, %select_n3A, %broadcast_in_dim3A_44 : vector<16xi1>, vector<16xi32>
      %ne3A_46 = arith.constant 0 : i32
      %ne3A_47 = vector.broadcast %ne3A_46 : i32 to vector<16xi32>
      %ne3A_48 = arith.cmpi ne, %get3A_27, %ne3A_47 : vector<16xi32>
      %le3A = arith.cmpi sle, %iota3A, %select_n3A_45 : vector<16xi32>
      %and3A_49 = arith.andi %ne3A_48, %le3A : vector<16xi1>
      %all_reduce_population_count3A_50 = tpu.all_reduce %and3A_49 {dim = 0 : i64, kind = #tpu.reduction_kind<sum>} : vector<16xi1> -> vector<16xi32>
      %ne3A_51 = arith.constant 0 : i32
      %ne3A_52 = vector.broadcast %ne3A_51 : i32 to vector<16xi32>
      %ne3A_53 = arith.cmpi ne, %get3A_31, %ne3A_52 : vector<16xi32>
      %le3A_54 = arith.cmpi sle, %add3A_5, %select_n3A_45 : vector<16xi32>
      %and3A_55 = arith.andi %ne3A_53, %le3A_54 : vector<16xi1>
      %all_reduce_population_count3A_56 = tpu.all_reduce %and3A_55 {dim = 0 : i64, kind = #tpu.reduction_kind<sum>} : vector<16xi1> -> vector<16xi32>
      %add3A_57 = arith.addi %all_reduce_population_count3A_50, %all_reduce_population_count3A_56 : vector<16xi32>
      %gt3A_58 = arith.constant 0 : i32
      %gt3A_59 = vector.broadcast %gt3A_58 : i32 to vector<16xi32>
      %gt3A_60 = arith.cmpi sgt, %add3A_57, %gt3A_59 : vector<16xi32>
      %and3A_61 = arith.andi %gt3A_16, %gt3A_60 : vector<16xi1>
      %and3A_62 = arith.andi %eq3A_11, %and3A_61 : vector<16xi1>
      %jit3A_63 = arith.constant 0 : i32
      %broadcast_in_dim3A_64 = vector.broadcast %jit3A_63 : i32 to vector<16xi32>
      %select_n3A_65 = arith.select %and3A_62, %broadcast_in_dim3A_64, %broadcast_in_dim3A_6 : vector<16xi1>, vector<16xi32>
      %eq3A_66 = arith.cmpi eq, %iota3A, %select_n3A_45 : vector<16xi32>
      %jit3A_67 = arith.constant 0 : i32
      %broadcast_in_dim3A_68 = vector.broadcast %jit3A_67 : i32 to vector<16xi32>
      %select_n3A_69 = arith.select %eq3A_66, %broadcast_in_dim3A_68, %select_n3A_65 : vector<16xi1>, vector<16xi32>
      %eq3A_70 = arith.cmpi eq, %add3A_5, %select_n3A_45 : vector<16xi32>
      %jit3A_71 = arith.constant 0 : i32
      %broadcast_in_dim3A_72 = vector.broadcast %jit3A_71 : i32 to vector<16xi32>
      %select_n3A_73 = arith.select %eq3A_70, %broadcast_in_dim3A_72, %broadcast_in_dim3A_8 : vector<16xi1>, vector<16xi32>
      %eq3A_74 = arith.constant 1 : i32
      %eq3A_75 = vector.broadcast %eq3A_74 : i32 to vector<16xi32>
      %eq3A_76 = arith.cmpi eq, %iota3A, %eq3A_75 : vector<16xi32>
      %ne3A_77 = arith.constant 0 : i32
      %ne3A_78 = vector.broadcast %ne3A_77 : i32 to vector<16xi32>
      %ne3A_79 = arith.cmpi ne, %select_n3A_69, %ne3A_78 : vector<16xi32>
      %and3A_80 = arith.andi %eq3A_76, %ne3A_79 : vector<16xi1>
      %all_reduce_population_count3A_81 = tpu.all_reduce %and3A_80 {dim = 0 : i64, kind = #tpu.reduction_kind<sum>} : vector<16xi1> -> vector<16xi32>
      %gt3A_82 = arith.constant 0 : i32
      %gt3A_83 = vector.broadcast %gt3A_82 : i32 to vector<16xi32>
      %gt3A_84 = arith.cmpi sgt, %all_reduce_population_count3A_81, %gt3A_83 : vector<16xi32>
      %get3A_85 = arith.constant 0 : i32
      %get3A_86 = arith.index_cast %get3A_85 : i32 to index
      %get3A_87 = arith.constant 32 : index
      %get3A_88 = tpu.vector_load %arg5[%get3A_86, %get3A_87] {strides = array<i32>} : memref<8x128xi32, #tpu.memory_space<vmem>>, vector<16xi32>,
      %get3A_89 = arith.constant 0 : i32
      %get3A_90 = arith.index_cast %get3A_89 : i32 to index
      %get3A_91 = arith.constant 48 : index
      %get3A_92 = tpu.vector_load %arg5[%get3A_90, %get3A_91] {strides = array<i32>} : memref<8x128xi32, #tpu.memory_space<vmem>>, vector<16xi32>,
      %get3A_93 = arith.constant 0 : i32
      %get3A_94 = arith.index_cast %get3A_93 : i32 to index
      %get3A_95 = arith.constant 32 : index
      %get3A_96 = tpu.vector_load %arg6[%get3A_94, %get3A_95] {strides = array<i32>} : memref<8x128xi32, #tpu.memory_space<vmem>>, vector<16xi32>,
      %get3A_97 = arith.constant 0 : i32
      %get3A_98 = arith.index_cast %get3A_97 : i32 to index
      %get3A_99 = arith.constant 48 : index
      %get3A_100 = tpu.vector_load %arg6[%get3A_98, %get3A_99] {strides = array<i32>} : memref<8x128xi32, #tpu.memory_space<vmem>>, vector<16xi32>,
      %ne3A_101 = arith.constant 0 : i32
      %ne3A_102 = vector.broadcast %ne3A_101 : i32 to vector<16xi32>
      %ne3A_103 = arith.cmpi ne, %get3A_88, %ne3A_102 : vector<16xi32>
      %all_reduce_ffs3A_104 = tpu.all_reduce %ne3A_103 {dim = 0 : i64, kind = #tpu.reduction_kind<find_first_set>} : vector<16xi1> -> vector<16xi32>
      %ne3A_105 = arith.constant 0 : i32
      %ne3A_106 = vector.broadcast %ne3A_105 : i32 to vector<16xi32>
      %ne3A_107 = arith.cmpi ne, %get3A_92, %ne3A_106 : vector<16xi32>
      %all_reduce_ffs3A_108 = tpu.all_reduce %ne3A_107 {dim = 0 : i64, kind = #tpu.reduction_kind<find_first_set>} : vector<16xi1> -> vector<16xi32>
      %lt3A_109 = arith.constant 16 : i32
      %lt3A_110 = vector.broadcast %lt3A_109 : i32 to vector<16xi32>
      %lt3A_111 = arith.cmpi slt, %all_reduce_ffs3A_104, %lt3A_110 : vector<16xi32>
      %add3A_112 = arith.constant 16 : i32
      %add3A_113 = vector.broadcast %add3A_112 : i32 to vector<16xi32>
      %add3A_114 = arith.addi %add3A_113, %all_reduce_ffs3A_108 : vector<16xi32>
      %select_n3A_115 = arith.select %lt3A_111, %all_reduce_ffs3A_104, %add3A_114 : vector<16xi1>, vector<16xi32>
      %jit3A_116 = arith.constant 32 : i32
      %broadcast_in_dim3A_117 = vector.broadcast %jit3A_116 : i32 to vector<16xi32>
      %select_n3A_118 = arith.select %gt3A_84, %select_n3A_115, %broadcast_in_dim3A_117 : vector<16xi1>, vector<16xi32>
      %ne3A_119 = arith.constant 0 : i32
      %ne3A_120 = vector.broadcast %ne3A_119 : i32 to vector<16xi32>
      %ne3A_121 = arith.cmpi ne, %get3A_96, %ne3A_120 : vector<16xi32>
      %le3A_122 = arith.cmpi sle, %iota3A, %select_n3A_118 : vector<16xi32>
      %and3A_123 = arith.andi %ne3A_121, %le3A_122 : vector<16xi1>
      %all_reduce_population_count3A_124 = tpu.all_reduce %and3A_123 {dim = 0 : i64, kind = #tpu.reduction_kind<sum>} : vector<16xi1> -> vector<16xi32>
      %ne3A_125 = arith.constant 0 : i32
      %ne3A_126 = vector.broadcast %ne3A_125 : i32 to vector<16xi32>
      %ne3A_127 = arith.cmpi ne, %get3A_100, %ne3A_126 : vector<16xi32>
      %le3A_128 = arith.cmpi sle, %add3A_5, %select_n3A_118 : vector<16xi32>
      %and3A_129 = arith.andi %ne3A_127, %le3A_128 : vector<16xi1>
      %all_reduce_population_count3A_130 = tpu.all_reduce %and3A_129 {dim = 0 : i64, kind = #tpu.reduction_kind<sum>} : vector<16xi1> -> vector<16xi32>
      %add3A_131 = arith.addi %all_reduce_population_count3A_124, %all_reduce_population_count3A_130 : vector<16xi32>
      %gt3A_132 = arith.constant 0 : i32
      %gt3A_133 = vector.broadcast %gt3A_132 : i32 to vector<16xi32>
      %gt3A_134 = arith.cmpi sgt, %add3A_131, %gt3A_133 : vector<16xi32>
      %and3A_135 = arith.andi %gt3A_84, %gt3A_134 : vector<16xi1>
      %and3A_136 = arith.andi %eq3A_76, %and3A_135 : vector<16xi1>
      %jit3A_137 = arith.constant 0 : i32
      %broadcast_in_dim3A_138 = vector.broadcast %jit3A_137 : i32 to vector<16xi32>
      %select_n3A_139 = arith.select %and3A_136, %broadcast_in_dim3A_138, %select_n3A_69 : vector<16xi1>, vector<16xi32>
      %eq3A_140 = arith.cmpi eq, %iota3A, %select_n3A_118 : vector<16xi32>
      %jit3A_141 = arith.constant 0 : i32
      %broadcast_in_dim3A_142 = vector.broadcast %jit3A_141 : i32 to vector<16xi32>
      %select_n3A_143 = arith.select %eq3A_140, %broadcast_in_dim3A_142, %select_n3A_139 : vector<16xi1>, vector<16xi32>
      %eq3A_144 = arith.cmpi eq, %add3A_5, %select_n3A_118 : vector<16xi32>
      %jit3A_145 = arith.constant 0 : i32
      %broadcast_in_dim3A_146 = vector.broadcast %jit3A_145 : i32 to vector<16xi32>
      %select_n3A_147 = arith.select %eq3A_144, %broadcast_in_dim3A_146, %select_n3A_73 : vector<16xi1>, vector<16xi32>
      %eq3A_148 = arith.constant 2 : i32
      %eq3A_149 = vector.broadcast %eq3A_148 : i32 to vector<16xi32>
      %eq3A_150 = arith.cmpi eq, %iota3A, %eq3A_149 : vector<16xi32>
      %ne3A_151 = arith.constant 0 : i32
      %ne3A_152 = vector.broadcast %ne3A_151 : i32 to vector<16xi32>
      %ne3A_153 = arith.cmpi ne, %select_n3A_143, %ne3A_152 : vector<16xi32>
      %and3A_154 = arith.andi %eq3A_150, %ne3A_153 : vector<16xi1>
      %all_reduce_population_count3A_155 = tpu.all_reduce %and3A_154 {dim = 0 : i64, kind = #tpu.reduction_kind<sum>} : vector<16xi1> -> vector<16xi32>
      %gt3A_156 = arith.constant 0 : i32
      %gt3A_157 = vector.broadcast %gt3A_156 : i32 to vector<16xi32>
      %gt3A_158 = arith.cmpi sgt, %all_reduce_population_count3A_155, %gt3A_157 : vector<16xi32>
      %get3A_159 = arith.constant 0 : i32
      %get3A_160 = arith.index_cast %get3A_159 : i32 to index
      %get3A_161 = arith.constant 64 : index
      %get3A_162 = tpu.vector_load %arg5[%get3A_160, %get3A_161] {strides = array<i32>} : memref<8x128xi32, #tpu.memory_space<vmem>>, vector<16xi32>,
      %get3A_163 = arith.constant 0 : i32
      %get3A_164 = arith.index_cast %get3A_163 : i32 to index
      %get3A_165 = arith.constant 80 : index
      %get3A_166 = tpu.vector_load %arg5[%get3A_164, %get3A_165] {strides = array<i32>} : memref<8x128xi32, #tpu.memory_space<vmem>>, vector<16xi32>,
      %get3A_167 = arith.constant 0 : i32
      %get3A_168 = arith.index_cast %get3A_167 : i32 to index
      %get3A_169 = arith.constant 64 : index
      %get3A_170 = tpu.vector_load %arg6[%get3A_168, %get3A_169] {strides = array<i32>} : memref<8x128xi32, #tpu.memory_space<vmem>>, vector<16xi32>,
      %get3A_171 = arith.constant 0 : i32
      %get3A_172 = arith.index_cast %get3A_171 : i32 to index
      %get3A_173 = arith.constant 80 : index
      %get3A_174 = tpu.vector_load %arg6[%get3A_172, %get3A_173] {strides = array<i32>} : memref<8x128xi32, #tpu.memory_space<vmem>>, vector<16xi32>,
      %ne3A_175 = arith.constant 0 : i32
      %ne3A_176 = vector.broadcast %ne3A_175 : i32 to vector<16xi32>
      %ne3A_177 = arith.cmpi ne, %get3A_162, %ne3A_176 : vector<16xi32>
      %all_reduce_ffs3A_178 = tpu.all_reduce %ne3A_177 {dim = 0 : i64, kind = #tpu.reduction_kind<find_first_set>} : vector<16xi1> -> vector<16xi32>
      %ne3A_179 = arith.constant 0 : i32
      %ne3A_180 = vector.broadcast %ne3A_179 : i32 to vector<16xi32>
      %ne3A_181 = arith.cmpi ne, %get3A_166, %ne3A_180 : vector<16xi32>
      %all_reduce_ffs3A_182 = tpu.all_reduce %ne3A_181 {dim = 0 : i64, kind = #tpu.reduction_kind<find_first_set>} : vector<16xi1> -> vector<16xi32>
      %lt3A_183 = arith.constant 16 : i32
      %lt3A_184 = vector.broadcast %lt3A_183 : i32 to vector<16xi32>
      %lt3A_185 = arith.cmpi slt, %all_reduce_ffs3A_178, %lt3A_184 : vector<16xi32>
      %add3A_186 = arith.constant 16 : i32
      %add3A_187 = vector.broadcast %add3A_186 : i32 to vector<16xi32>
      %add3A_188 = arith.addi %add3A_187, %all_reduce_ffs3A_182 : vector<16xi32>
      %select_n3A_189 = arith.select %lt3A_185, %all_reduce_ffs3A_178, %add3A_188 : vector<16xi1>, vector<16xi32>
      %jit3A_190 = arith.constant 32 : i32
      %broadcast_in_dim3A_191 = vector.broadcast %jit3A_190 : i32 to vector<16xi32>
      %select_n3A_192 = arith.select %gt3A_158, %select_n3A_189, %broadcast_in_dim3A_191 : vector<16xi1>, vector<16xi32>
      %ne3A_193 = arith.constant 0 : i32
      %ne3A_194 = vector.broadcast %ne3A_193 : i32 to vector<16xi32>
      %ne3A_195 = arith.cmpi ne, %get3A_170, %ne3A_194 : vector<16xi32>
      %le3A_196 = arith.cmpi sle, %iota3A, %select_n3A_192 : vector<16xi32>
      %and3A_197 = arith.andi %ne3A_195, %le3A_196 : vector<16xi1>
      %all_reduce_population_count3A_198 = tpu.all_reduce %and3A_197 {dim = 0 : i64, kind = #tpu.reduction_kind<sum>} : vector<16xi1> -> vector<16xi32>
      %ne3A_199 = arith.constant 0 : i32
      %ne3A_200 = vector.broadcast %ne3A_199 : i32 to vector<16xi32>
      %ne3A_201 = arith.cmpi ne, %get3A_174, %ne3A_200 : vector<16xi32>
      %le3A_202 = arith.cmpi sle, %add3A_5, %select_n3A_192 : vector<16xi32>
      %and3A_203 = arith.andi %ne3A_201, %le3A_202 : vector<16xi1>
      %all_reduce_population_count3A_204 = tpu.all_reduce %and3A_203 {dim = 0 : i64, kind = #tpu.reduction_kind<sum>} : vector<16xi1> -> vector<16xi32>
      %add3A_205 = arith.addi %all_reduce_population_count3A_198, %all_reduce_population_count3A_204 : vector<16xi32>
      %gt3A_206 = arith.constant 0 : i32
      %gt3A_207 = vector.broadcast %gt3A_206 : i32 to vector<16xi32>
      %gt3A_208 = arith.cmpi sgt, %add3A_205, %gt3A_207 : vector<16xi32>
      %and3A_209 = arith.andi %gt3A_158, %gt3A_208 : vector<16xi1>
      %and3A_210 = arith.andi %eq3A_150, %and3A_209 : vector<16xi1>
      %jit3A_211 = arith.constant 0 : i32
      %broadcast_in_dim3A_212 = vector.broadcast %jit3A_211 : i32 to vector<16xi32>
      %select_n3A_213 = arith.select %and3A_210, %broadcast_in_dim3A_212, %select_n3A_143 : vector<16xi1>, vector<16xi32>
      %eq3A_214 = arith.cmpi eq, %iota3A, %select_n3A_192 : vector<16xi32>
      %jit3A_215 = arith.constant 0 : i32
      %broadcast_in_dim3A_216 = vector.broadcast %jit3A_215 : i32 to vector<16xi32>
      %select_n3A_217 = arith.select %eq3A_214, %broadcast_in_dim3A_216, %select_n3A_213 : vector<16xi1>, vector<16xi32>
      %eq3A_218 = arith.cmpi eq, %add3A_5, %select_n3A_192 : vector<16xi32>
      %jit3A_219 = arith.constant 0 : i32
      %broadcast_in_dim3A_220 = vector.broadcast %jit3A_219 : i32 to vector<16xi32>
      %select_n3A_221 = arith.select %eq3A_218, %broadcast_in_dim3A_220, %select_n3A_147 : vector<16xi1>, vector<16xi32>
      %eq3A_222 = arith.constant 3 : i32
      %eq3A_223 = vector.broadcast %eq3A_222 : i32 to vector<16xi32>
      %eq3A_224 = arith.cmpi eq, %iota3A, %eq3A_223 : vector<16xi32>
      %ne3A_225 = arith.constant 0 : i32
      %ne3A_226 = vector.broadcast %ne3A_225 : i32 to vector<16xi32>
      %ne3A_227 = arith.cmpi ne, %select_n3A_217, %ne3A_226 : vector<16xi32>
      %and3A_228 = arith.andi %eq3A_224, %ne3A_227 : vector<16xi1>
      %all_reduce_population_count3A_229 = tpu.all_reduce %and3A_228 {dim = 0 : i64, kind = #tpu.reduction_kind<sum>} : vector<16xi1> -> vector<16xi32>
      %gt3A_230 = arith.constant 0 : i32
      %gt3A_231 = vector.broadcast %gt3A_230 : i32 to vector<16xi32>
      %gt3A_232 = arith.cmpi sgt, %all_reduce_population_count3A_229, %gt3A_231 : vector<16xi32>
      %get3A_233 = arith.constant 0 : i32
      %get3A_234 = arith.index_cast %get3A_233 : i32 to index
      %get3A_235 = arith.constant 96 : index
      %get3A_236 = tpu.vector_load %arg5[%get3A_234, %get3A_235] {strides = array<i32>} : memref<8x128xi32, #tpu.memory_space<vmem>>, vector<16xi32>,
      %get3A_237 = arith.constant 0 : i32
      %get3A_238 = arith.index_cast %get3A_237 : i32 to index
      %get3A_239 = arith.constant 112 : index
      %get3A_240 = tpu.vector_load %arg5[%get3A_238, %get3A_239] {strides = array<i32>} : memref<8x128xi32, #tpu.memory_space<vmem>>, vector<16xi32>,
      %get3A_241 = arith.constant 0 : i32
      %get3A_242 = arith.index_cast %get3A_241 : i32 to index
      %get3A_243 = arith.constant 96 : index
      %get3A_244 = tpu.vector_load %arg6[%get3A_242, %get3A_243] {strides = array<i32>} : memref<8x128xi32, #tpu.memory_space<vmem>>, vector<16xi32>,
      %get3A_245 = arith.constant 0 : i32
      %get3A_246 = arith.index_cast %get3A_245 : i32 to index
      %get3A_247 = arith.constant 112 : index
      %get3A_248 = tpu.vector_load %arg6[%get3A_246, %get3A_247] {strides = array<i32>} : memref<8x128xi32, #tpu.memory_space<vmem>>, vector<16xi32>,
      %ne3A_249 = arith.constant 0 : i32
      %ne3A_250 = vector.broadcast %ne3A_249 : i32 to vector<16xi32>
      %ne3A_251 = arith.cmpi ne, %get3A_236, %ne3A_250 : vector<16xi32>
      %all_reduce_ffs3A_252 = tpu.all_reduce %ne3A_251 {dim = 0 : i64, kind = #tpu.reduction_kind<find_first_set>} : vector<16xi1> -> vector<16xi32>
      %ne3A_253 = arith.constant 0 : i32
      %ne3A_254 = vector.broadcast %ne3A_253 : i32 to vector<16xi32>
      %ne3A_255 = arith.cmpi ne, %get3A_240, %ne3A_254 : vector<16xi32>
      %all_reduce_ffs3A_256 = tpu.all_reduce %ne3A_255 {dim = 0 : i64, kind = #tpu.reduction_kind<find_first_set>} : vector<16xi1> -> vector<16xi32>
      %lt3A_257 = arith.constant 16 : i32
      %lt3A_258 = vector.broadcast %lt3A_257 : i32 to vector<16xi32>
      %lt3A_259 = arith.cmpi slt, %all_reduce_ffs3A_252, %lt3A_258 : vector<16xi32>
      %add3A_260 = arith.constant 16 : i32
      %add3A_261 = vector.broadcast %add3A_260 : i32 to vector<16xi32>
      %add3A_262 = arith.addi %add3A_261, %all_reduce_ffs3A_256 : vector<16xi32>
      %select_n3A_263 = arith.select %lt3A_259, %all_reduce_ffs3A_252, %add3A_262 : vector<16xi1>, vector<16xi32>
      %jit3A_264 = arith.constant 32 : i32
      %broadcast_in_dim3A_265 = vector.broadcast %jit3A_264 : i32 to vector<16xi32>
      %select_n3A_266 = arith.select %gt3A_232, %select_n3A_263, %broadcast_in_dim3A_265 : vector<16xi1>, vector<16xi32>
      %ne3A_267 = arith.constant 0 : i32
      %ne3A_268 = vector.broadcast %ne3A_267 : i32 to vector<16xi32>
      %ne3A_269 = arith.cmpi ne, %get3A_244, %ne3A_268 : vector<16xi32>
      %le3A_270 = arith.cmpi sle, %iota3A, %select_n3A_266 : vector<16xi32>
      %and3A_271 = arith.andi %ne3A_269, %le3A_270 : vector<16xi1>
      %all_reduce_population_count3A_272 = tpu.all_reduce %and3A_271 {dim = 0 : i64, kind = #tpu.reduction_kind<sum>} : vector<16xi1> -> vector<16xi32>
      %ne3A_273 = arith.constant 0 : i32
      %ne3A_274 = vector.broadcast %ne3A_273 : i32 to vector<16xi32>
      %ne3A_275 = arith.cmpi ne, %get3A_248, %ne3A_274 : vector<16xi32>
      %le3A_276 = arith.cmpi sle, %add3A_5, %select_n3A_266 : vector<16xi32>
      %and3A_277 = arith.andi %ne3A_275, %le3A_276 : vector<16xi1>
      %all_reduce_population_count3A_278 = tpu.all_reduce %and3A_277 {dim = 0 : i64, kind = #tpu.reduction_kind<sum>} : vector<16xi1> -> vector<16xi32>
      %add3A_279 = arith.addi %all_reduce_population_count3A_272, %all_reduce_population_count3A_278 : vector<16xi32>
      %gt3A_280 = arith.constant 0 : i32
      %gt3A_281 = vector.broadcast %gt3A_280 : i32 to vector<16xi32>
      %gt3A_282 = arith.cmpi sgt, %add3A_279, %gt3A_281 : vector<16xi32>
      %and3A_283 = arith.andi %gt3A_232, %gt3A_282 : vector<16xi1>
      %and3A_284 = arith.andi %eq3A_224, %and3A_283 : vector<16xi1>
      %jit3A_285 = arith.constant 0 : i32
      %broadcast_in_dim3A_286 = vector.broadcast %jit3A_285 : i32 to vector<16xi32>
      %select_n3A_287 = arith.select %and3A_284, %broadcast_in_dim3A_286, %select_n3A_217 : vector<16xi1>, vector<16xi32>
      %eq3A_288 = arith.cmpi eq, %iota3A, %select_n3A_266 : vector<16xi32>
      %jit3A_289 = arith.constant 0 : i32
      %broadcast_in_dim3A_290 = vector.broadcast %jit3A_289 : i32 to vector<16xi32>
      %select_n3A_291 = arith.select %eq3A_288, %broadcast_in_dim3A_290, %select_n3A_287 : vector<16xi1>, vector<16xi32>
      %eq3A_292 = arith.cmpi eq, %add3A_5, %select_n3A_266 : vector<16xi32>
      %jit3A_293 = arith.constant 0 : i32
      %broadcast_in_dim3A_294 = vector.broadcast %jit3A_293 : i32 to vector<16xi32>
      %select_n3A_295 = arith.select %eq3A_292, %broadcast_in_dim3A_294, %select_n3A_221 : vector<16xi1>, vector<16xi32>
      %eq3A_296 = arith.constant 4 : i32
      %eq3A_297 = vector.broadcast %eq3A_296 : i32 to vector<16xi32>
      %eq3A_298 = arith.cmpi eq, %iota3A, %eq3A_297 : vector<16xi32>
      %ne3A_299 = arith.constant 0 : i32
      %ne3A_300 = vector.broadcast %ne3A_299 : i32 to vector<16xi32>
      %ne3A_301 = arith.cmpi ne, %select_n3A_291, %ne3A_300 : vector<16xi32>
      %and3A_302 = arith.andi %eq3A_298, %ne3A_301 : vector<16xi1>
      %all_reduce_population_count3A_303 = tpu.all_reduce %and3A_302 {dim = 0 : i64, kind = #tpu.reduction_kind<sum>} : vector<16xi1> -> vector<16xi32>
      %gt3A_304 = arith.constant 0 : i32
      %gt3A_305 = vector.broadcast %gt3A_304 : i32 to vector<16xi32>
      %gt3A_306 = arith.cmpi sgt, %all_reduce_population_count3A_303, %gt3A_305 : vector<16xi32>
      %get3A_307 = arith.constant 1 : i32
      %get3A_308 = arith.index_cast %get3A_307 : i32 to index
      %get3A_309 = arith.constant 0 : index
      %get3A_310 = tpu.vector_load %arg5[%get3A_308, %get3A_309] {strides = array<i32>} : memref<8x128xi32, #tpu.memory_space<vmem>>, vector<16xi32>,
      %get3A_311 = arith.constant 1 : i32
      %get3A_312 = arith.index_cast %get3A_311 : i32 to index
      %get3A_313 = arith.constant 16 : index
      %get3A_314 = tpu.vector_load %arg5[%get3A_312, %get3A_313] {strides = array<i32>} : memref<8x128xi32, #tpu.memory_space<vmem>>, vector<16xi32>,
      %get3A_315 = arith.constant 1 : i32
      %get3A_316 = arith.index_cast %get3A_315 : i32 to index
      %get3A_317 = arith.constant 0 : index
      %get3A_318 = tpu.vector_load %arg6[%get3A_316, %get3A_317] {strides = array<i32>} : memref<8x128xi32, #tpu.memory_space<vmem>>, vector<16xi32>,
      %get3A_319 = arith.constant 1 : i32
      %get3A_320 = arith.index_cast %get3A_319 : i32 to index
      %get3A_321 = arith.constant 16 : index
      %get3A_322 = tpu.vector_load %arg6[%get3A_320, %get3A_321] {strides = array<i32>} : memref<8x128xi32, #tpu.memory_space<vmem>>, vector<16xi32>,
      %ne3A_323 = arith.constant 0 : i32
      %ne3A_324 = vector.broadcast %ne3A_323 : i32 to vector<16xi32>
      %ne3A_325 = arith.cmpi ne, %get3A_310, %ne3A_324 : vector<16xi32>
      %all_reduce_ffs3A_326 = tpu.all_reduce %ne3A_325 {dim = 0 : i64, kind = #tpu.reduction_kind<find_first_set>} : vector<16xi1> -> vector<16xi32>
      %ne3A_327 = arith.constant 0 : i32
      %ne3A_328 = vector.broadcast %ne3A_327 : i32 to vector<16xi32>
      %ne3A_329 = arith.cmpi ne, %get3A_314, %ne3A_328 : vector<16xi32>
      %all_reduce_ffs3A_330 = tpu.all_reduce %ne3A_329 {dim = 0 : i64, kind = #tpu.reduction_kind<find_first_set>} : vector<16xi1> -> vector<16xi32>
      %lt3A_331 = arith.constant 16 : i32
      %lt3A_332 = vector.broadcast %lt3A_331 : i32 to vector<16xi32>
      %lt3A_333 = arith.cmpi slt, %all_reduce_ffs3A_326, %lt3A_332 : vector<16xi32>
      %add3A_334 = arith.constant 16 : i32
      %add3A_335 = vector.broadcast %add3A_334 : i32 to vector<16xi32>
      %add3A_336 = arith.addi %add3A_335, %all_reduce_ffs3A_330 : vector<16xi32>
      %select_n3A_337 = arith.select %lt3A_333, %all_reduce_ffs3A_326, %add3A_336 : vector<16xi1>, vector<16xi32>
      %jit3A_338 = arith.constant 32 : i32
      %broadcast_in_dim3A_339 = vector.broadcast %jit3A_338 : i32 to vector<16xi32>
      %select_n3A_340 = arith.select %gt3A_306, %select_n3A_337, %broadcast_in_dim3A_339 : vector<16xi1>, vector<16xi32>
      %ne3A_341 = arith.constant 0 : i32
      %ne3A_342 = vector.broadcast %ne3A_341 : i32 to vector<16xi32>
      %ne3A_343 = arith.cmpi ne, %get3A_318, %ne3A_342 : vector<16xi32>
      %le3A_344 = arith.cmpi sle, %iota3A, %select_n3A_340 : vector<16xi32>
      %and3A_345 = arith.andi %ne3A_343, %le3A_344 : vector<16xi1>
      %all_reduce_population_count3A_346 = tpu.all_reduce %and3A_345 {dim = 0 : i64, kind = #tpu.reduction_kind<sum>} : vector<16xi1> -> vector<16xi32>
      %ne3A_347 = arith.constant 0 : i32
      %ne3A_348 = vector.broadcast %ne3A_347 : i32 to vector<16xi32>
      %ne3A_349 = arith.cmpi ne, %get3A_322, %ne3A_348 : vector<16xi32>
      %le3A_350 = arith.cmpi sle, %add3A_5, %select_n3A_340 : vector<16xi32>
      %and3A_351 = arith.andi %ne3A_349, %le3A_350 : vector<16xi1>
      %all_reduce_population_count3A_352 = tpu.all_reduce %and3A_351 {dim = 0 : i64, kind = #tpu.reduction_kind<sum>} : vector<16xi1> -> vector<16xi32>
      %add3A_353 = arith.addi %all_reduce_population_count3A_346, %all_reduce_population_count3A_352 : vector<16xi32>
      %gt3A_354 = arith.constant 0 : i32
      %gt3A_355 = vector.broadcast %gt3A_354 : i32 to vector<16xi32>
      %gt3A_356 = arith.cmpi sgt, %add3A_353, %gt3A_355 : vector<16xi32>
      %and3A_357 = arith.andi %gt3A_306, %gt3A_356 : vector<16xi1>
      %and3A_358 = arith.andi %eq3A_298, %and3A_357 : vector<16xi1>
      %jit3A_359 = arith.constant 0 : i32
      %broadcast_in_dim3A_360 = vector.broadcast %jit3A_359 : i32 to vector<16xi32>
      %select_n3A_361 = arith.select %and3A_358, %broadcast_in_dim3A_360, %select_n3A_291 : vector<16xi1>, vector<16xi32>
      %eq3A_362 = arith.cmpi eq, %iota3A, %select_n3A_340 : vector<16xi32>
      %jit3A_363 = arith.constant 0 : i32
      %broadcast_in_dim3A_364 = vector.broadcast %jit3A_363 : i32 to vector<16xi32>
      %select_n3A_365 = arith.select %eq3A_362, %broadcast_in_dim3A_364, %select_n3A_361 : vector<16xi1>, vector<16xi32>
      %eq3A_366 = arith.cmpi eq, %add3A_5, %select_n3A_340 : vector<16xi32>
      %jit3A_367 = arith.constant 0 : i32
      %broadcast_in_dim3A_368 = vector.broadcast %jit3A_367 : i32 to vector<16xi32>
      %select_n3A_369 = arith.select %eq3A_366, %broadcast_in_dim3A_368, %select_n3A_295 : vector<16xi1>, vector<16xi32>
      %eq3A_370 = arith.constant 5 : i32
      %eq3A_371 = vector.broadcast %eq3A_370 : i32 to vector<16xi32>
      %eq3A_372 = arith.cmpi eq, %iota3A, %eq3A_371 : vector<16xi32>
      %ne3A_373 = arith.constant 0 : i32
      %ne3A_374 = vector.broadcast %ne3A_373 : i32 to vector<16xi32>
      %ne3A_375 = arith.cmpi ne, %select_n3A_365, %ne3A_374 : vector<16xi32>
      %and3A_376 = arith.andi %eq3A_372, %ne3A_375 : vector<16xi1>
      %all_reduce_population_count3A_377 = tpu.all_reduce %and3A_376 {dim = 0 : i64, kind = #tpu.reduction_kind<sum>} : vector<16xi1> -> vector<16xi32>
      %gt3A_378 = arith.constant 0 : i32
      %gt3A_379 = vector.broadcast %gt3A_378 : i32 to vector<16xi32>
      %gt3A_380 = arith.cmpi sgt, %all_reduce_population_count3A_377, %gt3A_379 : vector<16xi32>
      %get3A_381 = arith.constant 1 : i32
      %get3A_382 = arith.index_cast %get3A_381 : i32 to index
      %get3A_383 = arith.constant 32 : index
      %get3A_384 = tpu.vector_load %arg5[%get3A_382, %get3A_383] {strides = array<i32>} : memref<8x128xi32, #tpu.memory_space<vmem>>, vector<16xi32>,
      %get3A_385 = arith.constant 1 : i32
      %get3A_386 = arith.index_cast %get3A_385 : i32 to index
      %get3A_387 = arith.constant 48 : index
      %get3A_388 = tpu.vector_load %arg5[%get3A_386, %get3A_387] {strides = array<i32>} : memref<8x128xi32, #tpu.memory_space<vmem>>, vector<16xi32>,
      %get3A_389 = arith.constant 1 : i32
      %get3A_390 = arith.index_cast %get3A_389 : i32 to index
      %get3A_391 = arith.constant 32 : index
      %get3A_392 = tpu.vector_load %arg6[%get3A_390, %get3A_391] {strides = array<i32>} : memref<8x128xi32, #tpu.memory_space<vmem>>, vector<16xi32>,
      %get3A_393 = arith.constant 1 : i32
      %get3A_394 = arith.index_cast %get3A_393 : i32 to index
      %get3A_395 = arith.constant 48 : index
      %get3A_396 = tpu.vector_load %arg6[%get3A_394, %get3A_395] {strides = array<i32>} : memref<8x128xi32, #tpu.memory_space<vmem>>, vector<16xi32>,
      %ne3A_397 = arith.constant 0 : i32
      %ne3A_398 = vector.broadcast %ne3A_397 : i32 to vector<16xi32>
      %ne3A_399 = arith.cmpi ne, %get3A_384, %ne3A_398 : vector<16xi32>
      %all_reduce_ffs3A_400 = tpu.all_reduce %ne3A_399 {dim = 0 : i64, kind = #tpu.reduction_kind<find_first_set>} : vector<16xi1> -> vector<16xi32>
      %ne3A_401 = arith.constant 0 : i32
      %ne3A_402 = vector.broadcast %ne3A_401 : i32 to vector<16xi32>
      %ne3A_403 = arith.cmpi ne, %get3A_388, %ne3A_402 : vector<16xi32>
      %all_reduce_ffs3A_404 = tpu.all_reduce %ne3A_403 {dim = 0 : i64, kind = #tpu.reduction_kind<find_first_set>} : vector<16xi1> -> vector<16xi32>
      %lt3A_405 = arith.constant 16 : i32
      %lt3A_406 = vector.broadcast %lt3A_405 : i32 to vector<16xi32>
      %lt3A_407 = arith.cmpi slt, %all_reduce_ffs3A_400, %lt3A_406 : vector<16xi32>
      %add3A_408 = arith.constant 16 : i32
      %add3A_409 = vector.broadcast %add3A_408 : i32 to vector<16xi32>
      %add3A_410 = arith.addi %add3A_409, %all_reduce_ffs3A_404 : vector<16xi32>
      %select_n3A_411 = arith.select %lt3A_407, %all_reduce_ffs3A_400, %add3A_410 : vector<16xi1>, vector<16xi32>
      %jit3A_412 = arith.constant 32 : i32
      %broadcast_in_dim3A_413 = vector.broadcast %jit3A_412 : i32 to vector<16xi32>
      %select_n3A_414 = arith.select %gt3A_380, %select_n3A_411, %broadcast_in_dim3A_413 : vector<16xi1>, vector<16xi32>
      %ne3A_415 = arith.constant 0 : i32
      %ne3A_416 = vector.broadcast %ne3A_415 : i32 to vector<16xi32>
      %ne3A_417 = arith.cmpi ne, %get3A_392, %ne3A_416 : vector<16xi32>
      %le3A_418 = arith.cmpi sle, %iota3A, %select_n3A_414 : vector<16xi32>
      %and3A_419 = arith.andi %ne3A_417, %le3A_418 : vector<16xi1>
      %all_reduce_population_count3A_420 = tpu.all_reduce %and3A_419 {dim = 0 : i64, kind = #tpu.reduction_kind<sum>} : vector<16xi1> -> vector<16xi32>
      %ne3A_421 = arith.constant 0 : i32
      %ne3A_422 = vector.broadcast %ne3A_421 : i32 to vector<16xi32>
      %ne3A_423 = arith.cmpi ne, %get3A_396, %ne3A_422 : vector<16xi32>
      %le3A_424 = arith.cmpi sle, %add3A_5, %select_n3A_414 : vector<16xi32>
      %and3A_425 = arith.andi %ne3A_423, %le3A_424 : vector<16xi1>
      %all_reduce_population_count3A_426 = tpu.all_reduce %and3A_425 {dim = 0 : i64, kind = #tpu.reduction_kind<sum>} : vector<16xi1> -> vector<16xi32>
      %add3A_427 = arith.addi %all_reduce_population_count3A_420, %all_reduce_population_count3A_426 : vector<16xi32>
      %gt3A_428 = arith.constant 0 : i32
      %gt3A_429 = vector.broadcast %gt3A_428 : i32 to vector<16xi32>
      %gt3A_430 = arith.cmpi sgt, %add3A_427, %gt3A_429 : vector<16xi32>
      %and3A_431 = arith.andi %gt3A_380, %gt3A_430 : vector<16xi1>
      %and3A_432 = arith.andi %eq3A_372, %and3A_431 : vector<16xi1>
      %jit3A_433 = arith.constant 0 : i32
      %broadcast_in_dim3A_434 = vector.broadcast %jit3A_433 : i32 to vector<16xi32>
      %select_n3A_435 = arith.select %and3A_432, %broadcast_in_dim3A_434, %select_n3A_365 : vector<16xi1>, vector<16xi32>
      %eq3A_436 = arith.cmpi eq, %iota3A, %select_n3A_414 : vector<16xi32>
      %jit3A_437 = arith.constant 0 : i32
      %broadcast_in_dim3A_438 = vector.broadcast %jit3A_437 : i32 to vector<16xi32>
      %select_n3A_439 = arith.select %eq3A_436, %broadcast_in_dim3A_438, %select_n3A_435 : vector<16xi1>, vector<16xi32>
      %eq3A_440 = arith.cmpi eq, %add3A_5, %select_n3A_414 : vector<16xi32>
      %jit3A_441 = arith.constant 0 : i32
      %broadcast_in_dim3A_442 = vector.broadcast %jit3A_441 : i32 to vector<16xi32>
      %select_n3A_443 = arith.select %eq3A_440, %broadcast_in_dim3A_442, %select_n3A_369 : vector<16xi1>, vector<16xi32>
      %eq3A_444 = arith.constant 6 : i32
      %eq3A_445 = vector.broadcast %eq3A_444 : i32 to vector<16xi32>
      %eq3A_446 = arith.cmpi eq, %iota3A, %eq3A_445 : vector<16xi32>
      %ne3A_447 = arith.constant 0 : i32
      %ne3A_448 = vector.broadcast %ne3A_447 : i32 to vector<16xi32>
      %ne3A_449 = arith.cmpi ne, %select_n3A_439, %ne3A_448 : vector<16xi32>
      %and3A_450 = arith.andi %eq3A_446, %ne3A_449 : vector<16xi1>
      %all_reduce_population_count3A_451 = tpu.all_reduce %and3A_450 {dim = 0 : i64, kind = #tpu.reduction_kind<sum>} : vector<16xi1> -> vector<16xi32>
      %gt3A_452 = arith.constant 0 : i32
      %gt3A_453 = vector.broadcast %gt3A_452 : i32 to vector<16xi32>
      %gt3A_454 = arith.cmpi sgt, %all_reduce_population_count3A_451, %gt3A_453 : vector<16xi32>
      %get3A_455 = arith.constant 1 : i32
      %get3A_456 = arith.index_cast %get3A_455 : i32 to index
      %get3A_457 = arith.constant 64 : index
      %get3A_458 = tpu.vector_load %arg5[%get3A_456, %get3A_457] {strides = array<i32>} : memref<8x128xi32, #tpu.memory_space<vmem>>, vector<16xi32>,
      %get3A_459 = arith.constant 1 : i32
      %get3A_460 = arith.index_cast %get3A_459 : i32 to index
      %get3A_461 = arith.constant 80 : index
      %get3A_462 = tpu.vector_load %arg5[%get3A_460, %get3A_461] {strides = array<i32>} : memref<8x128xi32, #tpu.memory_space<vmem>>, vector<16xi32>,
      %get3A_463 = arith.constant 1 : i32
      %get3A_464 = arith.index_cast %get3A_463 : i32 to index
      %get3A_465 = arith.constant 64 : index
      %get3A_466 = tpu.vector_load %arg6[%get3A_464, %get3A_465] {strides = array<i32>} : memref<8x128xi32, #tpu.memory_space<vmem>>, vector<16xi32>,
      %get3A_467 = arith.constant 1 : i32
      %get3A_468 = arith.index_cast %get3A_467 : i32 to index
      %get3A_469 = arith.constant 80 : index
      %get3A_470 = tpu.vector_load %arg6[%get3A_468, %get3A_469] {strides = array<i32>} : memref<8x128xi32, #tpu.memory_space<vmem>>, vector<16xi32>,
      %ne3A_471 = arith.constant 0 : i32
      %ne3A_472 = vector.broadcast %ne3A_471 : i32 to vector<16xi32>
      %ne3A_473 = arith.cmpi ne, %get3A_458, %ne3A_472 : vector<16xi32>
      %all_reduce_ffs3A_474 = tpu.all_reduce %ne3A_473 {dim = 0 : i64, kind = #tpu.reduction_kind<find_first_set>} : vector<16xi1> -> vector<16xi32>
      %ne3A_475 = arith.constant 0 : i32
      %ne3A_476 = vector.broadcast %ne3A_475 : i32 to vector<16xi32>
      %ne3A_477 = arith.cmpi ne, %get3A_462, %ne3A_476 : vector<16xi32>
      %all_reduce_ffs3A_478 = tpu.all_reduce %ne3A_477 {dim = 0 : i64, kind = #tpu.reduction_kind<find_first_set>} : vector<16xi1> -> vector<16xi32>
      %lt3A_479 = arith.constant 16 : i32
      %lt3A_480 = vector.broadcast %lt3A_479 : i32 to vector<16xi32>
      %lt3A_481 = arith.cmpi slt, %all_reduce_ffs3A_474, %lt3A_480 : vector<16xi32>
      %add3A_482 = arith.constant 16 : i32
      %add3A_483 = vector.broadcast %add3A_482 : i32 to vector<16xi32>
      %add3A_484 = arith.addi %add3A_483, %all_reduce_ffs3A_478 : vector<16xi32>
      %select_n3A_485 = arith.select %lt3A_481, %all_reduce_ffs3A_474, %add3A_484 : vector<16xi1>, vector<16xi32>
      %jit3A_486 = arith.constant 32 : i32
      %broadcast_in_dim3A_487 = vector.broadcast %jit3A_486 : i32 to vector<16xi32>
      %select_n3A_488 = arith.select %gt3A_454, %select_n3A_485, %broadcast_in_dim3A_487 : vector<16xi1>, vector<16xi32>
      %ne3A_489 = arith.constant 0 : i32
      %ne3A_490 = vector.broadcast %ne3A_489 : i32 to vector<16xi32>
      %ne3A_491 = arith.cmpi ne, %get3A_466, %ne3A_490 : vector<16xi32>
      %le3A_492 = arith.cmpi sle, %iota3A, %select_n3A_488 : vector<16xi32>
      %and3A_493 = arith.andi %ne3A_491, %le3A_492 : vector<16xi1>
      %all_reduce_population_count3A_494 = tpu.all_reduce %and3A_493 {dim = 0 : i64, kind = #tpu.reduction_kind<sum>} : vector<16xi1> -> vector<16xi32>
      %ne3A_495 = arith.constant 0 : i32
      %ne3A_496 = vector.broadcast %ne3A_495 : i32 to vector<16xi32>
      %ne3A_497 = arith.cmpi ne, %get3A_470, %ne3A_496 : vector<16xi32>
      %le3A_498 = arith.cmpi sle, %add3A_5, %select_n3A_488 : vector<16xi32>
      %and3A_499 = arith.andi %ne3A_497, %le3A_498 : vector<16xi1>
      %all_reduce_population_count3A_500 = tpu.all_reduce %and3A_499 {dim = 0 : i64, kind = #tpu.reduction_kind<sum>} : vector<16xi1> -> vector<16xi32>
      %add3A_501 = arith.addi %all_reduce_population_count3A_494, %all_reduce_population_count3A_500 : vector<16xi32>
      %gt3A_502 = arith.constant 0 : i32
      %gt3A_503 = vector.broadcast %gt3A_502 : i32 to vector<16xi32>
      %gt3A_504 = arith.cmpi sgt, %add3A_501, %gt3A_503 : vector<16xi32>
      %and3A_505 = arith.andi %gt3A_454, %gt3A_504 : vector<16xi1>
      %and3A_506 = arith.andi %eq3A_446, %and3A_505 : vector<16xi1>
      %jit3A_507 = arith.constant 0 : i32
      %broadcast_in_dim3A_508 = vector.broadcast %jit3A_507 : i32 to vector<16xi32>
      %select_n3A_509 = arith.select %and3A_506, %broadcast_in_dim3A_508, %select_n3A_439 : vector<16xi1>, vector<16xi32>
      %eq3A_510 = arith.cmpi eq, %iota3A, %select_n3A_488 : vector<16xi32>
      %jit3A_511 = arith.constant 0 : i32
      %broadcast_in_dim3A_512 = vector.broadcast %jit3A_511 : i32 to vector<16xi32>
      %select_n3A_513 = arith.select %eq3A_510, %broadcast_in_dim3A_512, %select_n3A_509 : vector<16xi1>, vector<16xi32>
      %eq3A_514 = arith.cmpi eq, %add3A_5, %select_n3A_488 : vector<16xi32>
      %jit3A_515 = arith.constant 0 : i32
      %broadcast_in_dim3A_516 = vector.broadcast %jit3A_515 : i32 to vector<16xi32>
      %select_n3A_517 = arith.select %eq3A_514, %broadcast_in_dim3A_516, %select_n3A_443 : vector<16xi1>, vector<16xi32>
      %eq3A_518 = arith.constant 7 : i32
      %eq3A_519 = vector.broadcast %eq3A_518 : i32 to vector<16xi32>
      %eq3A_520 = arith.cmpi eq, %iota3A, %eq3A_519 : vector<16xi32>
      %ne3A_521 = arith.constant 0 : i32
      %ne3A_522 = vector.broadcast %ne3A_521 : i32 to vector<16xi32>
      %ne3A_523 = arith.cmpi ne, %select_n3A_513, %ne3A_522 : vector<16xi32>
      %and3A_524 = arith.andi %eq3A_520, %ne3A_523 : vector<16xi1>
      %all_reduce_population_count3A_525 = tpu.all_reduce %and3A_524 {dim = 0 : i64, kind = #tpu.reduction_kind<sum>} : vector<16xi1> -> vector<16xi32>
      %gt3A_526 = arith.constant 0 : i32
      %gt3A_527 = vector.broadcast %gt3A_526 : i32 to vector<16xi32>
      %gt3A_528 = arith.cmpi sgt, %all_reduce_population_count3A_525, %gt3A_527 : vector<16xi32>
      %get3A_529 = arith.constant 1 : i32
      %get3A_530 = arith.index_cast %get3A_529 : i32 to index
      %get3A_531 = arith.constant 96 : index
      %get3A_532 = tpu.vector_load %arg5[%get3A_530, %get3A_531] {strides = array<i32>} : memref<8x128xi32, #tpu.memory_space<vmem>>, vector<16xi32>,
      %get3A_533 = arith.constant 1 : i32
      %get3A_534 = arith.index_cast %get3A_533 : i32 to index
      %get3A_535 = arith.constant 112 : index
      %get3A_536 = tpu.vector_load %arg5[%get3A_534, %get3A_535] {strides = array<i32>} : memref<8x128xi32, #tpu.memory_space<vmem>>, vector<16xi32>,
      %get3A_537 = arith.constant 1 : i32
      %get3A_538 = arith.index_cast %get3A_537 : i32 to index
      %get3A_539 = arith.constant 96 : index
      %get3A_540 = tpu.vector_load %arg6[%get3A_538, %get3A_539] {strides = array<i32>} : memref<8x128xi32, #tpu.memory_space<vmem>>, vector<16xi32>,
      %get3A_541 = arith.constant 1 : i32
      %get3A_542 = arith.index_cast %get3A_541 : i32 to index
      %get3A_543 = arith.constant 112 : index
      %get3A_544 = tpu.vector_load %arg6[%get3A_542, %get3A_543] {strides = array<i32>} : memref<8x128xi32, #tpu.memory_space<vmem>>, vector<16xi32>,
      %ne3A_545 = arith.constant 0 : i32
      %ne3A_546 = vector.broadcast %ne3A_545 : i32 to vector<16xi32>
      %ne3A_547 = arith.cmpi ne, %get3A_532, %ne3A_546 : vector<16xi32>
      %all_reduce_ffs3A_548 = tpu.all_reduce %ne3A_547 {dim = 0 : i64, kind = #tpu.reduction_kind<find_first_set>} : vector<16xi1> -> vector<16xi32>
      %ne3A_549 = arith.constant 0 : i32
      %ne3A_550 = vector.broadcast %ne3A_549 : i32 to vector<16xi32>
      %ne3A_551 = arith.cmpi ne, %get3A_536, %ne3A_550 : vector<16xi32>
      %all_reduce_ffs3A_552 = tpu.all_reduce %ne3A_551 {dim = 0 : i64, kind = #tpu.reduction_kind<find_first_set>} : vector<16xi1> -> vector<16xi32>
      %lt3A_553 = arith.constant 16 : i32
      %lt3A_554 = vector.broadcast %lt3A_553 : i32 to vector<16xi32>
      %lt3A_555 = arith.cmpi slt, %all_reduce_ffs3A_548, %lt3A_554 : vector<16xi32>
      %add3A_556 = arith.constant 16 : i32
      %add3A_557 = vector.broadcast %add3A_556 : i32 to vector<16xi32>
      %add3A_558 = arith.addi %add3A_557, %all_reduce_ffs3A_552 : vector<16xi32>
      %select_n3A_559 = arith.select %lt3A_555, %all_reduce_ffs3A_548, %add3A_558 : vector<16xi1>, vector<16xi32>
      %jit3A_560 = arith.constant 32 : i32
      %broadcast_in_dim3A_561 = vector.broadcast %jit3A_560 : i32 to vector<16xi32>
      %select_n3A_562 = arith.select %gt3A_528, %select_n3A_559, %broadcast_in_dim3A_561 : vector<16xi1>, vector<16xi32>
      %ne3A_563 = arith.constant 0 : i32
      %ne3A_564 = vector.broadcast %ne3A_563 : i32 to vector<16xi32>
      %ne3A_565 = arith.cmpi ne, %get3A_540, %ne3A_564 : vector<16xi32>
      %le3A_566 = arith.cmpi sle, %iota3A, %select_n3A_562 : vector<16xi32>
      %and3A_567 = arith.andi %ne3A_565, %le3A_566 : vector<16xi1>
      %all_reduce_population_count3A_568 = tpu.all_reduce %and3A_567 {dim = 0 : i64, kind = #tpu.reduction_kind<sum>} : vector<16xi1> -> vector<16xi32>
      %ne3A_569 = arith.constant 0 : i32
      %ne3A_570 = vector.broadcast %ne3A_569 : i32 to vector<16xi32>
      %ne3A_571 = arith.cmpi ne, %get3A_544, %ne3A_570 : vector<16xi32>
      %le3A_572 = arith.cmpi sle, %add3A_5, %select_n3A_562 : vector<16xi32>
      %and3A_573 = arith.andi %ne3A_571, %le3A_572 : vector<16xi1>
      %all_reduce_population_count3A_574 = tpu.all_reduce %and3A_573 {dim = 0 : i64, kind = #tpu.reduction_kind<sum>} : vector<16xi1> -> vector<16xi32>
      %add3A_575 = arith.addi %all_reduce_population_count3A_568, %all_reduce_population_count3A_574 : vector<16xi32>
      %gt3A_576 = arith.constant 0 : i32
      %gt3A_577 = vector.broadcast %gt3A_576 : i32 to vector<16xi32>
      %gt3A_578 = arith.cmpi sgt, %add3A_575, %gt3A_577 : vector<16xi32>
      %and3A_579 = arith.andi %gt3A_528, %gt3A_578 : vector<16xi1>
      %and3A_580 = arith.andi %eq3A_520, %and3A_579 : vector<16xi1>
      %jit3A_581 = arith.constant 0 : i32
      %broadcast_in_dim3A_582 = vector.broadcast %jit3A_581 : i32 to vector<16xi32>
      %select_n3A_583 = arith.select %and3A_580, %broadcast_in_dim3A_582, %select_n3A_513 : vector<16xi1>, vector<16xi32>
      %eq3A_584 = arith.cmpi eq, %iota3A, %select_n3A_562 : vector<16xi32>
      %jit3A_585 = arith.constant 0 : i32
      %broadcast_in_dim3A_586 = vector.broadcast %jit3A_585 : i32 to vector<16xi32>
      %select_n3A_587 = arith.select %eq3A_584, %broadcast_in_dim3A_586, %select_n3A_583 : vector<16xi1>, vector<16xi32>
      %eq3A_588 = arith.cmpi eq, %add3A_5, %select_n3A_562 : vector<16xi32>
      %jit3A_589 = arith.constant 0 : i32
      %broadcast_in_dim3A_590 = vector.broadcast %jit3A_589 : i32 to vector<16xi32>
      %select_n3A_591 = arith.select %eq3A_588, %broadcast_in_dim3A_590, %select_n3A_517 : vector<16xi1>, vector<16xi32>
      %eq3A_592 = arith.constant 8 : i32
      %eq3A_593 = vector.broadcast %eq3A_592 : i32 to vector<16xi32>
      %eq3A_594 = arith.cmpi eq, %iota3A, %eq3A_593 : vector<16xi32>
      %ne3A_595 = arith.constant 0 : i32
      %ne3A_596 = vector.broadcast %ne3A_595 : i32 to vector<16xi32>
      %ne3A_597 = arith.cmpi ne, %select_n3A_587, %ne3A_596 : vector<16xi32>
      %and3A_598 = arith.andi %eq3A_594, %ne3A_597 : vector<16xi1>
      %all_reduce_population_count3A_599 = tpu.all_reduce %and3A_598 {dim = 0 : i64, kind = #tpu.reduction_kind<sum>} : vector<16xi1> -> vector<16xi32>
      %gt3A_600 = arith.constant 0 : i32
      %gt3A_601 = vector.broadcast %gt3A_600 : i32 to vector<16xi32>
      %gt3A_602 = arith.cmpi sgt, %all_reduce_population_count3A_599, %gt3A_601 : vector<16xi32>
      %get3A_603 = arith.constant 2 : i32
      %get3A_604 = arith.index_cast %get3A_603 : i32 to index
      %get3A_605 = arith.constant 0 : index
      %get3A_606 = tpu.vector_load %arg5[%get3A_604, %get3A_605] {strides = array<i32>} : memref<8x128xi32, #tpu.memory_space<vmem>>, vector<16xi32>,
      %get3A_607 = arith.constant 2 : i32
      %get3A_608 = arith.index_cast %get3A_607 : i32 to index
      %get3A_609 = arith.constant 16 : index
      %get3A_610 = tpu.vector_load %arg5[%get3A_608, %get3A_609] {strides = array<i32>} : memref<8x128xi32, #tpu.memory_space<vmem>>, vector<16xi32>,
      %get3A_611 = arith.constant 2 : i32
      %get3A_612 = arith.index_cast %get3A_611 : i32 to index
      %get3A_613 = arith.constant 0 : index
      %get3A_614 = tpu.vector_load %arg6[%get3A_612, %get3A_613] {strides = array<i32>} : memref<8x128xi32, #tpu.memory_space<vmem>>, vector<16xi32>,
      %get3A_615 = arith.constant 2 : i32
      %get3A_616 = arith.index_cast %get3A_615 : i32 to index
      %get3A_617 = arith.constant 16 : index
      %get3A_618 = tpu.vector_load %arg6[%get3A_616, %get3A_617] {strides = array<i32>} : memref<8x128xi32, #tpu.memory_space<vmem>>, vector<16xi32>,
      %ne3A_619 = arith.constant 0 : i32
      %ne3A_620 = vector.broadcast %ne3A_619 : i32 to vector<16xi32>
      %ne3A_621 = arith.cmpi ne, %get3A_606, %ne3A_620 : vector<16xi32>
      %all_reduce_ffs3A_622 = tpu.all_reduce %ne3A_621 {dim = 0 : i64, kind = #tpu.reduction_kind<find_first_set>} : vector<16xi1> -> vector<16xi32>
      %ne3A_623 = arith.constant 0 : i32
      %ne3A_624 = vector.broadcast %ne3A_623 : i32 to vector<16xi32>
      %ne3A_625 = arith.cmpi ne, %get3A_610, %ne3A_624 : vector<16xi32>
      %all_reduce_ffs3A_626 = tpu.all_reduce %ne3A_625 {dim = 0 : i64, kind = #tpu.reduction_kind<find_first_set>} : vector<16xi1> -> vector<16xi32>
      %lt3A_627 = arith.constant 16 : i32
      %lt3A_628 = vector.broadcast %lt3A_627 : i32 to vector<16xi32>
      %lt3A_629 = arith.cmpi slt, %all_reduce_ffs3A_622, %lt3A_628 : vector<16xi32>
      %add3A_630 = arith.constant 16 : i32
      %add3A_631 = vector.broadcast %add3A_630 : i32 to vector<16xi32>
      %add3A_632 = arith.addi %add3A_631, %all_reduce_ffs3A_626 : vector<16xi32>
      %select_n3A_633 = arith.select %lt3A_629, %all_reduce_ffs3A_622, %add3A_632 : vector<16xi1>, vector<16xi32>
      %jit3A_634 = arith.constant 32 : i32
      %broadcast_in_dim3A_635 = vector.broadcast %jit3A_634 : i32 to vector<16xi32>
      %select_n3A_636 = arith.select %gt3A_602, %select_n3A_633, %broadcast_in_dim3A_635 : vector<16xi1>, vector<16xi32>
      %ne3A_637 = arith.constant 0 : i32
      %ne3A_638 = vector.broadcast %ne3A_637 : i32 to vector<16xi32>
      %ne3A_639 = arith.cmpi ne, %get3A_614, %ne3A_638 : vector<16xi32>
      %le3A_640 = arith.cmpi sle, %iota3A, %select_n3A_636 : vector<16xi32>
      %and3A_641 = arith.andi %ne3A_639, %le3A_640 : vector<16xi1>
      %all_reduce_population_count3A_642 = tpu.all_reduce %and3A_641 {dim = 0 : i64, kind = #tpu.reduction_kind<sum>} : vector<16xi1> -> vector<16xi32>
      %ne3A_643 = arith.constant 0 : i32
      %ne3A_644 = vector.broadcast %ne3A_643 : i32 to vector<16xi32>
      %ne3A_645 = arith.cmpi ne, %get3A_618, %ne3A_644 : vector<16xi32>
      %le3A_646 = arith.cmpi sle, %add3A_5, %select_n3A_636 : vector<16xi32>
      %and3A_647 = arith.andi %ne3A_645, %le3A_646 : vector<16xi1>
      %all_reduce_population_count3A_648 = tpu.all_reduce %and3A_647 {dim = 0 : i64, kind = #tpu.reduction_kind<sum>} : vector<16xi1> -> vector<16xi32>
      %add3A_649 = arith.addi %all_reduce_population_count3A_642, %all_reduce_population_count3A_648 : vector<16xi32>
      %gt3A_650 = arith.constant 0 : i32
      %gt3A_651 = vector.broadcast %gt3A_650 : i32 to vector<16xi32>
      %gt3A_652 = arith.cmpi sgt, %add3A_649, %gt3A_651 : vector<16xi32>
      %and3A_653 = arith.andi %gt3A_602, %gt3A_652 : vector<16xi1>
      %and3A_654 = arith.andi %eq3A_594, %and3A_653 : vector<16xi1>
      %jit3A_655 = arith.constant 0 : i32
      %broadcast_in_dim3A_656 = vector.broadcast %jit3A_655 : i32 to vector<16xi32>
      %select_n3A_657 = arith.select %and3A_654, %broadcast_in_dim3A_656, %select_n3A_587 : vector<16xi1>, vector<16xi32>
      %eq3A_658 = arith.cmpi eq, %iota3A, %select_n3A_636 : vector<16xi32>
      %jit3A_659 = arith.constant 0 : i32
      %broadcast_in_dim3A_660 = vector.broadcast %jit3A_659 : i32 to vector<16xi32>
      %select_n3A_661 = arith.select %eq3A_658, %broadcast_in_dim3A_660, %select_n3A_657 : vector<16xi1>, vector<16xi32>
      %eq3A_662 = arith.cmpi eq, %add3A_5, %select_n3A_636 : vector<16xi32>
      %jit3A_663 = arith.constant 0 : i32
      %broadcast_in_dim3A_664 = vector.broadcast %jit3A_663 : i32 to vector<16xi32>
      %select_n3A_665 = arith.select %eq3A_662, %broadcast_in_dim3A_664, %select_n3A_591 : vector<16xi1>, vector<16xi32>
      %eq3A_666 = arith.constant 9 : i32
      %eq3A_667 = vector.broadcast %eq3A_666 : i32 to vector<16xi32>
      %eq3A_668 = arith.cmpi eq, %iota3A, %eq3A_667 : vector<16xi32>
      %ne3A_669 = arith.constant 0 : i32
      %ne3A_670 = vector.broadcast %ne3A_669 : i32 to vector<16xi32>
      %ne3A_671 = arith.cmpi ne, %select_n3A_661, %ne3A_670 : vector<16xi32>
      %and3A_672 = arith.andi %eq3A_668, %ne3A_671 : vector<16xi1>
      %all_reduce_population_count3A_673 = tpu.all_reduce %and3A_672 {dim = 0 : i64, kind = #tpu.reduction_kind<sum>} : vector<16xi1> -> vector<16xi32>
      %gt3A_674 = arith.constant 0 : i32
      %gt3A_675 = vector.broadcast %gt3A_674 : i32 to vector<16xi32>
      %gt3A_676 = arith.cmpi sgt, %all_reduce_population_count3A_673, %gt3A_675 : vector<16xi32>
      %get3A_677 = arith.constant 2 : i32
      %get3A_678 = arith.index_cast %get3A_677 : i32 to index
      %get3A_679 = arith.constant 32 : index
      %get3A_680 = tpu.vector_load %arg5[%get3A_678, %get3A_679] {strides = array<i32>} : memref<8x128xi32, #tpu.memory_space<vmem>>, vector<16xi32>,
      %get3A_681 = arith.constant 2 : i32
      %get3A_682 = arith.index_cast %get3A_681 : i32 to index
      %get3A_683 = arith.constant 48 : index
      %get3A_684 = tpu.vector_load %arg5[%get3A_682, %get3A_683] {strides = array<i32>} : memref<8x128xi32, #tpu.memory_space<vmem>>, vector<16xi32>,
      %get3A_685 = arith.constant 2 : i32
      %get3A_686 = arith.index_cast %get3A_685 : i32 to index
      %get3A_687 = arith.constant 32 : index
      %get3A_688 = tpu.vector_load %arg6[%get3A_686, %get3A_687] {strides = array<i32>} : memref<8x128xi32, #tpu.memory_space<vmem>>, vector<16xi32>,
      %get3A_689 = arith.constant 2 : i32
      %get3A_690 = arith.index_cast %get3A_689 : i32 to index
      %get3A_691 = arith.constant 48 : index
      %get3A_692 = tpu.vector_load %arg6[%get3A_690, %get3A_691] {strides = array<i32>} : memref<8x128xi32, #tpu.memory_space<vmem>>, vector<16xi32>,
      %ne3A_693 = arith.constant 0 : i32
      %ne3A_694 = vector.broadcast %ne3A_693 : i32 to vector<16xi32>
      %ne3A_695 = arith.cmpi ne, %get3A_680, %ne3A_694 : vector<16xi32>
      %all_reduce_ffs3A_696 = tpu.all_reduce %ne3A_695 {dim = 0 : i64, kind = #tpu.reduction_kind<find_first_set>} : vector<16xi1> -> vector<16xi32>
      %ne3A_697 = arith.constant 0 : i32
      %ne3A_698 = vector.broadcast %ne3A_697 : i32 to vector<16xi32>
      %ne3A_699 = arith.cmpi ne, %get3A_684, %ne3A_698 : vector<16xi32>
      %all_reduce_ffs3A_700 = tpu.all_reduce %ne3A_699 {dim = 0 : i64, kind = #tpu.reduction_kind<find_first_set>} : vector<16xi1> -> vector<16xi32>
      %lt3A_701 = arith.constant 16 : i32
      %lt3A_702 = vector.broadcast %lt3A_701 : i32 to vector<16xi32>
      %lt3A_703 = arith.cmpi slt, %all_reduce_ffs3A_696, %lt3A_702 : vector<16xi32>
      %add3A_704 = arith.constant 16 : i32
      %add3A_705 = vector.broadcast %add3A_704 : i32 to vector<16xi32>
      %add3A_706 = arith.addi %add3A_705, %all_reduce_ffs3A_700 : vector<16xi32>
      %select_n3A_707 = arith.select %lt3A_703, %all_reduce_ffs3A_696, %add3A_706 : vector<16xi1>, vector<16xi32>
      %jit3A_708 = arith.constant 32 : i32
      %broadcast_in_dim3A_709 = vector.broadcast %jit3A_708 : i32 to vector<16xi32>
      %select_n3A_710 = arith.select %gt3A_676, %select_n3A_707, %broadcast_in_dim3A_709 : vector<16xi1>, vector<16xi32>
      %ne3A_711 = arith.constant 0 : i32
      %ne3A_712 = vector.broadcast %ne3A_711 : i32 to vector<16xi32>
      %ne3A_713 = arith.cmpi ne, %get3A_688, %ne3A_712 : vector<16xi32>
      %le3A_714 = arith.cmpi sle, %iota3A, %select_n3A_710 : vector<16xi32>
      %and3A_715 = arith.andi %ne3A_713, %le3A_714 : vector<16xi1>
      %all_reduce_population_count3A_716 = tpu.all_reduce %and3A_715 {dim = 0 : i64, kind = #tpu.reduction_kind<sum>} : vector<16xi1> -> vector<16xi32>
      %ne3A_717 = arith.constant 0 : i32
      %ne3A_718 = vector.broadcast %ne3A_717 : i32 to vector<16xi32>
      %ne3A_719 = arith.cmpi ne, %get3A_692, %ne3A_718 : vector<16xi32>
      %le3A_720 = arith.cmpi sle, %add3A_5, %select_n3A_710 : vector<16xi32>
      %and3A_721 = arith.andi %ne3A_719, %le3A_720 : vector<16xi1>
      %all_reduce_population_count3A_722 = tpu.all_reduce %and3A_721 {dim = 0 : i64, kind = #tpu.reduction_kind<sum>} : vector<16xi1> -> vector<16xi32>
      %add3A_723 = arith.addi %all_reduce_population_count3A_716, %all_reduce_population_count3A_722 : vector<16xi32>
      %gt3A_724 = arith.constant 0 : i32
      %gt3A_725 = vector.broadcast %gt3A_724 : i32 to vector<16xi32>
      %gt3A_726 = arith.cmpi sgt, %add3A_723, %gt3A_725 : vector<16xi32>
      %and3A_727 = arith.andi %gt3A_676, %gt3A_726 : vector<16xi1>
      %and3A_728 = arith.andi %eq3A_668, %and3A_727 : vector<16xi1>
      %jit3A_729 = arith.constant 0 : i32
      %broadcast_in_dim3A_730 = vector.broadcast %jit3A_729 : i32 to vector<16xi32>
      %select_n3A_731 = arith.select %and3A_728, %broadcast_in_dim3A_730, %select_n3A_661 : vector<16xi1>, vector<16xi32>
      %eq3A_732 = arith.cmpi eq, %iota3A, %select_n3A_710 : vector<16xi32>
      %jit3A_733 = arith.constant 0 : i32
      %broadcast_in_dim3A_734 = vector.broadcast %jit3A_733 : i32 to vector<16xi32>
      %select_n3A_735 = arith.select %eq3A_732, %broadcast_in_dim3A_734, %select_n3A_731 : vector<16xi1>, vector<16xi32>
      %eq3A_736 = arith.cmpi eq, %add3A_5, %select_n3A_710 : vector<16xi32>
      %jit3A_737 = arith.constant 0 : i32
      %broadcast_in_dim3A_738 = vector.broadcast %jit3A_737 : i32 to vector<16xi32>
      %select_n3A_739 = arith.select %eq3A_736, %broadcast_in_dim3A_738, %select_n3A_665 : vector<16xi1>, vector<16xi32>
      %eq3A_740 = arith.constant 10 : i32
      %eq3A_741 = vector.broadcast %eq3A_740 : i32 to vector<16xi32>
      %eq3A_742 = arith.cmpi eq, %iota3A, %eq3A_741 : vector<16xi32>
      %ne3A_743 = arith.constant 0 : i32
      %ne3A_744 = vector.broadcast %ne3A_743 : i32 to vector<16xi32>
      %ne3A_745 = arith.cmpi ne, %select_n3A_735, %ne3A_744 : vector<16xi32>
      %and3A_746 = arith.andi %eq3A_742, %ne3A_745 : vector<16xi1>
      %all_reduce_population_count3A_747 = tpu.all_reduce %and3A_746 {dim = 0 : i64, kind = #tpu.reduction_kind<sum>} : vector<16xi1> -> vector<16xi32>
      %gt3A_748 = arith.constant 0 : i32
      %gt3A_749 = vector.broadcast %gt3A_748 : i32 to vector<16xi32>
      %gt3A_750 = arith.cmpi sgt, %all_reduce_population_count3A_747, %gt3A_749 : vector<16xi32>
      %get3A_751 = arith.constant 2 : i32
      %get3A_752 = arith.index_cast %get3A_751 : i32 to index
      %get3A_753 = arith.constant 64 : index
      %get3A_754 = tpu.vector_load %arg5[%get3A_752, %get3A_753] {strides = array<i32>} : memref<8x128xi32, #tpu.memory_space<vmem>>, vector<16xi32>,
      %get3A_755 = arith.constant 2 : i32
      %get3A_756 = arith.index_cast %get3A_755 : i32 to index
      %get3A_757 = arith.constant 80 : index
      %get3A_758 = tpu.vector_load %arg5[%get3A_756, %get3A_757] {strides = array<i32>} : memref<8x128xi32, #tpu.memory_space<vmem>>, vector<16xi32>,
      %get3A_759 = arith.constant 2 : i32
      %get3A_760 = arith.index_cast %get3A_759 : i32 to index
      %get3A_761 = arith.constant 64 : index
      %get3A_762 = tpu.vector_load %arg6[%get3A_760, %get3A_761] {strides = array<i32>} : memref<8x128xi32, #tpu.memory_space<vmem>>, vector<16xi32>,
      %get3A_763 = arith.constant 2 : i32
      %get3A_764 = arith.index_cast %get3A_763 : i32 to index
      %get3A_765 = arith.constant 80 : index
      %get3A_766 = tpu.vector_load %arg6[%get3A_764, %get3A_765] {strides = array<i32>} : memref<8x128xi32, #tpu.memory_space<vmem>>, vector<16xi32>,
      %ne3A_767 = arith.constant 0 : i32
      %ne3A_768 = vector.broadcast %ne3A_767 : i32 to vector<16xi32>
      %ne3A_769 = arith.cmpi ne, %get3A_754, %ne3A_768 : vector<16xi32>
      %all_reduce_ffs3A_770 = tpu.all_reduce %ne3A_769 {dim = 0 : i64, kind = #tpu.reduction_kind<find_first_set>} : vector<16xi1> -> vector<16xi32>
      %ne3A_771 = arith.constant 0 : i32
      %ne3A_772 = vector.broadcast %ne3A_771 : i32 to vector<16xi32>
      %ne3A_773 = arith.cmpi ne, %get3A_758, %ne3A_772 : vector<16xi32>
      %all_reduce_ffs3A_774 = tpu.all_reduce %ne3A_773 {dim = 0 : i64, kind = #tpu.reduction_kind<find_first_set>} : vector<16xi1> -> vector<16xi32>
      %lt3A_775 = arith.constant 16 : i32
      %lt3A_776 = vector.broadcast %lt3A_775 : i32 to vector<16xi32>
      %lt3A_777 = arith.cmpi slt, %all_reduce_ffs3A_770, %lt3A_776 : vector<16xi32>
      %add3A_778 = arith.constant 16 : i32
      %add3A_779 = vector.broadcast %add3A_778 : i32 to vector<16xi32>
      %add3A_780 = arith.addi %add3A_779, %all_reduce_ffs3A_774 : vector<16xi32>
      %select_n3A_781 = arith.select %lt3A_777, %all_reduce_ffs3A_770, %add3A_780 : vector<16xi1>, vector<16xi32>
      %jit3A_782 = arith.constant 32 : i32
      %broadcast_in_dim3A_783 = vector.broadcast %jit3A_782 : i32 to vector<16xi32>
      %select_n3A_784 = arith.select %gt3A_750, %select_n3A_781, %broadcast_in_dim3A_783 : vector<16xi1>, vector<16xi32>
      %ne3A_785 = arith.constant 0 : i32
      %ne3A_786 = vector.broadcast %ne3A_785 : i32 to vector<16xi32>
      %ne3A_787 = arith.cmpi ne, %get3A_762, %ne3A_786 : vector<16xi32>
      %le3A_788 = arith.cmpi sle, %iota3A, %select_n3A_784 : vector<16xi32>
      %and3A_789 = arith.andi %ne3A_787, %le3A_788 : vector<16xi1>
      %all_reduce_population_count3A_790 = tpu.all_reduce %and3A_789 {dim = 0 : i64, kind = #tpu.reduction_kind<sum>} : vector<16xi1> -> vector<16xi32>
      %ne3A_791 = arith.constant 0 : i32
      %ne3A_792 = vector.broadcast %ne3A_791 : i32 to vector<16xi32>
      %ne3A_793 = arith.cmpi ne, %get3A_766, %ne3A_792 : vector<16xi32>
      %le3A_794 = arith.cmpi sle, %add3A_5, %select_n3A_784 : vector<16xi32>
      %and3A_795 = arith.andi %ne3A_793, %le3A_794 : vector<16xi1>
      %all_reduce_population_count3A_796 = tpu.all_reduce %and3A_795 {dim = 0 : i64, kind = #tpu.reduction_kind<sum>} : vector<16xi1> -> vector<16xi32>
      %add3A_797 = arith.addi %all_reduce_population_count3A_790, %all_reduce_population_count3A_796 : vector<16xi32>
      %gt3A_798 = arith.constant 0 : i32
      %gt3A_799 = vector.broadcast %gt3A_798 : i32 to vector<16xi32>
      %gt3A_800 = arith.cmpi sgt, %add3A_797, %gt3A_799 : vector<16xi32>
      %and3A_801 = arith.andi %gt3A_750, %gt3A_800 : vector<16xi1>
      %and3A_802 = arith.andi %eq3A_742, %and3A_801 : vector<16xi1>
      %jit3A_803 = arith.constant 0 : i32
      %broadcast_in_dim3A_804 = vector.broadcast %jit3A_803 : i32 to vector<16xi32>
      %select_n3A_805 = arith.select %and3A_802, %broadcast_in_dim3A_804, %select_n3A_735 : vector<16xi1>, vector<16xi32>
      %eq3A_806 = arith.cmpi eq, %iota3A, %select_n3A_784 : vector<16xi32>
      %jit3A_807 = arith.constant 0 : i32
      %broadcast_in_dim3A_808 = vector.broadcast %jit3A_807 : i32 to vector<16xi32>
      %select_n3A_809 = arith.select %eq3A_806, %broadcast_in_dim3A_808, %select_n3A_805 : vector<16xi1>, vector<16xi32>
      %eq3A_810 = arith.cmpi eq, %add3A_5, %select_n3A_784 : vector<16xi32>
      %jit3A_811 = arith.constant 0 : i32
      %broadcast_in_dim3A_812 = vector.broadcast %jit3A_811 : i32 to vector<16xi32>
      %select_n3A_813 = arith.select %eq3A_810, %broadcast_in_dim3A_812, %select_n3A_739 : vector<16xi1>, vector<16xi32>
      %eq3A_814 = arith.constant 11 : i32
      %eq3A_815 = vector.broadcast %eq3A_814 : i32 to vector<16xi32>
      %eq3A_816 = arith.cmpi eq, %iota3A, %eq3A_815 : vector<16xi32>
      %ne3A_817 = arith.constant 0 : i32
      %ne3A_818 = vector.broadcast %ne3A_817 : i32 to vector<16xi32>
      %ne3A_819 = arith.cmpi ne, %select_n3A_809, %ne3A_818 : vector<16xi32>
      %and3A_820 = arith.andi %eq3A_816, %ne3A_819 : vector<16xi1>
      %all_reduce_population_count3A_821 = tpu.all_reduce %and3A_820 {dim = 0 : i64, kind = #tpu.reduction_kind<sum>} : vector<16xi1> -> vector<16xi32>
      %gt3A_822 = arith.constant 0 : i32
      %gt3A_823 = vector.broadcast %gt3A_822 : i32 to vector<16xi32>
      %gt3A_824 = arith.cmpi sgt, %all_reduce_population_count3A_821, %gt3A_823 : vector<16xi32>
      %get3A_825 = arith.constant 2 : i32
      %get3A_826 = arith.index_cast %get3A_825 : i32 to index
      %get3A_827 = arith.constant 96 : index
      %get3A_828 = tpu.vector_load %arg5[%get3A_826, %get3A_827] {strides = array<i32>} : memref<8x128xi32, #tpu.memory_space<vmem>>, vector<16xi32>,
      %get3A_829 = arith.constant 2 : i32
      %get3A_830 = arith.index_cast %get3A_829 : i32 to index
      %get3A_831 = arith.constant 112 : index
      %get3A_832 = tpu.vector_load %arg5[%get3A_830, %get3A_831] {strides = array<i32>} : memref<8x128xi32, #tpu.memory_space<vmem>>, vector<16xi32>,
      %get3A_833 = arith.constant 2 : i32
      %get3A_834 = arith.index_cast %get3A_833 : i32 to index
      %get3A_835 = arith.constant 96 : index
      %get3A_836 = tpu.vector_load %arg6[%get3A_834, %get3A_835] {strides = array<i32>} : memref<8x128xi32, #tpu.memory_space<vmem>>, vector<16xi32>,
      %get3A_837 = arith.constant 2 : i32
      %get3A_838 = arith.index_cast %get3A_837 : i32 to index
      %get3A_839 = arith.constant 112 : index
      %get3A_840 = tpu.vector_load %arg6[%get3A_838, %get3A_839] {strides = array<i32>} : memref<8x128xi32, #tpu.memory_space<vmem>>, vector<16xi32>,
      %ne3A_841 = arith.constant 0 : i32
      %ne3A_842 = vector.broadcast %ne3A_841 : i32 to vector<16xi32>
      %ne3A_843 = arith.cmpi ne, %get3A_828, %ne3A_842 : vector<16xi32>
      %all_reduce_ffs3A_844 = tpu.all_reduce %ne3A_843 {dim = 0 : i64, kind = #tpu.reduction_kind<find_first_set>} : vector<16xi1> -> vector<16xi32>
      %ne3A_845 = arith.constant 0 : i32
      %ne3A_846 = vector.broadcast %ne3A_845 : i32 to vector<16xi32>
      %ne3A_847 = arith.cmpi ne, %get3A_832, %ne3A_846 : vector<16xi32>
      %all_reduce_ffs3A_848 = tpu.all_reduce %ne3A_847 {dim = 0 : i64, kind = #tpu.reduction_kind<find_first_set>} : vector<16xi1> -> vector<16xi32>
      %lt3A_849 = arith.constant 16 : i32
      %lt3A_850 = vector.broadcast %lt3A_849 : i32 to vector<16xi32>
      %lt3A_851 = arith.cmpi slt, %all_reduce_ffs3A_844, %lt3A_850 : vector<16xi32>
      %add3A_852 = arith.constant 16 : i32
      %add3A_853 = vector.broadcast %add3A_852 : i32 to vector<16xi32>
      %add3A_854 = arith.addi %add3A_853, %all_reduce_ffs3A_848 : vector<16xi32>
      %select_n3A_855 = arith.select %lt3A_851, %all_reduce_ffs3A_844, %add3A_854 : vector<16xi1>, vector<16xi32>
      %jit3A_856 = arith.constant 32 : i32
      %broadcast_in_dim3A_857 = vector.broadcast %jit3A_856 : i32 to vector<16xi32>
      %select_n3A_858 = arith.select %gt3A_824, %select_n3A_855, %broadcast_in_dim3A_857 : vector<16xi1>, vector<16xi32>
      %ne3A_859 = arith.constant 0 : i32
      %ne3A_860 = vector.broadcast %ne3A_859 : i32 to vector<16xi32>
      %ne3A_861 = arith.cmpi ne, %get3A_836, %ne3A_860 : vector<16xi32>
      %le3A_862 = arith.cmpi sle, %iota3A, %select_n3A_858 : vector<16xi32>
      %and3A_863 = arith.andi %ne3A_861, %le3A_862 : vector<16xi1>
      %all_reduce_population_count3A_864 = tpu.all_reduce %and3A_863 {dim = 0 : i64, kind = #tpu.reduction_kind<sum>} : vector<16xi1> -> vector<16xi32>
      %ne3A_865 = arith.constant 0 : i32
      %ne3A_866 = vector.broadcast %ne3A_865 : i32 to vector<16xi32>
      %ne3A_867 = arith.cmpi ne, %get3A_840, %ne3A_866 : vector<16xi32>
      %le3A_868 = arith.cmpi sle, %add3A_5, %select_n3A_858 : vector<16xi32>
      %and3A_869 = arith.andi %ne3A_867, %le3A_868 : vector<16xi1>
      %all_reduce_population_count3A_870 = tpu.all_reduce %and3A_869 {dim = 0 : i64, kind = #tpu.reduction_kind<sum>} : vector<16xi1> -> vector<16xi32>
      %add3A_871 = arith.addi %all_reduce_population_count3A_864, %all_reduce_population_count3A_870 : vector<16xi32>
      %gt3A_872 = arith.constant 0 : i32
      %gt3A_873 = vector.broadcast %gt3A_872 : i32 to vector<16xi32>
      %gt3A_874 = arith.cmpi sgt, %add3A_871, %gt3A_873 : vector<16xi32>
      %and3A_875 = arith.andi %gt3A_824, %gt3A_874 : vector<16xi1>
      %and3A_876 = arith.andi %eq3A_816, %and3A_875 : vector<16xi1>
      %jit3A_877 = arith.constant 0 : i32
      %broadcast_in_dim3A_878 = vector.broadcast %jit3A_877 : i32 to vector<16xi32>
      %select_n3A_879 = arith.select %and3A_876, %broadcast_in_dim3A_878, %select_n3A_809 : vector<16xi1>, vector<16xi32>
      %eq3A_880 = arith.cmpi eq, %iota3A, %select_n3A_858 : vector<16xi32>
      %jit3A_881 = arith.constant 0 : i32
      %broadcast_in_dim3A_882 = vector.broadcast %jit3A_881 : i32 to vector<16xi32>
      %select_n3A_883 = arith.select %eq3A_880, %broadcast_in_dim3A_882, %select_n3A_879 : vector<16xi1>, vector<16xi32>
      %eq3A_884 = arith.cmpi eq, %add3A_5, %select_n3A_858 : vector<16xi32>
      %jit3A_885 = arith.constant 0 : i32
      %broadcast_in_dim3A_886 = vector.broadcast %jit3A_885 : i32 to vector<16xi32>
      %select_n3A_887 = arith.select %eq3A_884, %broadcast_in_dim3A_886, %select_n3A_813 : vector<16xi1>, vector<16xi32>
      %eq3A_888 = arith.constant 12 : i32
      %eq3A_889 = vector.broadcast %eq3A_888 : i32 to vector<16xi32>
      %eq3A_890 = arith.cmpi eq, %iota3A, %eq3A_889 : vector<16xi32>
      %ne3A_891 = arith.constant 0 : i32
      %ne3A_892 = vector.broadcast %ne3A_891 : i32 to vector<16xi32>
      %ne3A_893 = arith.cmpi ne, %select_n3A_883, %ne3A_892 : vector<16xi32>
      %and3A_894 = arith.andi %eq3A_890, %ne3A_893 : vector<16xi1>
      %all_reduce_population_count3A_895 = tpu.all_reduce %and3A_894 {dim = 0 : i64, kind = #tpu.reduction_kind<sum>} : vector<16xi1> -> vector<16xi32>
      %gt3A_896 = arith.constant 0 : i32
      %gt3A_897 = vector.broadcast %gt3A_896 : i32 to vector<16xi32>
      %gt3A_898 = arith.cmpi sgt, %all_reduce_population_count3A_895, %gt3A_897 : vector<16xi32>
      %get3A_899 = arith.constant 3 : i32
      %get3A_900 = arith.index_cast %get3A_899 : i32 to index
      %get3A_901 = arith.constant 0 : index
      %get3A_902 = tpu.vector_load %arg5[%get3A_900, %get3A_901] {strides = array<i32>} : memref<8x128xi32, #tpu.memory_space<vmem>>, vector<16xi32>,
      %get3A_903 = arith.constant 3 : i32
      %get3A_904 = arith.index_cast %get3A_903 : i32 to index
      %get3A_905 = arith.constant 16 : index
      %get3A_906 = tpu.vector_load %arg5[%get3A_904, %get3A_905] {strides = array<i32>} : memref<8x128xi32, #tpu.memory_space<vmem>>, vector<16xi32>,
      %get3A_907 = arith.constant 3 : i32
      %get3A_908 = arith.index_cast %get3A_907 : i32 to index
      %get3A_909 = arith.constant 0 : index
      %get3A_910 = tpu.vector_load %arg6[%get3A_908, %get3A_909] {strides = array<i32>} : memref<8x128xi32, #tpu.memory_space<vmem>>, vector<16xi32>,
      %get3A_911 = arith.constant 3 : i32
      %get3A_912 = arith.index_cast %get3A_911 : i32 to index
      %get3A_913 = arith.constant 16 : index
      %get3A_914 = tpu.vector_load %arg6[%get3A_912, %get3A_913] {strides = array<i32>} : memref<8x128xi32, #tpu.memory_space<vmem>>, vector<16xi32>,
      %ne3A_915 = arith.constant 0 : i32
      %ne3A_916 = vector.broadcast %ne3A_915 : i32 to vector<16xi32>
      %ne3A_917 = arith.cmpi ne, %get3A_902, %ne3A_916 : vector<16xi32>
      %all_reduce_ffs3A_918 = tpu.all_reduce %ne3A_917 {dim = 0 : i64, kind = #tpu.reduction_kind<find_first_set>} : vector<16xi1> -> vector<16xi32>
      %ne3A_919 = arith.constant 0 : i32
      %ne3A_920 = vector.broadcast %ne3A_919 : i32 to vector<16xi32>
      %ne3A_921 = arith.cmpi ne, %get3A_906, %ne3A_920 : vector<16xi32>
      %all_reduce_ffs3A_922 = tpu.all_reduce %ne3A_921 {dim = 0 : i64, kind = #tpu.reduction_kind<find_first_set>} : vector<16xi1> -> vector<16xi32>
      %lt3A_923 = arith.constant 16 : i32
      %lt3A_924 = vector.broadcast %lt3A_923 : i32 to vector<16xi32>
      %lt3A_925 = arith.cmpi slt, %all_reduce_ffs3A_918, %lt3A_924 : vector<16xi32>
      %add3A_926 = arith.constant 16 : i32
      %add3A_927 = vector.broadcast %add3A_926 : i32 to vector<16xi32>
      %add3A_928 = arith.addi %add3A_927, %all_reduce_ffs3A_922 : vector<16xi32>
      %select_n3A_929 = arith.select %lt3A_925, %all_reduce_ffs3A_918, %add3A_928 : vector<16xi1>, vector<16xi32>
      %jit3A_930 = arith.constant 32 : i32
      %broadcast_in_dim3A_931 = vector.broadcast %jit3A_930 : i32 to vector<16xi32>
      %select_n3A_932 = arith.select %gt3A_898, %select_n3A_929, %broadcast_in_dim3A_931 : vector<16xi1>, vector<16xi32>
      %ne3A_933 = arith.constant 0 : i32
      %ne3A_934 = vector.broadcast %ne3A_933 : i32 to vector<16xi32>
      %ne3A_935 = arith.cmpi ne, %get3A_910, %ne3A_934 : vector<16xi32>
      %le3A_936 = arith.cmpi sle, %iota3A, %select_n3A_932 : vector<16xi32>
      %and3A_937 = arith.andi %ne3A_935, %le3A_936 : vector<16xi1>
      %all_reduce_population_count3A_938 = tpu.all_reduce %and3A_937 {dim = 0 : i64, kind = #tpu.reduction_kind<sum>} : vector<16xi1> -> vector<16xi32>
      %ne3A_939 = arith.constant 0 : i32
      %ne3A_940 = vector.broadcast %ne3A_939 : i32 to vector<16xi32>
      %ne3A_941 = arith.cmpi ne, %get3A_914, %ne3A_940 : vector<16xi32>
      %le3A_942 = arith.cmpi sle, %add3A_5, %select_n3A_932 : vector<16xi32>
      %and3A_943 = arith.andi %ne3A_941, %le3A_942 : vector<16xi1>
      %all_reduce_population_count3A_944 = tpu.all_reduce %and3A_943 {dim = 0 : i64, kind = #tpu.reduction_kind<sum>} : vector<16xi1> -> vector<16xi32>
      %add3A_945 = arith.addi %all_reduce_population_count3A_938, %all_reduce_population_count3A_944 : vector<16xi32>
      %gt3A_946 = arith.constant 0 : i32
      %gt3A_947 = vector.broadcast %gt3A_946 : i32 to vector<16xi32>
      %gt3A_948 = arith.cmpi sgt, %add3A_945, %gt3A_947 : vector<16xi32>
      %and3A_949 = arith.andi %gt3A_898, %gt3A_948 : vector<16xi1>
      %and3A_950 = arith.andi %eq3A_890, %and3A_949 : vector<16xi1>
      %jit3A_951 = arith.constant 0 : i32
      %broadcast_in_dim3A_952 = vector.broadcast %jit3A_951 : i32 to vector<16xi32>
      %select_n3A_953 = arith.select %and3A_950, %broadcast_in_dim3A_952, %select_n3A_883 : vector<16xi1>, vector<16xi32>
      %eq3A_954 = arith.cmpi eq, %iota3A, %select_n3A_932 : vector<16xi32>
      %jit3A_955 = arith.constant 0 : i32
      %broadcast_in_dim3A_956 = vector.broadcast %jit3A_955 : i32 to vector<16xi32>
      %select_n3A_957 = arith.select %eq3A_954, %broadcast_in_dim3A_956, %select_n3A_953 : vector<16xi1>, vector<16xi32>
      %eq3A_958 = arith.cmpi eq, %add3A_5, %select_n3A_932 : vector<16xi32>
      %jit3A_959 = arith.constant 0 : i32
      %broadcast_in_dim3A_960 = vector.broadcast %jit3A_959 : i32 to vector<16xi32>
      %select_n3A_961 = arith.select %eq3A_958, %broadcast_in_dim3A_960, %select_n3A_887 : vector<16xi1>, vector<16xi32>
      %eq3A_962 = arith.constant 13 : i32
      %eq3A_963 = vector.broadcast %eq3A_962 : i32 to vector<16xi32>
      %eq3A_964 = arith.cmpi eq, %iota3A, %eq3A_963 : vector<16xi32>
      %ne3A_965 = arith.constant 0 : i32
      %ne3A_966 = vector.broadcast %ne3A_965 : i32 to vector<16xi32>
      %ne3A_967 = arith.cmpi ne, %select_n3A_957, %ne3A_966 : vector<16xi32>
      %and3A_968 = arith.andi %eq3A_964, %ne3A_967 : vector<16xi1>
      %all_reduce_population_count3A_969 = tpu.all_reduce %and3A_968 {dim = 0 : i64, kind = #tpu.reduction_kind<sum>} : vector<16xi1> -> vector<16xi32>
      %gt3A_970 = arith.constant 0 : i32
      %gt3A_971 = vector.broadcast %gt3A_970 : i32 to vector<16xi32>
      %gt3A_972 = arith.cmpi sgt, %all_reduce_population_count3A_969, %gt3A_971 : vector<16xi32>
      %get3A_973 = arith.constant 3 : i32
      %get3A_974 = arith.index_cast %get3A_973 : i32 to index
      %get3A_975 = arith.constant 32 : index
      %get3A_976 = tpu.vector_load %arg5[%get3A_974, %get3A_975] {strides = array<i32>} : memref<8x128xi32, #tpu.memory_space<vmem>>, vector<16xi32>,
      %get3A_977 = arith.constant 3 : i32
      %get3A_978 = arith.index_cast %get3A_977 : i32 to index
      %get3A_979 = arith.constant 48 : index
      %get3A_980 = tpu.vector_load %arg5[%get3A_978, %get3A_979] {strides = array<i32>} : memref<8x128xi32, #tpu.memory_space<vmem>>, vector<16xi32>,
      %get3A_981 = arith.constant 3 : i32
      %get3A_982 = arith.index_cast %get3A_981 : i32 to index
      %get3A_983 = arith.constant 32 : index
      %get3A_984 = tpu.vector_load %arg6[%get3A_982, %get3A_983] {strides = array<i32>} : memref<8x128xi32, #tpu.memory_space<vmem>>, vector<16xi32>,
      %get3A_985 = arith.constant 3 : i32
      %get3A_986 = arith.index_cast %get3A_985 : i32 to index
      %get3A_987 = arith.constant 48 : index
      %get3A_988 = tpu.vector_load %arg6[%get3A_986, %get3A_987] {strides = array<i32>} : memref<8x128xi32, #tpu.memory_space<vmem>>, vector<16xi32>,
      %ne3A_989 = arith.constant 0 : i32
      %ne3A_990 = vector.broadcast %ne3A_989 : i32 to vector<16xi32>
      %ne3A_991 = arith.cmpi ne, %get3A_976, %ne3A_990 : vector<16xi32>
      %all_reduce_ffs3A_992 = tpu.all_reduce %ne3A_991 {dim = 0 : i64, kind = #tpu.reduction_kind<find_first_set>} : vector<16xi1> -> vector<16xi32>
      %ne3A_993 = arith.constant 0 : i32
      %ne3A_994 = vector.broadcast %ne3A_993 : i32 to vector<16xi32>
      %ne3A_995 = arith.cmpi ne, %get3A_980, %ne3A_994 : vector<16xi32>
      %all_reduce_ffs3A_996 = tpu.all_reduce %ne3A_995 {dim = 0 : i64, kind = #tpu.reduction_kind<find_first_set>} : vector<16xi1> -> vector<16xi32>
      %lt3A_997 = arith.constant 16 : i32
      %lt3A_998 = vector.broadcast %lt3A_997 : i32 to vector<16xi32>
      %lt3A_999 = arith.cmpi slt, %all_reduce_ffs3A_992, %lt3A_998 : vector<16xi32>
      %add3A_1000 = arith.constant 16 : i32
      %add3A_1001 = vector.broadcast %add3A_1000 : i32 to vector<16xi32>
      %add3A_1002 = arith.addi %add3A_1001, %all_reduce_ffs3A_996 : vector<16xi32>
      %select_n3A_1003 = arith.select %lt3A_999, %all_reduce_ffs3A_992, %add3A_1002 : vector<16xi1>, vector<16xi32>
      %jit3A_1004 = arith.constant 32 : i32
      %broadcast_in_dim3A_1005 = vector.broadcast %jit3A_1004 : i32 to vector<16xi32>
      %select_n3A_1006 = arith.select %gt3A_972, %select_n3A_1003, %broadcast_in_dim3A_1005 : vector<16xi1>, vector<16xi32>
      %ne3A_1007 = arith.constant 0 : i32
      %ne3A_1008 = vector.broadcast %ne3A_1007 : i32 to vector<16xi32>
      %ne3A_1009 = arith.cmpi ne, %get3A_984, %ne3A_1008 : vector<16xi32>
      %le3A_1010 = arith.cmpi sle, %iota3A, %select_n3A_1006 : vector<16xi32>
      %and3A_1011 = arith.andi %ne3A_1009, %le3A_1010 : vector<16xi1>
      %all_reduce_population_count3A_1012 = tpu.all_reduce %and3A_1011 {dim = 0 : i64, kind = #tpu.reduction_kind<sum>} : vector<16xi1> -> vector<16xi32>
      %ne3A_1013 = arith.constant 0 : i32
      %ne3A_1014 = vector.broadcast %ne3A_1013 : i32 to vector<16xi32>
      %ne3A_1015 = arith.cmpi ne, %get3A_988, %ne3A_1014 : vector<16xi32>
      %le3A_1016 = arith.cmpi sle, %add3A_5, %select_n3A_1006 : vector<16xi32>
      %and3A_1017 = arith.andi %ne3A_1015, %le3A_1016 : vector<16xi1>
      %all_reduce_population_count3A_1018 = tpu.all_reduce %and3A_1017 {dim = 0 : i64, kind = #tpu.reduction_kind<sum>} : vector<16xi1> -> vector<16xi32>
      %add3A_1019 = arith.addi %all_reduce_population_count3A_1012, %all_reduce_population_count3A_1018 : vector<16xi32>
      %gt3A_1020 = arith.constant 0 : i32
      %gt3A_1021 = vector.broadcast %gt3A_1020 : i32 to vector<16xi32>
      %gt3A_1022 = arith.cmpi sgt, %add3A_1019, %gt3A_1021 : vector<16xi32>
      %and3A_1023 = arith.andi %gt3A_972, %gt3A_1022 : vector<16xi1>
      %and3A_1024 = arith.andi %eq3A_964, %and3A_1023 : vector<16xi1>
      %jit3A_1025 = arith.constant 0 : i32
      %broadcast_in_dim3A_1026 = vector.broadcast %jit3A_1025 : i32 to vector<16xi32>
      %select_n3A_1027 = arith.select %and3A_1024, %broadcast_in_dim3A_1026, %select_n3A_957 : vector<16xi1>, vector<16xi32>
      %eq3A_1028 = arith.cmpi eq, %iota3A, %select_n3A_1006 : vector<16xi32>
      %jit3A_1029 = arith.constant 0 : i32
      %broadcast_in_dim3A_1030 = vector.broadcast %jit3A_1029 : i32 to vector<16xi32>
      %select_n3A_1031 = arith.select %eq3A_1028, %broadcast_in_dim3A_1030, %select_n3A_1027 : vector<16xi1>, vector<16xi32>
      %eq3A_1032 = arith.cmpi eq, %add3A_5, %select_n3A_1006 : vector<16xi32>
      %jit3A_1033 = arith.constant 0 : i32
      %broadcast_in_dim3A_1034 = vector.broadcast %jit3A_1033 : i32 to vector<16xi32>
      %select_n3A_1035 = arith.select %eq3A_1032, %broadcast_in_dim3A_1034, %select_n3A_961 : vector<16xi1>, vector<16xi32>
      %eq3A_1036 = arith.constant 14 : i32
      %eq3A_1037 = vector.broadcast %eq3A_1036 : i32 to vector<16xi32>
      %eq3A_1038 = arith.cmpi eq, %iota3A, %eq3A_1037 : vector<16xi32>
      %ne3A_1039 = arith.constant 0 : i32
      %ne3A_1040 = vector.broadcast %ne3A_1039 : i32 to vector<16xi32>
      %ne3A_1041 = arith.cmpi ne, %select_n3A_1031, %ne3A_1040 : vector<16xi32>
      %and3A_1042 = arith.andi %eq3A_1038, %ne3A_1041 : vector<16xi1>
      %all_reduce_population_count3A_1043 = tpu.all_reduce %and3A_1042 {dim = 0 : i64, kind = #tpu.reduction_kind<sum>} : vector<16xi1> -> vector<16xi32>
      %gt3A_1044 = arith.constant 0 : i32
      %gt3A_1045 = vector.broadcast %gt3A_1044 : i32 to vector<16xi32>
      %gt3A_1046 = arith.cmpi sgt, %all_reduce_population_count3A_1043, %gt3A_1045 : vector<16xi32>
      %get3A_1047 = arith.constant 3 : i32
      %get3A_1048 = arith.index_cast %get3A_1047 : i32 to index
      %get3A_1049 = arith.constant 64 : index
      %get3A_1050 = tpu.vector_load %arg5[%get3A_1048, %get3A_1049] {strides = array<i32>} : memref<8x128xi32, #tpu.memory_space<vmem>>, vector<16xi32>,
      %get3A_1051 = arith.constant 3 : i32
      %get3A_1052 = arith.index_cast %get3A_1051 : i32 to index
      %get3A_1053 = arith.constant 80 : index
      %get3A_1054 = tpu.vector_load %arg5[%get3A_1052, %get3A_1053] {strides = array<i32>} : memref<8x128xi32, #tpu.memory_space<vmem>>, vector<16xi32>,
      %get3A_1055 = arith.constant 3 : i32
      %get3A_1056 = arith.index_cast %get3A_1055 : i32 to index
      %get3A_1057 = arith.constant 64 : index
      %get3A_1058 = tpu.vector_load %arg6[%get3A_1056, %get3A_1057] {strides = array<i32>} : memref<8x128xi32, #tpu.memory_space<vmem>>, vector<16xi32>,
      %get3A_1059 = arith.constant 3 : i32
      %get3A_1060 = arith.index_cast %get3A_1059 : i32 to index
      %get3A_1061 = arith.constant 80 : index
      %get3A_1062 = tpu.vector_load %arg6[%get3A_1060, %get3A_1061] {strides = array<i32>} : memref<8x128xi32, #tpu.memory_space<vmem>>, vector<16xi32>,
      %ne3A_1063 = arith.constant 0 : i32
      %ne3A_1064 = vector.broadcast %ne3A_1063 : i32 to vector<16xi32>
      %ne3A_1065 = arith.cmpi ne, %get3A_1050, %ne3A_1064 : vector<16xi32>
      %all_reduce_ffs3A_1066 = tpu.all_reduce %ne3A_1065 {dim = 0 : i64, kind = #tpu.reduction_kind<find_first_set>} : vector<16xi1> -> vector<16xi32>
      %ne3A_1067 = arith.constant 0 : i32
      %ne3A_1068 = vector.broadcast %ne3A_1067 : i32 to vector<16xi32>
      %ne3A_1069 = arith.cmpi ne, %get3A_1054, %ne3A_1068 : vector<16xi32>
      %all_reduce_ffs3A_1070 = tpu.all_reduce %ne3A_1069 {dim = 0 : i64, kind = #tpu.reduction_kind<find_first_set>} : vector<16xi1> -> vector<16xi32>
      %lt3A_1071 = arith.constant 16 : i32
      %lt3A_1072 = vector.broadcast %lt3A_1071 : i32 to vector<16xi32>
      %lt3A_1073 = arith.cmpi slt, %all_reduce_ffs3A_1066, %lt3A_1072 : vector<16xi32>
      %add3A_1074 = arith.constant 16 : i32
      %add3A_1075 = vector.broadcast %add3A_1074 : i32 to vector<16xi32>
      %add3A_1076 = arith.addi %add3A_1075, %all_reduce_ffs3A_1070 : vector<16xi32>
      %select_n3A_1077 = arith.select %lt3A_1073, %all_reduce_ffs3A_1066, %add3A_1076 : vector<16xi1>, vector<16xi32>
      %jit3A_1078 = arith.constant 32 : i32
      %broadcast_in_dim3A_1079 = vector.broadcast %jit3A_1078 : i32 to vector<16xi32>
      %select_n3A_1080 = arith.select %gt3A_1046, %select_n3A_1077, %broadcast_in_dim3A_1079 : vector<16xi1>, vector<16xi32>
      %ne3A_1081 = arith.constant 0 : i32
      %ne3A_1082 = vector.broadcast %ne3A_1081 : i32 to vector<16xi32>
      %ne3A_1083 = arith.cmpi ne, %get3A_1058, %ne3A_1082 : vector<16xi32>
      %le3A_1084 = arith.cmpi sle, %iota3A, %select_n3A_1080 : vector<16xi32>
      %and3A_1085 = arith.andi %ne3A_1083, %le3A_1084 : vector<16xi1>
      %all_reduce_population_count3A_1086 = tpu.all_reduce %and3A_1085 {dim = 0 : i64, kind = #tpu.reduction_kind<sum>} : vector<16xi1> -> vector<16xi32>
      %ne3A_1087 = arith.constant 0 : i32
      %ne3A_1088 = vector.broadcast %ne3A_1087 : i32 to vector<16xi32>
      %ne3A_1089 = arith.cmpi ne, %get3A_1062, %ne3A_1088 : vector<16xi32>
      %le3A_1090 = arith.cmpi sle, %add3A_5, %select_n3A_1080 : vector<16xi32>
      %and3A_1091 = arith.andi %ne3A_1089, %le3A_1090 : vector<16xi1>
      %all_reduce_population_count3A_1092 = tpu.all_reduce %and3A_1091 {dim = 0 : i64, kind = #tpu.reduction_kind<sum>} : vector<16xi1> -> vector<16xi32>
      %add3A_1093 = arith.addi %all_reduce_population_count3A_1086, %all_reduce_population_count3A_1092 : vector<16xi32>
      %gt3A_1094 = arith.constant 0 : i32
      %gt3A_1095 = vector.broadcast %gt3A_1094 : i32 to vector<16xi32>
      %gt3A_1096 = arith.cmpi sgt, %add3A_1093, %gt3A_1095 : vector<16xi32>
      %and3A_1097 = arith.andi %gt3A_1046, %gt3A_1096 : vector<16xi1>
      %and3A_1098 = arith.andi %eq3A_1038, %and3A_1097 : vector<16xi1>
      %jit3A_1099 = arith.constant 0 : i32
      %broadcast_in_dim3A_1100 = vector.broadcast %jit3A_1099 : i32 to vector<16xi32>
      %select_n3A_1101 = arith.select %and3A_1098, %broadcast_in_dim3A_1100, %select_n3A_1031 : vector<16xi1>, vector<16xi32>
      %eq3A_1102 = arith.cmpi eq, %iota3A, %select_n3A_1080 : vector<16xi32>
      %jit3A_1103 = arith.constant 0 : i32
      %broadcast_in_dim3A_1104 = vector.broadcast %jit3A_1103 : i32 to vector<16xi32>
      %select_n3A_1105 = arith.select %eq3A_1102, %broadcast_in_dim3A_1104, %select_n3A_1101 : vector<16xi1>, vector<16xi32>
      %eq3A_1106 = arith.cmpi eq, %add3A_5, %select_n3A_1080 : vector<16xi32>
      %jit3A_1107 = arith.constant 0 : i32
      %broadcast_in_dim3A_1108 = vector.broadcast %jit3A_1107 : i32 to vector<16xi32>
      %select_n3A_1109 = arith.select %eq3A_1106, %broadcast_in_dim3A_1108, %select_n3A_1035 : vector<16xi1>, vector<16xi32>
      %eq3A_1110 = arith.constant 15 : i32
      %eq3A_1111 = vector.broadcast %eq3A_1110 : i32 to vector<16xi32>
      %eq3A_1112 = arith.cmpi eq, %iota3A, %eq3A_1111 : vector<16xi32>
      %ne3A_1113 = arith.constant 0 : i32
      %ne3A_1114 = vector.broadcast %ne3A_1113 : i32 to vector<16xi32>
      %ne3A_1115 = arith.cmpi ne, %select_n3A_1105, %ne3A_1114 : vector<16xi32>
      %and3A_1116 = arith.andi %eq3A_1112, %ne3A_1115 : vector<16xi1>
      %all_reduce_population_count3A_1117 = tpu.all_reduce %and3A_1116 {dim = 0 : i64, kind = #tpu.reduction_kind<sum>} : vector<16xi1> -> vector<16xi32>
      %gt3A_1118 = arith.constant 0 : i32
      %gt3A_1119 = vector.broadcast %gt3A_1118 : i32 to vector<16xi32>
      %gt3A_1120 = arith.cmpi sgt, %all_reduce_population_count3A_1117, %gt3A_1119 : vector<16xi32>
      %get3A_1121 = arith.constant 3 : i32
      %get3A_1122 = arith.index_cast %get3A_1121 : i32 to index
      %get3A_1123 = arith.constant 96 : index
      %get3A_1124 = tpu.vector_load %arg5[%get3A_1122, %get3A_1123] {strides = array<i32>} : memref<8x128xi32, #tpu.memory_space<vmem>>, vector<16xi32>,
      %get3A_1125 = arith.constant 3 : i32
      %get3A_1126 = arith.index_cast %get3A_1125 : i32 to index
      %get3A_1127 = arith.constant 112 : index
      %get3A_1128 = tpu.vector_load %arg5[%get3A_1126, %get3A_1127] {strides = array<i32>} : memref<8x128xi32, #tpu.memory_space<vmem>>, vector<16xi32>,
      %get3A_1129 = arith.constant 3 : i32
      %get3A_1130 = arith.index_cast %get3A_1129 : i32 to index
      %get3A_1131 = arith.constant 96 : index
      %get3A_1132 = tpu.vector_load %arg6[%get3A_1130, %get3A_1131] {strides = array<i32>} : memref<8x128xi32, #tpu.memory_space<vmem>>, vector<16xi32>,
      %get3A_1133 = arith.constant 3 : i32
      %get3A_1134 = arith.index_cast %get3A_1133 : i32 to index
      %get3A_1135 = arith.constant 112 : index
      %get3A_1136 = tpu.vector_load %arg6[%get3A_1134, %get3A_1135] {strides = array<i32>} : memref<8x128xi32, #tpu.memory_space<vmem>>, vector<16xi32>,
      %ne3A_1137 = arith.constant 0 : i32
      %ne3A_1138 = vector.broadcast %ne3A_1137 : i32 to vector<16xi32>
      %ne3A_1139 = arith.cmpi ne, %get3A_1124, %ne3A_1138 : vector<16xi32>
      %all_reduce_ffs3A_1140 = tpu.all_reduce %ne3A_1139 {dim = 0 : i64, kind = #tpu.reduction_kind<find_first_set>} : vector<16xi1> -> vector<16xi32>
      %ne3A_1141 = arith.constant 0 : i32
      %ne3A_1142 = vector.broadcast %ne3A_1141 : i32 to vector<16xi32>
      %ne3A_1143 = arith.cmpi ne, %get3A_1128, %ne3A_1142 : vector<16xi32>
      %all_reduce_ffs3A_1144 = tpu.all_reduce %ne3A_1143 {dim = 0 : i64, kind = #tpu.reduction_kind<find_first_set>} : vector<16xi1> -> vector<16xi32>
      %lt3A_1145 = arith.constant 16 : i32
      %lt3A_1146 = vector.broadcast %lt3A_1145 : i32 to vector<16xi32>
      %lt3A_1147 = arith.cmpi slt, %all_reduce_ffs3A_1140, %lt3A_1146 : vector<16xi32>
      %add3A_1148 = arith.constant 16 : i32
      %add3A_1149 = vector.broadcast %add3A_1148 : i32 to vector<16xi32>
      %add3A_1150 = arith.addi %add3A_1149, %all_reduce_ffs3A_1144 : vector<16xi32>
      %select_n3A_1151 = arith.select %lt3A_1147, %all_reduce_ffs3A_1140, %add3A_1150 : vector<16xi1>, vector<16xi32>
      %jit3A_1152 = arith.constant 32 : i32
      %broadcast_in_dim3A_1153 = vector.broadcast %jit3A_1152 : i32 to vector<16xi32>
      %select_n3A_1154 = arith.select %gt3A_1120, %select_n3A_1151, %broadcast_in_dim3A_1153 : vector<16xi1>, vector<16xi32>
      %ne3A_1155 = arith.constant 0 : i32
      %ne3A_1156 = vector.broadcast %ne3A_1155 : i32 to vector<16xi32>
      %ne3A_1157 = arith.cmpi ne, %get3A_1132, %ne3A_1156 : vector<16xi32>
      %le3A_1158 = arith.cmpi sle, %iota3A, %select_n3A_1154 : vector<16xi32>
      %and3A_1159 = arith.andi %ne3A_1157, %le3A_1158 : vector<16xi1>
      %all_reduce_population_count3A_1160 = tpu.all_reduce %and3A_1159 {dim = 0 : i64, kind = #tpu.reduction_kind<sum>} : vector<16xi1> -> vector<16xi32>
      %ne3A_1161 = arith.constant 0 : i32
      %ne3A_1162 = vector.broadcast %ne3A_1161 : i32 to vector<16xi32>
      %ne3A_1163 = arith.cmpi ne, %get3A_1136, %ne3A_1162 : vector<16xi32>
      %le3A_1164 = arith.cmpi sle, %add3A_5, %select_n3A_1154 : vector<16xi32>
      %and3A_1165 = arith.andi %ne3A_1163, %le3A_1164 : vector<16xi1>
      %all_reduce_population_count3A_1166 = tpu.all_reduce %and3A_1165 {dim = 0 : i64, kind = #tpu.reduction_kind<sum>} : vector<16xi1> -> vector<16xi32>
      %add3A_1167 = arith.addi %all_reduce_population_count3A_1160, %all_reduce_population_count3A_1166 : vector<16xi32>
      %gt3A_1168 = arith.constant 0 : i32
      %gt3A_1169 = vector.broadcast %gt3A_1168 : i32 to vector<16xi32>
      %gt3A_1170 = arith.cmpi sgt, %add3A_1167, %gt3A_1169 : vector<16xi32>
      %and3A_1171 = arith.andi %gt3A_1120, %gt3A_1170 : vector<16xi1>
      %and3A_1172 = arith.andi %eq3A_1112, %and3A_1171 : vector<16xi1>
      %jit3A_1173 = arith.constant 0 : i32
      %broadcast_in_dim3A_1174 = vector.broadcast %jit3A_1173 : i32 to vector<16xi32>
      %select_n3A_1175 = arith.select %and3A_1172, %broadcast_in_dim3A_1174, %select_n3A_1105 : vector<16xi1>, vector<16xi32>
      %eq3A_1176 = arith.cmpi eq, %iota3A, %select_n3A_1154 : vector<16xi32>
      %jit3A_1177 = arith.constant 0 : i32
      %broadcast_in_dim3A_1178 = vector.broadcast %jit3A_1177 : i32 to vector<16xi32>
      %select_n3A_1179 = arith.select %eq3A_1176, %broadcast_in_dim3A_1178, %select_n3A_1175 : vector<16xi1>, vector<16xi32>
      %eq3A_1180 = arith.cmpi eq, %add3A_5, %select_n3A_1154 : vector<16xi32>
      %jit3A_1181 = arith.constant 0 : i32
      %broadcast_in_dim3A_1182 = vector.broadcast %jit3A_1181 : i32 to vector<16xi32>
      %select_n3A_1183 = arith.select %eq3A_1180, %broadcast_in_dim3A_1182, %select_n3A_1109 : vector<16xi1>, vector<16xi32>
      %eq3A_1184 = arith.constant 0 : i32
      %eq3A_1185 = vector.broadcast %eq3A_1184 : i32 to vector<16xi32>
      %eq3A_1186 = arith.cmpi eq, %iota3A, %eq3A_1185 : vector<16xi32>
      %ne3A_1187 = arith.constant 0 : i32
      %ne3A_1188 = vector.broadcast %ne3A_1187 : i32 to vector<16xi32>
      %ne3A_1189 = arith.cmpi ne, %select_n3A_1183, %ne3A_1188 : vector<16xi32>
      %and3A_1190 = arith.andi %eq3A_1186, %ne3A_1189 : vector<16xi1>
      %all_reduce_population_count3A_1191 = tpu.all_reduce %and3A_1190 {dim = 0 : i64, kind = #tpu.reduction_kind<sum>} : vector<16xi1> -> vector<16xi32>
      %gt3A_1192 = arith.constant 0 : i32
      %gt3A_1193 = vector.broadcast %gt3A_1192 : i32 to vector<16xi32>
      %gt3A_1194 = arith.cmpi sgt, %all_reduce_population_count3A_1191, %gt3A_1193 : vector<16xi32>
      %get3A_1195 = arith.constant 4 : i32
      %get3A_1196 = arith.index_cast %get3A_1195 : i32 to index
      %get3A_1197 = arith.constant 0 : index
      %get3A_1198 = tpu.vector_load %arg5[%get3A_1196, %get3A_1197] {strides = array<i32>} : memref<8x128xi32, #tpu.memory_space<vmem>>, vector<16xi32>,
      %get3A_1199 = arith.constant 4 : i32
      %get3A_1200 = arith.index_cast %get3A_1199 : i32 to index
      %get3A_1201 = arith.constant 16 : index
      %get3A_1202 = tpu.vector_load %arg5[%get3A_1200, %get3A_1201] {strides = array<i32>} : memref<8x128xi32, #tpu.memory_space<vmem>>, vector<16xi32>,
      %get3A_1203 = arith.constant 4 : i32
      %get3A_1204 = arith.index_cast %get3A_1203 : i32 to index
      %get3A_1205 = arith.constant 0 : index
      %get3A_1206 = tpu.vector_load %arg6[%get3A_1204, %get3A_1205] {strides = array<i32>} : memref<8x128xi32, #tpu.memory_space<vmem>>, vector<16xi32>,
      %get3A_1207 = arith.constant 4 : i32
      %get3A_1208 = arith.index_cast %get3A_1207 : i32 to index
      %get3A_1209 = arith.constant 16 : index
      %get3A_1210 = tpu.vector_load %arg6[%get3A_1208, %get3A_1209] {strides = array<i32>} : memref<8x128xi32, #tpu.memory_space<vmem>>, vector<16xi32>,
      %ne3A_1211 = arith.constant 0 : i32
      %ne3A_1212 = vector.broadcast %ne3A_1211 : i32 to vector<16xi32>
      %ne3A_1213 = arith.cmpi ne, %get3A_1198, %ne3A_1212 : vector<16xi32>
      %all_reduce_ffs3A_1214 = tpu.all_reduce %ne3A_1213 {dim = 0 : i64, kind = #tpu.reduction_kind<find_first_set>} : vector<16xi1> -> vector<16xi32>
      %ne3A_1215 = arith.constant 0 : i32
      %ne3A_1216 = vector.broadcast %ne3A_1215 : i32 to vector<16xi32>
      %ne3A_1217 = arith.cmpi ne, %get3A_1202, %ne3A_1216 : vector<16xi32>
      %all_reduce_ffs3A_1218 = tpu.all_reduce %ne3A_1217 {dim = 0 : i64, kind = #tpu.reduction_kind<find_first_set>} : vector<16xi1> -> vector<16xi32>
      %lt3A_1219 = arith.constant 16 : i32
      %lt3A_1220 = vector.broadcast %lt3A_1219 : i32 to vector<16xi32>
      %lt3A_1221 = arith.cmpi slt, %all_reduce_ffs3A_1214, %lt3A_1220 : vector<16xi32>
      %add3A_1222 = arith.constant 16 : i32
      %add3A_1223 = vector.broadcast %add3A_1222 : i32 to vector<16xi32>
      %add3A_1224 = arith.addi %add3A_1223, %all_reduce_ffs3A_1218 : vector<16xi32>
      %select_n3A_1225 = arith.select %lt3A_1221, %all_reduce_ffs3A_1214, %add3A_1224 : vector<16xi1>, vector<16xi32>
      %jit3A_1226 = arith.constant 32 : i32
      %broadcast_in_dim3A_1227 = vector.broadcast %jit3A_1226 : i32 to vector<16xi32>
      %select_n3A_1228 = arith.select %gt3A_1194, %select_n3A_1225, %broadcast_in_dim3A_1227 : vector<16xi1>, vector<16xi32>
      %ne3A_1229 = arith.constant 0 : i32
      %ne3A_1230 = vector.broadcast %ne3A_1229 : i32 to vector<16xi32>
      %ne3A_1231 = arith.cmpi ne, %get3A_1206, %ne3A_1230 : vector<16xi32>
      %le3A_1232 = arith.cmpi sle, %iota3A, %select_n3A_1228 : vector<16xi32>
      %and3A_1233 = arith.andi %ne3A_1231, %le3A_1232 : vector<16xi1>
      %all_reduce_population_count3A_1234 = tpu.all_reduce %and3A_1233 {dim = 0 : i64, kind = #tpu.reduction_kind<sum>} : vector<16xi1> -> vector<16xi32>
      %ne3A_1235 = arith.constant 0 : i32
      %ne3A_1236 = vector.broadcast %ne3A_1235 : i32 to vector<16xi32>
      %ne3A_1237 = arith.cmpi ne, %get3A_1210, %ne3A_1236 : vector<16xi32>
      %le3A_1238 = arith.cmpi sle, %add3A_5, %select_n3A_1228 : vector<16xi32>
      %and3A_1239 = arith.andi %ne3A_1237, %le3A_1238 : vector<16xi1>
      %all_reduce_population_count3A_1240 = tpu.all_reduce %and3A_1239 {dim = 0 : i64, kind = #tpu.reduction_kind<sum>} : vector<16xi1> -> vector<16xi32>
      %add3A_1241 = arith.addi %all_reduce_population_count3A_1234, %all_reduce_population_count3A_1240 : vector<16xi32>
      %gt3A_1242 = arith.constant 0 : i32
      %gt3A_1243 = vector.broadcast %gt3A_1242 : i32 to vector<16xi32>
      %gt3A_1244 = arith.cmpi sgt, %add3A_1241, %gt3A_1243 : vector<16xi32>
      %and3A_1245 = arith.andi %gt3A_1194, %gt3A_1244 : vector<16xi1>
      %and3A_1246 = arith.andi %eq3A_1186, %and3A_1245 : vector<16xi1>
      %jit3A_1247 = arith.constant 0 : i32
      %broadcast_in_dim3A_1248 = vector.broadcast %jit3A_1247 : i32 to vector<16xi32>
      %select_n3A_1249 = arith.select %and3A_1246, %broadcast_in_dim3A_1248, %select_n3A_1183 : vector<16xi1>, vector<16xi32>
      %eq3A_1250 = arith.cmpi eq, %iota3A, %select_n3A_1228 : vector<16xi32>
      %jit3A_1251 = arith.constant 0 : i32
      %broadcast_in_dim3A_1252 = vector.broadcast %jit3A_1251 : i32 to vector<16xi32>
      %select_n3A_1253 = arith.select %eq3A_1250, %broadcast_in_dim3A_1252, %select_n3A_1179 : vector<16xi1>, vector<16xi32>
      %eq3A_1254 = arith.cmpi eq, %add3A_5, %select_n3A_1228 : vector<16xi32>
      %jit3A_1255 = arith.constant 0 : i32
      %broadcast_in_dim3A_1256 = vector.broadcast %jit3A_1255 : i32 to vector<16xi32>
      %select_n3A_1257 = arith.select %eq3A_1254, %broadcast_in_dim3A_1256, %select_n3A_1249 : vector<16xi1>, vector<16xi32>
      %eq3A_1258 = arith.constant 1 : i32
      %eq3A_1259 = vector.broadcast %eq3A_1258 : i32 to vector<16xi32>
      %eq3A_1260 = arith.cmpi eq, %iota3A, %eq3A_1259 : vector<16xi32>
      %ne3A_1261 = arith.constant 0 : i32
      %ne3A_1262 = vector.broadcast %ne3A_1261 : i32 to vector<16xi32>
      %ne3A_1263 = arith.cmpi ne, %select_n3A_1257, %ne3A_1262 : vector<16xi32>
      %and3A_1264 = arith.andi %eq3A_1260, %ne3A_1263 : vector<16xi1>
      %all_reduce_population_count3A_1265 = tpu.all_reduce %and3A_1264 {dim = 0 : i64, kind = #tpu.reduction_kind<sum>} : vector<16xi1> -> vector<16xi32>
      %gt3A_1266 = arith.constant 0 : i32
      %gt3A_1267 = vector.broadcast %gt3A_1266 : i32 to vector<16xi32>
      %gt3A_1268 = arith.cmpi sgt, %all_reduce_population_count3A_1265, %gt3A_1267 : vector<16xi32>
      %get3A_1269 = arith.constant 4 : i32
      %get3A_1270 = arith.index_cast %get3A_1269 : i32 to index
      %get3A_1271 = arith.constant 32 : index
      %get3A_1272 = tpu.vector_load %arg5[%get3A_1270, %get3A_1271] {strides = array<i32>} : memref<8x128xi32, #tpu.memory_space<vmem>>, vector<16xi32>,
      %get3A_1273 = arith.constant 4 : i32
      %get3A_1274 = arith.index_cast %get3A_1273 : i32 to index
      %get3A_1275 = arith.constant 48 : index
      %get3A_1276 = tpu.vector_load %arg5[%get3A_1274, %get3A_1275] {strides = array<i32>} : memref<8x128xi32, #tpu.memory_space<vmem>>, vector<16xi32>,
      %get3A_1277 = arith.constant 4 : i32
      %get3A_1278 = arith.index_cast %get3A_1277 : i32 to index
      %get3A_1279 = arith.constant 32 : index
      %get3A_1280 = tpu.vector_load %arg6[%get3A_1278, %get3A_1279] {strides = array<i32>} : memref<8x128xi32, #tpu.memory_space<vmem>>, vector<16xi32>,
      %get3A_1281 = arith.constant 4 : i32
      %get3A_1282 = arith.index_cast %get3A_1281 : i32 to index
      %get3A_1283 = arith.constant 48 : index
      %get3A_1284 = tpu.vector_load %arg6[%get3A_1282, %get3A_1283] {strides = array<i32>} : memref<8x128xi32, #tpu.memory_space<vmem>>, vector<16xi32>,
      %ne3A_1285 = arith.constant 0 : i32
      %ne3A_1286 = vector.broadcast %ne3A_1285 : i32 to vector<16xi32>
      %ne3A_1287 = arith.cmpi ne, %get3A_1272, %ne3A_1286 : vector<16xi32>
      %all_reduce_ffs3A_1288 = tpu.all_reduce %ne3A_1287 {dim = 0 : i64, kind = #tpu.reduction_kind<find_first_set>} : vector<16xi1> -> vector<16xi32>
      %ne3A_1289 = arith.constant 0 : i32
      %ne3A_1290 = vector.broadcast %ne3A_1289 : i32 to vector<16xi32>
      %ne3A_1291 = arith.cmpi ne, %get3A_1276, %ne3A_1290 : vector<16xi32>
      %all_reduce_ffs3A_1292 = tpu.all_reduce %ne3A_1291 {dim = 0 : i64, kind = #tpu.reduction_kind<find_first_set>} : vector<16xi1> -> vector<16xi32>
      %lt3A_1293 = arith.constant 16 : i32
      %lt3A_1294 = vector.broadcast %lt3A_1293 : i32 to vector<16xi32>
      %lt3A_1295 = arith.cmpi slt, %all_reduce_ffs3A_1288, %lt3A_1294 : vector<16xi32>
      %add3A_1296 = arith.constant 16 : i32
      %add3A_1297 = vector.broadcast %add3A_1296 : i32 to vector<16xi32>
      %add3A_1298 = arith.addi %add3A_1297, %all_reduce_ffs3A_1292 : vector<16xi32>
      %select_n3A_1299 = arith.select %lt3A_1295, %all_reduce_ffs3A_1288, %add3A_1298 : vector<16xi1>, vector<16xi32>
      %jit3A_1300 = arith.constant 32 : i32
      %broadcast_in_dim3A_1301 = vector.broadcast %jit3A_1300 : i32 to vector<16xi32>
      %select_n3A_1302 = arith.select %gt3A_1268, %select_n3A_1299, %broadcast_in_dim3A_1301 : vector<16xi1>, vector<16xi32>
      %ne3A_1303 = arith.constant 0 : i32
      %ne3A_1304 = vector.broadcast %ne3A_1303 : i32 to vector<16xi32>
      %ne3A_1305 = arith.cmpi ne, %get3A_1280, %ne3A_1304 : vector<16xi32>
      %le3A_1306 = arith.cmpi sle, %iota3A, %select_n3A_1302 : vector<16xi32>
      %and3A_1307 = arith.andi %ne3A_1305, %le3A_1306 : vector<16xi1>
      %all_reduce_population_count3A_1308 = tpu.all_reduce %and3A_1307 {dim = 0 : i64, kind = #tpu.reduction_kind<sum>} : vector<16xi1> -> vector<16xi32>
      %ne3A_1309 = arith.constant 0 : i32
      %ne3A_1310 = vector.broadcast %ne3A_1309 : i32 to vector<16xi32>
      %ne3A_1311 = arith.cmpi ne, %get3A_1284, %ne3A_1310 : vector<16xi32>
      %le3A_1312 = arith.cmpi sle, %add3A_5, %select_n3A_1302 : vector<16xi32>
      %and3A_1313 = arith.andi %ne3A_1311, %le3A_1312 : vector<16xi1>
      %all_reduce_population_count3A_1314 = tpu.all_reduce %and3A_1313 {dim = 0 : i64, kind = #tpu.reduction_kind<sum>} : vector<16xi1> -> vector<16xi32>
      %add3A_1315 = arith.addi %all_reduce_population_count3A_1308, %all_reduce_population_count3A_1314 : vector<16xi32>
      %gt3A_1316 = arith.constant 0 : i32
      %gt3A_1317 = vector.broadcast %gt3A_1316 : i32 to vector<16xi32>
      %gt3A_1318 = arith.cmpi sgt, %add3A_1315, %gt3A_1317 : vector<16xi32>
      %and3A_1319 = arith.andi %gt3A_1268, %gt3A_1318 : vector<16xi1>
      %and3A_1320 = arith.andi %eq3A_1260, %and3A_1319 : vector<16xi1>
      %jit3A_1321 = arith.constant 0 : i32
      %broadcast_in_dim3A_1322 = vector.broadcast %jit3A_1321 : i32 to vector<16xi32>
      %select_n3A_1323 = arith.select %and3A_1320, %broadcast_in_dim3A_1322, %select_n3A_1257 : vector<16xi1>, vector<16xi32>
      %eq3A_1324 = arith.cmpi eq, %iota3A, %select_n3A_1302 : vector<16xi32>
      %jit3A_1325 = arith.constant 0 : i32
      %broadcast_in_dim3A_1326 = vector.broadcast %jit3A_1325 : i32 to vector<16xi32>
      %select_n3A_1327 = arith.select %eq3A_1324, %broadcast_in_dim3A_1326, %select_n3A_1253 : vector<16xi1>, vector<16xi32>
      %eq3A_1328 = arith.cmpi eq, %add3A_5, %select_n3A_1302 : vector<16xi32>
      %jit3A_1329 = arith.constant 0 : i32
      %broadcast_in_dim3A_1330 = vector.broadcast %jit3A_1329 : i32 to vector<16xi32>
      %select_n3A_1331 = arith.select %eq3A_1328, %broadcast_in_dim3A_1330, %select_n3A_1323 : vector<16xi1>, vector<16xi32>
      %eq3A_1332 = arith.constant 2 : i32
      %eq3A_1333 = vector.broadcast %eq3A_1332 : i32 to vector<16xi32>
      %eq3A_1334 = arith.cmpi eq, %iota3A, %eq3A_1333 : vector<16xi32>
      %ne3A_1335 = arith.constant 0 : i32
      %ne3A_1336 = vector.broadcast %ne3A_1335 : i32 to vector<16xi32>
      %ne3A_1337 = arith.cmpi ne, %select_n3A_1331, %ne3A_1336 : vector<16xi32>
      %and3A_1338 = arith.andi %eq3A_1334, %ne3A_1337 : vector<16xi1>
      %all_reduce_population_count3A_1339 = tpu.all_reduce %and3A_1338 {dim = 0 : i64, kind = #tpu.reduction_kind<sum>} : vector<16xi1> -> vector<16xi32>
      %gt3A_1340 = arith.constant 0 : i32
      %gt3A_1341 = vector.broadcast %gt3A_1340 : i32 to vector<16xi32>
      %gt3A_1342 = arith.cmpi sgt, %all_reduce_population_count3A_1339, %gt3A_1341 : vector<16xi32>
      %get3A_1343 = arith.constant 4 : i32
      %get3A_1344 = arith.index_cast %get3A_1343 : i32 to index
      %get3A_1345 = arith.constant 64 : index
      %get3A_1346 = tpu.vector_load %arg5[%get3A_1344, %get3A_1345] {strides = array<i32>} : memref<8x128xi32, #tpu.memory_space<vmem>>, vector<16xi32>,
      %get3A_1347 = arith.constant 4 : i32
      %get3A_1348 = arith.index_cast %get3A_1347 : i32 to index
      %get3A_1349 = arith.constant 80 : index
      %get3A_1350 = tpu.vector_load %arg5[%get3A_1348, %get3A_1349] {strides = array<i32>} : memref<8x128xi32, #tpu.memory_space<vmem>>, vector<16xi32>,
      %get3A_1351 = arith.constant 4 : i32
      %get3A_1352 = arith.index_cast %get3A_1351 : i32 to index
      %get3A_1353 = arith.constant 64 : index
      %get3A_1354 = tpu.vector_load %arg6[%get3A_1352, %get3A_1353] {strides = array<i32>} : memref<8x128xi32, #tpu.memory_space<vmem>>, vector<16xi32>,
      %get3A_1355 = arith.constant 4 : i32
      %get3A_1356 = arith.index_cast %get3A_1355 : i32 to index
      %get3A_1357 = arith.constant 80 : index
      %get3A_1358 = tpu.vector_load %arg6[%get3A_1356, %get3A_1357] {strides = array<i32>} : memref<8x128xi32, #tpu.memory_space<vmem>>, vector<16xi32>,
      %ne3A_1359 = arith.constant 0 : i32
      %ne3A_1360 = vector.broadcast %ne3A_1359 : i32 to vector<16xi32>
      %ne3A_1361 = arith.cmpi ne, %get3A_1346, %ne3A_1360 : vector<16xi32>
      %all_reduce_ffs3A_1362 = tpu.all_reduce %ne3A_1361 {dim = 0 : i64, kind = #tpu.reduction_kind<find_first_set>} : vector<16xi1> -> vector<16xi32>
      %ne3A_1363 = arith.constant 0 : i32
      %ne3A_1364 = vector.broadcast %ne3A_1363 : i32 to vector<16xi32>
      %ne3A_1365 = arith.cmpi ne, %get3A_1350, %ne3A_1364 : vector<16xi32>
      %all_reduce_ffs3A_1366 = tpu.all_reduce %ne3A_1365 {dim = 0 : i64, kind = #tpu.reduction_kind<find_first_set>} : vector<16xi1> -> vector<16xi32>
      %lt3A_1367 = arith.constant 16 : i32
      %lt3A_1368 = vector.broadcast %lt3A_1367 : i32 to vector<16xi32>
      %lt3A_1369 = arith.cmpi slt, %all_reduce_ffs3A_1362, %lt3A_1368 : vector<16xi32>
      %add3A_1370 = arith.constant 16 : i32
      %add3A_1371 = vector.broadcast %add3A_1370 : i32 to vector<16xi32>
      %add3A_1372 = arith.addi %add3A_1371, %all_reduce_ffs3A_1366 : vector<16xi32>
      %select_n3A_1373 = arith.select %lt3A_1369, %all_reduce_ffs3A_1362, %add3A_1372 : vector<16xi1>, vector<16xi32>
      %jit3A_1374 = arith.constant 32 : i32
      %broadcast_in_dim3A_1375 = vector.broadcast %jit3A_1374 : i32 to vector<16xi32>
      %select_n3A_1376 = arith.select %gt3A_1342, %select_n3A_1373, %broadcast_in_dim3A_1375 : vector<16xi1>, vector<16xi32>
      %ne3A_1377 = arith.constant 0 : i32
      %ne3A_1378 = vector.broadcast %ne3A_1377 : i32 to vector<16xi32>
      %ne3A_1379 = arith.cmpi ne, %get3A_1354, %ne3A_1378 : vector<16xi32>
      %le3A_1380 = arith.cmpi sle, %iota3A, %select_n3A_1376 : vector<16xi32>
      %and3A_1381 = arith.andi %ne3A_1379, %le3A_1380 : vector<16xi1>
      %all_reduce_population_count3A_1382 = tpu.all_reduce %and3A_1381 {dim = 0 : i64, kind = #tpu.reduction_kind<sum>} : vector<16xi1> -> vector<16xi32>
      %ne3A_1383 = arith.constant 0 : i32
      %ne3A_1384 = vector.broadcast %ne3A_1383 : i32 to vector<16xi32>
      %ne3A_1385 = arith.cmpi ne, %get3A_1358, %ne3A_1384 : vector<16xi32>
      %le3A_1386 = arith.cmpi sle, %add3A_5, %select_n3A_1376 : vector<16xi32>
      %and3A_1387 = arith.andi %ne3A_1385, %le3A_1386 : vector<16xi1>
      %all_reduce_population_count3A_1388 = tpu.all_reduce %and3A_1387 {dim = 0 : i64, kind = #tpu.reduction_kind<sum>} : vector<16xi1> -> vector<16xi32>
      %add3A_1389 = arith.addi %all_reduce_population_count3A_1382, %all_reduce_population_count3A_1388 : vector<16xi32>
      %gt3A_1390 = arith.constant 0 : i32
      %gt3A_1391 = vector.broadcast %gt3A_1390 : i32 to vector<16xi32>
      %gt3A_1392 = arith.cmpi sgt, %add3A_1389, %gt3A_1391 : vector<16xi32>
      %and3A_1393 = arith.andi %gt3A_1342, %gt3A_1392 : vector<16xi1>
      %and3A_1394 = arith.andi %eq3A_1334, %and3A_1393 : vector<16xi1>
      %jit3A_1395 = arith.constant 0 : i32
      %broadcast_in_dim3A_1396 = vector.broadcast %jit3A_1395 : i32 to vector<16xi32>
      %select_n3A_1397 = arith.select %and3A_1394, %broadcast_in_dim3A_1396, %select_n3A_1331 : vector<16xi1>, vector<16xi32>
      %eq3A_1398 = arith.cmpi eq, %iota3A, %select_n3A_1376 : vector<16xi32>
      %jit3A_1399 = arith.constant 0 : i32
      %broadcast_in_dim3A_1400 = vector.broadcast %jit3A_1399 : i32 to vector<16xi32>
      %select_n3A_1401 = arith.select %eq3A_1398, %broadcast_in_dim3A_1400, %select_n3A_1327 : vector<16xi1>, vector<16xi32>
      %eq3A_1402 = arith.cmpi eq, %add3A_5, %select_n3A_1376 : vector<16xi32>
      %jit3A_1403 = arith.constant 0 : i32
      %broadcast_in_dim3A_1404 = vector.broadcast %jit3A_1403 : i32 to vector<16xi32>
      %select_n3A_1405 = arith.select %eq3A_1402, %broadcast_in_dim3A_1404, %select_n3A_1397 : vector<16xi1>, vector<16xi32>
      %eq3A_1406 = arith.constant 3 : i32
      %eq3A_1407 = vector.broadcast %eq3A_1406 : i32 to vector<16xi32>
      %eq3A_1408 = arith.cmpi eq, %iota3A, %eq3A_1407 : vector<16xi32>
      %ne3A_1409 = arith.constant 0 : i32
      %ne3A_1410 = vector.broadcast %ne3A_1409 : i32 to vector<16xi32>
      %ne3A_1411 = arith.cmpi ne, %select_n3A_1405, %ne3A_1410 : vector<16xi32>
      %and3A_1412 = arith.andi %eq3A_1408, %ne3A_1411 : vector<16xi1>
      %all_reduce_population_count3A_1413 = tpu.all_reduce %and3A_1412 {dim = 0 : i64, kind = #tpu.reduction_kind<sum>} : vector<16xi1> -> vector<16xi32>
      %gt3A_1414 = arith.constant 0 : i32
      %gt3A_1415 = vector.broadcast %gt3A_1414 : i32 to vector<16xi32>
      %gt3A_1416 = arith.cmpi sgt, %all_reduce_population_count3A_1413, %gt3A_1415 : vector<16xi32>
      %get3A_1417 = arith.constant 4 : i32
      %get3A_1418 = arith.index_cast %get3A_1417 : i32 to index
      %get3A_1419 = arith.constant 96 : index
      %get3A_1420 = tpu.vector_load %arg5[%get3A_1418, %get3A_1419] {strides = array<i32>} : memref<8x128xi32, #tpu.memory_space<vmem>>, vector<16xi32>,
      %get3A_1421 = arith.constant 4 : i32
      %get3A_1422 = arith.index_cast %get3A_1421 : i32 to index
      %get3A_1423 = arith.constant 112 : index
      %get3A_1424 = tpu.vector_load %arg5[%get3A_1422, %get3A_1423] {strides = array<i32>} : memref<8x128xi32, #tpu.memory_space<vmem>>, vector<16xi32>,
      %get3A_1425 = arith.constant 4 : i32
      %get3A_1426 = arith.index_cast %get3A_1425 : i32 to index
      %get3A_1427 = arith.constant 96 : index
      %get3A_1428 = tpu.vector_load %arg6[%get3A_1426, %get3A_1427] {strides = array<i32>} : memref<8x128xi32, #tpu.memory_space<vmem>>, vector<16xi32>,
      %get3A_1429 = arith.constant 4 : i32
      %get3A_1430 = arith.index_cast %get3A_1429 : i32 to index
      %get3A_1431 = arith.constant 112 : index
      %get3A_1432 = tpu.vector_load %arg6[%get3A_1430, %get3A_1431] {strides = array<i32>} : memref<8x128xi32, #tpu.memory_space<vmem>>, vector<16xi32>,
      %ne3A_1433 = arith.constant 0 : i32
      %ne3A_1434 = vector.broadcast %ne3A_1433 : i32 to vector<16xi32>
      %ne3A_1435 = arith.cmpi ne, %get3A_1420, %ne3A_1434 : vector<16xi32>
      %all_reduce_ffs3A_1436 = tpu.all_reduce %ne3A_1435 {dim = 0 : i64, kind = #tpu.reduction_kind<find_first_set>} : vector<16xi1> -> vector<16xi32>
      %ne3A_1437 = arith.constant 0 : i32
      %ne3A_1438 = vector.broadcast %ne3A_1437 : i32 to vector<16xi32>
      %ne3A_1439 = arith.cmpi ne, %get3A_1424, %ne3A_1438 : vector<16xi32>
      %all_reduce_ffs3A_1440 = tpu.all_reduce %ne3A_1439 {dim = 0 : i64, kind = #tpu.reduction_kind<find_first_set>} : vector<16xi1> -> vector<16xi32>
      %lt3A_1441 = arith.constant 16 : i32
      %lt3A_1442 = vector.broadcast %lt3A_1441 : i32 to vector<16xi32>
      %lt3A_1443 = arith.cmpi slt, %all_reduce_ffs3A_1436, %lt3A_1442 : vector<16xi32>
      %add3A_1444 = arith.constant 16 : i32
      %add3A_1445 = vector.broadcast %add3A_1444 : i32 to vector<16xi32>
      %add3A_1446 = arith.addi %add3A_1445, %all_reduce_ffs3A_1440 : vector<16xi32>
      %select_n3A_1447 = arith.select %lt3A_1443, %all_reduce_ffs3A_1436, %add3A_1446 : vector<16xi1>, vector<16xi32>
      %jit3A_1448 = arith.constant 32 : i32
      %broadcast_in_dim3A_1449 = vector.broadcast %jit3A_1448 : i32 to vector<16xi32>
      %select_n3A_1450 = arith.select %gt3A_1416, %select_n3A_1447, %broadcast_in_dim3A_1449 : vector<16xi1>, vector<16xi32>
      %ne3A_1451 = arith.constant 0 : i32
      %ne3A_1452 = vector.broadcast %ne3A_1451 : i32 to vector<16xi32>
      %ne3A_1453 = arith.cmpi ne, %get3A_1428, %ne3A_1452 : vector<16xi32>
      %le3A_1454 = arith.cmpi sle, %iota3A, %select_n3A_1450 : vector<16xi32>
      %and3A_1455 = arith.andi %ne3A_1453, %le3A_1454 : vector<16xi1>
      %all_reduce_population_count3A_1456 = tpu.all_reduce %and3A_1455 {dim = 0 : i64, kind = #tpu.reduction_kind<sum>} : vector<16xi1> -> vector<16xi32>
      %ne3A_1457 = arith.constant 0 : i32
      %ne3A_1458 = vector.broadcast %ne3A_1457 : i32 to vector<16xi32>
      %ne3A_1459 = arith.cmpi ne, %get3A_1432, %ne3A_1458 : vector<16xi32>
      %le3A_1460 = arith.cmpi sle, %add3A_5, %select_n3A_1450 : vector<16xi32>
      %and3A_1461 = arith.andi %ne3A_1459, %le3A_1460 : vector<16xi1>
      %all_reduce_population_count3A_1462 = tpu.all_reduce %and3A_1461 {dim = 0 : i64, kind = #tpu.reduction_kind<sum>} : vector<16xi1> -> vector<16xi32>
      %add3A_1463 = arith.addi %all_reduce_population_count3A_1456, %all_reduce_population_count3A_1462 : vector<16xi32>
      %gt3A_1464 = arith.constant 0 : i32
      %gt3A_1465 = vector.broadcast %gt3A_1464 : i32 to vector<16xi32>
      %gt3A_1466 = arith.cmpi sgt, %add3A_1463, %gt3A_1465 : vector<16xi32>
      %and3A_1467 = arith.andi %gt3A_1416, %gt3A_1466 : vector<16xi1>
      %and3A_1468 = arith.andi %eq3A_1408, %and3A_1467 : vector<16xi1>
      %jit3A_1469 = arith.constant 0 : i32
      %broadcast_in_dim3A_1470 = vector.broadcast %jit3A_1469 : i32 to vector<16xi32>
      %select_n3A_1471 = arith.select %and3A_1468, %broadcast_in_dim3A_1470, %select_n3A_1405 : vector<16xi1>, vector<16xi32>
      %eq3A_1472 = arith.cmpi eq, %iota3A, %select_n3A_1450 : vector<16xi32>
      %jit3A_1473 = arith.constant 0 : i32
      %broadcast_in_dim3A_1474 = vector.broadcast %jit3A_1473 : i32 to vector<16xi32>
      %select_n3A_1475 = arith.select %eq3A_1472, %broadcast_in_dim3A_1474, %select_n3A_1401 : vector<16xi1>, vector<16xi32>
      %eq3A_1476 = arith.cmpi eq, %add3A_5, %select_n3A_1450 : vector<16xi32>
      %jit3A_1477 = arith.constant 0 : i32
      %broadcast_in_dim3A_1478 = vector.broadcast %jit3A_1477 : i32 to vector<16xi32>
      %select_n3A_1479 = arith.select %eq3A_1476, %broadcast_in_dim3A_1478, %select_n3A_1471 : vector<16xi1>, vector<16xi32>
      %eq3A_1480 = arith.constant 4 : i32
      %eq3A_1481 = vector.broadcast %eq3A_1480 : i32 to vector<16xi32>
      %eq3A_1482 = arith.cmpi eq, %iota3A, %eq3A_1481 : vector<16xi32>
      %ne3A_1483 = arith.constant 0 : i32
      %ne3A_1484 = vector.broadcast %ne3A_1483 : i32 to vector<16xi32>
      %ne3A_1485 = arith.cmpi ne, %select_n3A_1479, %ne3A_1484 : vector<16xi32>
      %and3A_1486 = arith.andi %eq3A_1482, %ne3A_1485 : vector<16xi1>
      %all_reduce_population_count3A_1487 = tpu.all_reduce %and3A_1486 {dim = 0 : i64, kind = #tpu.reduction_kind<sum>} : vector<16xi1> -> vector<16xi32>
      %gt3A_1488 = arith.constant 0 : i32
      %gt3A_1489 = vector.broadcast %gt3A_1488 : i32 to vector<16xi32>
      %gt3A_1490 = arith.cmpi sgt, %all_reduce_population_count3A_1487, %gt3A_1489 : vector<16xi32>
      %get3A_1491 = arith.constant 5 : i32
      %get3A_1492 = arith.index_cast %get3A_1491 : i32 to index
      %get3A_1493 = arith.constant 0 : index
      %get3A_1494 = tpu.vector_load %arg5[%get3A_1492, %get3A_1493] {strides = array<i32>} : memref<8x128xi32, #tpu.memory_space<vmem>>, vector<16xi32>,
      %get3A_1495 = arith.constant 5 : i32
      %get3A_1496 = arith.index_cast %get3A_1495 : i32 to index
      %get3A_1497 = arith.constant 16 : index
      %get3A_1498 = tpu.vector_load %arg5[%get3A_1496, %get3A_1497] {strides = array<i32>} : memref<8x128xi32, #tpu.memory_space<vmem>>, vector<16xi32>,
      %get3A_1499 = arith.constant 5 : i32
      %get3A_1500 = arith.index_cast %get3A_1499 : i32 to index
      %get3A_1501 = arith.constant 0 : index
      %get3A_1502 = tpu.vector_load %arg6[%get3A_1500, %get3A_1501] {strides = array<i32>} : memref<8x128xi32, #tpu.memory_space<vmem>>, vector<16xi32>,
      %get3A_1503 = arith.constant 5 : i32
      %get3A_1504 = arith.index_cast %get3A_1503 : i32 to index
      %get3A_1505 = arith.constant 16 : index
      %get3A_1506 = tpu.vector_load %arg6[%get3A_1504, %get3A_1505] {strides = array<i32>} : memref<8x128xi32, #tpu.memory_space<vmem>>, vector<16xi32>,
      %ne3A_1507 = arith.constant 0 : i32
      %ne3A_1508 = vector.broadcast %ne3A_1507 : i32 to vector<16xi32>
      %ne3A_1509 = arith.cmpi ne, %get3A_1494, %ne3A_1508 : vector<16xi32>
      %all_reduce_ffs3A_1510 = tpu.all_reduce %ne3A_1509 {dim = 0 : i64, kind = #tpu.reduction_kind<find_first_set>} : vector<16xi1> -> vector<16xi32>
      %ne3A_1511 = arith.constant 0 : i32
      %ne3A_1512 = vector.broadcast %ne3A_1511 : i32 to vector<16xi32>
      %ne3A_1513 = arith.cmpi ne, %get3A_1498, %ne3A_1512 : vector<16xi32>
      %all_reduce_ffs3A_1514 = tpu.all_reduce %ne3A_1513 {dim = 0 : i64, kind = #tpu.reduction_kind<find_first_set>} : vector<16xi1> -> vector<16xi32>
      %lt3A_1515 = arith.constant 16 : i32
      %lt3A_1516 = vector.broadcast %lt3A_1515 : i32 to vector<16xi32>
      %lt3A_1517 = arith.cmpi slt, %all_reduce_ffs3A_1510, %lt3A_1516 : vector<16xi32>
      %add3A_1518 = arith.constant 16 : i32
      %add3A_1519 = vector.broadcast %add3A_1518 : i32 to vector<16xi32>
      %add3A_1520 = arith.addi %add3A_1519, %all_reduce_ffs3A_1514 : vector<16xi32>
      %select_n3A_1521 = arith.select %lt3A_1517, %all_reduce_ffs3A_1510, %add3A_1520 : vector<16xi1>, vector<16xi32>
      %jit3A_1522 = arith.constant 32 : i32
      %broadcast_in_dim3A_1523 = vector.broadcast %jit3A_1522 : i32 to vector<16xi32>
      %select_n3A_1524 = arith.select %gt3A_1490, %select_n3A_1521, %broadcast_in_dim3A_1523 : vector<16xi1>, vector<16xi32>
      %ne3A_1525 = arith.constant 0 : i32
      %ne3A_1526 = vector.broadcast %ne3A_1525 : i32 to vector<16xi32>
      %ne3A_1527 = arith.cmpi ne, %get3A_1502, %ne3A_1526 : vector<16xi32>
      %le3A_1528 = arith.cmpi sle, %iota3A, %select_n3A_1524 : vector<16xi32>
      %and3A_1529 = arith.andi %ne3A_1527, %le3A_1528 : vector<16xi1>
      %all_reduce_population_count3A_1530 = tpu.all_reduce %and3A_1529 {dim = 0 : i64, kind = #tpu.reduction_kind<sum>} : vector<16xi1> -> vector<16xi32>
      %ne3A_1531 = arith.constant 0 : i32
      %ne3A_1532 = vector.broadcast %ne3A_1531 : i32 to vector<16xi32>
      %ne3A_1533 = arith.cmpi ne, %get3A_1506, %ne3A_1532 : vector<16xi32>
      %le3A_1534 = arith.cmpi sle, %add3A_5, %select_n3A_1524 : vector<16xi32>
      %and3A_1535 = arith.andi %ne3A_1533, %le3A_1534 : vector<16xi1>
      %all_reduce_population_count3A_1536 = tpu.all_reduce %and3A_1535 {dim = 0 : i64, kind = #tpu.reduction_kind<sum>} : vector<16xi1> -> vector<16xi32>
      %add3A_1537 = arith.addi %all_reduce_population_count3A_1530, %all_reduce_population_count3A_1536 : vector<16xi32>
      %gt3A_1538 = arith.constant 0 : i32
      %gt3A_1539 = vector.broadcast %gt3A_1538 : i32 to vector<16xi32>
      %gt3A_1540 = arith.cmpi sgt, %add3A_1537, %gt3A_1539 : vector<16xi32>
      %and3A_1541 = arith.andi %gt3A_1490, %gt3A_1540 : vector<16xi1>
      %and3A_1542 = arith.andi %eq3A_1482, %and3A_1541 : vector<16xi1>
      %jit3A_1543 = arith.constant 0 : i32
      %broadcast_in_dim3A_1544 = vector.broadcast %jit3A_1543 : i32 to vector<16xi32>
      %select_n3A_1545 = arith.select %and3A_1542, %broadcast_in_dim3A_1544, %select_n3A_1479 : vector<16xi1>, vector<16xi32>
      %eq3A_1546 = arith.cmpi eq, %iota3A, %select_n3A_1524 : vector<16xi32>
      %jit3A_1547 = arith.constant 0 : i32
      %broadcast_in_dim3A_1548 = vector.broadcast %jit3A_1547 : i32 to vector<16xi32>
      %select_n3A_1549 = arith.select %eq3A_1546, %broadcast_in_dim3A_1548, %select_n3A_1475 : vector<16xi1>, vector<16xi32>
      %eq3A_1550 = arith.cmpi eq, %add3A_5, %select_n3A_1524 : vector<16xi32>
      %jit3A_1551 = arith.constant 0 : i32
      %broadcast_in_dim3A_1552 = vector.broadcast %jit3A_1551 : i32 to vector<16xi32>
      %select_n3A_1553 = arith.select %eq3A_1550, %broadcast_in_dim3A_1552, %select_n3A_1545 : vector<16xi1>, vector<16xi32>
      %eq3A_1554 = arith.constant 5 : i32
      %eq3A_1555 = vector.broadcast %eq3A_1554 : i32 to vector<16xi32>
      %eq3A_1556 = arith.cmpi eq, %iota3A, %eq3A_1555 : vector<16xi32>
      %ne3A_1557 = arith.constant 0 : i32
      %ne3A_1558 = vector.broadcast %ne3A_1557 : i32 to vector<16xi32>
      %ne3A_1559 = arith.cmpi ne, %select_n3A_1553, %ne3A_1558 : vector<16xi32>
      %and3A_1560 = arith.andi %eq3A_1556, %ne3A_1559 : vector<16xi1>
      %all_reduce_population_count3A_1561 = tpu.all_reduce %and3A_1560 {dim = 0 : i64, kind = #tpu.reduction_kind<sum>} : vector<16xi1> -> vector<16xi32>
      %gt3A_1562 = arith.constant 0 : i32
      %gt3A_1563 = vector.broadcast %gt3A_1562 : i32 to vector<16xi32>
      %gt3A_1564 = arith.cmpi sgt, %all_reduce_population_count3A_1561, %gt3A_1563 : vector<16xi32>
      %get3A_1565 = arith.constant 5 : i32
      %get3A_1566 = arith.index_cast %get3A_1565 : i32 to index
      %get3A_1567 = arith.constant 32 : index
      %get3A_1568 = tpu.vector_load %arg5[%get3A_1566, %get3A_1567] {strides = array<i32>} : memref<8x128xi32, #tpu.memory_space<vmem>>, vector<16xi32>,
      %get3A_1569 = arith.constant 5 : i32
      %get3A_1570 = arith.index_cast %get3A_1569 : i32 to index
      %get3A_1571 = arith.constant 48 : index
      %get3A_1572 = tpu.vector_load %arg5[%get3A_1570, %get3A_1571] {strides = array<i32>} : memref<8x128xi32, #tpu.memory_space<vmem>>, vector<16xi32>,
      %get3A_1573 = arith.constant 5 : i32
      %get3A_1574 = arith.index_cast %get3A_1573 : i32 to index
      %get3A_1575 = arith.constant 32 : index
      %get3A_1576 = tpu.vector_load %arg6[%get3A_1574, %get3A_1575] {strides = array<i32>} : memref<8x128xi32, #tpu.memory_space<vmem>>, vector<16xi32>,
      %get3A_1577 = arith.constant 5 : i32
      %get3A_1578 = arith.index_cast %get3A_1577 : i32 to index
      %get3A_1579 = arith.constant 48 : index
      %get3A_1580 = tpu.vector_load %arg6[%get3A_1578, %get3A_1579] {strides = array<i32>} : memref<8x128xi32, #tpu.memory_space<vmem>>, vector<16xi32>,
      %ne3A_1581 = arith.constant 0 : i32
      %ne3A_1582 = vector.broadcast %ne3A_1581 : i32 to vector<16xi32>
      %ne3A_1583 = arith.cmpi ne, %get3A_1568, %ne3A_1582 : vector<16xi32>
      %all_reduce_ffs3A_1584 = tpu.all_reduce %ne3A_1583 {dim = 0 : i64, kind = #tpu.reduction_kind<find_first_set>} : vector<16xi1> -> vector<16xi32>
      %ne3A_1585 = arith.constant 0 : i32
      %ne3A_1586 = vector.broadcast %ne3A_1585 : i32 to vector<16xi32>
      %ne3A_1587 = arith.cmpi ne, %get3A_1572, %ne3A_1586 : vector<16xi32>
      %all_reduce_ffs3A_1588 = tpu.all_reduce %ne3A_1587 {dim = 0 : i64, kind = #tpu.reduction_kind<find_first_set>} : vector<16xi1> -> vector<16xi32>
      %lt3A_1589 = arith.constant 16 : i32
      %lt3A_1590 = vector.broadcast %lt3A_1589 : i32 to vector<16xi32>
      %lt3A_1591 = arith.cmpi slt, %all_reduce_ffs3A_1584, %lt3A_1590 : vector<16xi32>
      %add3A_1592 = arith.constant 16 : i32
      %add3A_1593 = vector.broadcast %add3A_1592 : i32 to vector<16xi32>
      %add3A_1594 = arith.addi %add3A_1593, %all_reduce_ffs3A_1588 : vector<16xi32>
      %select_n3A_1595 = arith.select %lt3A_1591, %all_reduce_ffs3A_1584, %add3A_1594 : vector<16xi1>, vector<16xi32>
      %jit3A_1596 = arith.constant 32 : i32
      %broadcast_in_dim3A_1597 = vector.broadcast %jit3A_1596 : i32 to vector<16xi32>
      %select_n3A_1598 = arith.select %gt3A_1564, %select_n3A_1595, %broadcast_in_dim3A_1597 : vector<16xi1>, vector<16xi32>
      %ne3A_1599 = arith.constant 0 : i32
      %ne3A_1600 = vector.broadcast %ne3A_1599 : i32 to vector<16xi32>
      %ne3A_1601 = arith.cmpi ne, %get3A_1576, %ne3A_1600 : vector<16xi32>
      %le3A_1602 = arith.cmpi sle, %iota3A, %select_n3A_1598 : vector<16xi32>
      %and3A_1603 = arith.andi %ne3A_1601, %le3A_1602 : vector<16xi1>
      %all_reduce_population_count3A_1604 = tpu.all_reduce %and3A_1603 {dim = 0 : i64, kind = #tpu.reduction_kind<sum>} : vector<16xi1> -> vector<16xi32>
      %ne3A_1605 = arith.constant 0 : i32
      %ne3A_1606 = vector.broadcast %ne3A_1605 : i32 to vector<16xi32>
      %ne3A_1607 = arith.cmpi ne, %get3A_1580, %ne3A_1606 : vector<16xi32>
      %le3A_1608 = arith.cmpi sle, %add3A_5, %select_n3A_1598 : vector<16xi32>
      %and3A_1609 = arith.andi %ne3A_1607, %le3A_1608 : vector<16xi1>
      %all_reduce_population_count3A_1610 = tpu.all_reduce %and3A_1609 {dim = 0 : i64, kind = #tpu.reduction_kind<sum>} : vector<16xi1> -> vector<16xi32>
      %add3A_1611 = arith.addi %all_reduce_population_count3A_1604, %all_reduce_population_count3A_1610 : vector<16xi32>
      %gt3A_1612 = arith.constant 0 : i32
      %gt3A_1613 = vector.broadcast %gt3A_1612 : i32 to vector<16xi32>
      %gt3A_1614 = arith.cmpi sgt, %add3A_1611, %gt3A_1613 : vector<16xi32>
      %and3A_1615 = arith.andi %gt3A_1564, %gt3A_1614 : vector<16xi1>
      %and3A_1616 = arith.andi %eq3A_1556, %and3A_1615 : vector<16xi1>
      %jit3A_1617 = arith.constant 0 : i32
      %broadcast_in_dim3A_1618 = vector.broadcast %jit3A_1617 : i32 to vector<16xi32>
      %select_n3A_1619 = arith.select %and3A_1616, %broadcast_in_dim3A_1618, %select_n3A_1553 : vector<16xi1>, vector<16xi32>
      %eq3A_1620 = arith.cmpi eq, %iota3A, %select_n3A_1598 : vector<16xi32>
      %jit3A_1621 = arith.constant 0 : i32
      %broadcast_in_dim3A_1622 = vector.broadcast %jit3A_1621 : i32 to vector<16xi32>
      %select_n3A_1623 = arith.select %eq3A_1620, %broadcast_in_dim3A_1622, %select_n3A_1549 : vector<16xi1>, vector<16xi32>
      %eq3A_1624 = arith.cmpi eq, %add3A_5, %select_n3A_1598 : vector<16xi32>
      %jit3A_1625 = arith.constant 0 : i32
      %broadcast_in_dim3A_1626 = vector.broadcast %jit3A_1625 : i32 to vector<16xi32>
      %select_n3A_1627 = arith.select %eq3A_1624, %broadcast_in_dim3A_1626, %select_n3A_1619 : vector<16xi1>, vector<16xi32>
      %eq3A_1628 = arith.constant 6 : i32
      %eq3A_1629 = vector.broadcast %eq3A_1628 : i32 to vector<16xi32>
      %eq3A_1630 = arith.cmpi eq, %iota3A, %eq3A_1629 : vector<16xi32>
      %ne3A_1631 = arith.constant 0 : i32
      %ne3A_1632 = vector.broadcast %ne3A_1631 : i32 to vector<16xi32>
      %ne3A_1633 = arith.cmpi ne, %select_n3A_1627, %ne3A_1632 : vector<16xi32>
      %and3A_1634 = arith.andi %eq3A_1630, %ne3A_1633 : vector<16xi1>
      %all_reduce_population_count3A_1635 = tpu.all_reduce %and3A_1634 {dim = 0 : i64, kind = #tpu.reduction_kind<sum>} : vector<16xi1> -> vector<16xi32>
      %gt3A_1636 = arith.constant 0 : i32
      %gt3A_1637 = vector.broadcast %gt3A_1636 : i32 to vector<16xi32>
      %gt3A_1638 = arith.cmpi sgt, %all_reduce_population_count3A_1635, %gt3A_1637 : vector<16xi32>
      %get3A_1639 = arith.constant 5 : i32
      %get3A_1640 = arith.index_cast %get3A_1639 : i32 to index
      %get3A_1641 = arith.constant 64 : index
      %get3A_1642 = tpu.vector_load %arg5[%get3A_1640, %get3A_1641] {strides = array<i32>} : memref<8x128xi32, #tpu.memory_space<vmem>>, vector<16xi32>,
      %get3A_1643 = arith.constant 5 : i32
      %get3A_1644 = arith.index_cast %get3A_1643 : i32 to index
      %get3A_1645 = arith.constant 80 : index
      %get3A_1646 = tpu.vector_load %arg5[%get3A_1644, %get3A_1645] {strides = array<i32>} : memref<8x128xi32, #tpu.memory_space<vmem>>, vector<16xi32>,
      %get3A_1647 = arith.constant 5 : i32
      %get3A_1648 = arith.index_cast %get3A_1647 : i32 to index
      %get3A_1649 = arith.constant 64 : index
      %get3A_1650 = tpu.vector_load %arg6[%get3A_1648, %get3A_1649] {strides = array<i32>} : memref<8x128xi32, #tpu.memory_space<vmem>>, vector<16xi32>,
      %get3A_1651 = arith.constant 5 : i32
      %get3A_1652 = arith.index_cast %get3A_1651 : i32 to index
      %get3A_1653 = arith.constant 80 : index
      %get3A_1654 = tpu.vector_load %arg6[%get3A_1652, %get3A_1653] {strides = array<i32>} : memref<8x128xi32, #tpu.memory_space<vmem>>, vector<16xi32>,
      %ne3A_1655 = arith.constant 0 : i32
      %ne3A_1656 = vector.broadcast %ne3A_1655 : i32 to vector<16xi32>
      %ne3A_1657 = arith.cmpi ne, %get3A_1642, %ne3A_1656 : vector<16xi32>
      %all_reduce_ffs3A_1658 = tpu.all_reduce %ne3A_1657 {dim = 0 : i64, kind = #tpu.reduction_kind<find_first_set>} : vector<16xi1> -> vector<16xi32>
      %ne3A_1659 = arith.constant 0 : i32
      %ne3A_1660 = vector.broadcast %ne3A_1659 : i32 to vector<16xi32>
      %ne3A_1661 = arith.cmpi ne, %get3A_1646, %ne3A_1660 : vector<16xi32>
      %all_reduce_ffs3A_1662 = tpu.all_reduce %ne3A_1661 {dim = 0 : i64, kind = #tpu.reduction_kind<find_first_set>} : vector<16xi1> -> vector<16xi32>
      %lt3A_1663 = arith.constant 16 : i32
      %lt3A_1664 = vector.broadcast %lt3A_1663 : i32 to vector<16xi32>
      %lt3A_1665 = arith.cmpi slt, %all_reduce_ffs3A_1658, %lt3A_1664 : vector<16xi32>
      %add3A_1666 = arith.constant 16 : i32
      %add3A_1667 = vector.broadcast %add3A_1666 : i32 to vector<16xi32>
      %add3A_1668 = arith.addi %add3A_1667, %all_reduce_ffs3A_1662 : vector<16xi32>
      %select_n3A_1669 = arith.select %lt3A_1665, %all_reduce_ffs3A_1658, %add3A_1668 : vector<16xi1>, vector<16xi32>
      %jit3A_1670 = arith.constant 32 : i32
      %broadcast_in_dim3A_1671 = vector.broadcast %jit3A_1670 : i32 to vector<16xi32>
      %select_n3A_1672 = arith.select %gt3A_1638, %select_n3A_1669, %broadcast_in_dim3A_1671 : vector<16xi1>, vector<16xi32>
      %ne3A_1673 = arith.constant 0 : i32
      %ne3A_1674 = vector.broadcast %ne3A_1673 : i32 to vector<16xi32>
      %ne3A_1675 = arith.cmpi ne, %get3A_1650, %ne3A_1674 : vector<16xi32>
      %le3A_1676 = arith.cmpi sle, %iota3A, %select_n3A_1672 : vector<16xi32>
      %and3A_1677 = arith.andi %ne3A_1675, %le3A_1676 : vector<16xi1>
      %all_reduce_population_count3A_1678 = tpu.all_reduce %and3A_1677 {dim = 0 : i64, kind = #tpu.reduction_kind<sum>} : vector<16xi1> -> vector<16xi32>
      %ne3A_1679 = arith.constant 0 : i32
      %ne3A_1680 = vector.broadcast %ne3A_1679 : i32 to vector<16xi32>
      %ne3A_1681 = arith.cmpi ne, %get3A_1654, %ne3A_1680 : vector<16xi32>
      %le3A_1682 = arith.cmpi sle, %add3A_5, %select_n3A_1672 : vector<16xi32>
      %and3A_1683 = arith.andi %ne3A_1681, %le3A_1682 : vector<16xi1>
      %all_reduce_population_count3A_1684 = tpu.all_reduce %and3A_1683 {dim = 0 : i64, kind = #tpu.reduction_kind<sum>} : vector<16xi1> -> vector<16xi32>
      %add3A_1685 = arith.addi %all_reduce_population_count3A_1678, %all_reduce_population_count3A_1684 : vector<16xi32>
      %gt3A_1686 = arith.constant 0 : i32
      %gt3A_1687 = vector.broadcast %gt3A_1686 : i32 to vector<16xi32>
      %gt3A_1688 = arith.cmpi sgt, %add3A_1685, %gt3A_1687 : vector<16xi32>
      %and3A_1689 = arith.andi %gt3A_1638, %gt3A_1688 : vector<16xi1>
      %and3A_1690 = arith.andi %eq3A_1630, %and3A_1689 : vector<16xi1>
      %jit3A_1691 = arith.constant 0 : i32
      %broadcast_in_dim3A_1692 = vector.broadcast %jit3A_1691 : i32 to vector<16xi32>
      %select_n3A_1693 = arith.select %and3A_1690, %broadcast_in_dim3A_1692, %select_n3A_1627 : vector<16xi1>, vector<16xi32>
      %eq3A_1694 = arith.cmpi eq, %iota3A, %select_n3A_1672 : vector<16xi32>
      %jit3A_1695 = arith.constant 0 : i32
      %broadcast_in_dim3A_1696 = vector.broadcast %jit3A_1695 : i32 to vector<16xi32>
      %select_n3A_1697 = arith.select %eq3A_1694, %broadcast_in_dim3A_1696, %select_n3A_1623 : vector<16xi1>, vector<16xi32>
      %eq3A_1698 = arith.cmpi eq, %add3A_5, %select_n3A_1672 : vector<16xi32>
      %jit3A_1699 = arith.constant 0 : i32
      %broadcast_in_dim3A_1700 = vector.broadcast %jit3A_1699 : i32 to vector<16xi32>
      %select_n3A_1701 = arith.select %eq3A_1698, %broadcast_in_dim3A_1700, %select_n3A_1693 : vector<16xi1>, vector<16xi32>
      %eq3A_1702 = arith.constant 7 : i32
      %eq3A_1703 = vector.broadcast %eq3A_1702 : i32 to vector<16xi32>
      %eq3A_1704 = arith.cmpi eq, %iota3A, %eq3A_1703 : vector<16xi32>
      %ne3A_1705 = arith.constant 0 : i32
      %ne3A_1706 = vector.broadcast %ne3A_1705 : i32 to vector<16xi32>
      %ne3A_1707 = arith.cmpi ne, %select_n3A_1701, %ne3A_1706 : vector<16xi32>
      %and3A_1708 = arith.andi %eq3A_1704, %ne3A_1707 : vector<16xi1>
      %all_reduce_population_count3A_1709 = tpu.all_reduce %and3A_1708 {dim = 0 : i64, kind = #tpu.reduction_kind<sum>} : vector<16xi1> -> vector<16xi32>
      %gt3A_1710 = arith.constant 0 : i32
      %gt3A_1711 = vector.broadcast %gt3A_1710 : i32 to vector<16xi32>
      %gt3A_1712 = arith.cmpi sgt, %all_reduce_population_count3A_1709, %gt3A_1711 : vector<16xi32>
      %get3A_1713 = arith.constant 5 : i32
      %get3A_1714 = arith.index_cast %get3A_1713 : i32 to index
      %get3A_1715 = arith.constant 96 : index
      %get3A_1716 = tpu.vector_load %arg5[%get3A_1714, %get3A_1715] {strides = array<i32>} : memref<8x128xi32, #tpu.memory_space<vmem>>, vector<16xi32>,
      %get3A_1717 = arith.constant 5 : i32
      %get3A_1718 = arith.index_cast %get3A_1717 : i32 to index
      %get3A_1719 = arith.constant 112 : index
      %get3A_1720 = tpu.vector_load %arg5[%get3A_1718, %get3A_1719] {strides = array<i32>} : memref<8x128xi32, #tpu.memory_space<vmem>>, vector<16xi32>,
      %get3A_1721 = arith.constant 5 : i32
      %get3A_1722 = arith.index_cast %get3A_1721 : i32 to index
      %get3A_1723 = arith.constant 96 : index
      %get3A_1724 = tpu.vector_load %arg6[%get3A_1722, %get3A_1723] {strides = array<i32>} : memref<8x128xi32, #tpu.memory_space<vmem>>, vector<16xi32>,
      %get3A_1725 = arith.constant 5 : i32
      %get3A_1726 = arith.index_cast %get3A_1725 : i32 to index
      %get3A_1727 = arith.constant 112 : index
      %get3A_1728 = tpu.vector_load %arg6[%get3A_1726, %get3A_1727] {strides = array<i32>} : memref<8x128xi32, #tpu.memory_space<vmem>>, vector<16xi32>,
      %ne3A_1729 = arith.constant 0 : i32
      %ne3A_1730 = vector.broadcast %ne3A_1729 : i32 to vector<16xi32>
      %ne3A_1731 = arith.cmpi ne, %get3A_1716, %ne3A_1730 : vector<16xi32>
      %all_reduce_ffs3A_1732 = tpu.all_reduce %ne3A_1731 {dim = 0 : i64, kind = #tpu.reduction_kind<find_first_set>} : vector<16xi1> -> vector<16xi32>
      %ne3A_1733 = arith.constant 0 : i32
      %ne3A_1734 = vector.broadcast %ne3A_1733 : i32 to vector<16xi32>
      %ne3A_1735 = arith.cmpi ne, %get3A_1720, %ne3A_1734 : vector<16xi32>
      %all_reduce_ffs3A_1736 = tpu.all_reduce %ne3A_1735 {dim = 0 : i64, kind = #tpu.reduction_kind<find_first_set>} : vector<16xi1> -> vector<16xi32>
      %lt3A_1737 = arith.constant 16 : i32
      %lt3A_1738 = vector.broadcast %lt3A_1737 : i32 to vector<16xi32>
      %lt3A_1739 = arith.cmpi slt, %all_reduce_ffs3A_1732, %lt3A_1738 : vector<16xi32>
      %add3A_1740 = arith.constant 16 : i32
      %add3A_1741 = vector.broadcast %add3A_1740 : i32 to vector<16xi32>
      %add3A_1742 = arith.addi %add3A_1741, %all_reduce_ffs3A_1736 : vector<16xi32>
      %select_n3A_1743 = arith.select %lt3A_1739, %all_reduce_ffs3A_1732, %add3A_1742 : vector<16xi1>, vector<16xi32>
      %jit3A_1744 = arith.constant 32 : i32
      %broadcast_in_dim3A_1745 = vector.broadcast %jit3A_1744 : i32 to vector<16xi32>
      %select_n3A_1746 = arith.select %gt3A_1712, %select_n3A_1743, %broadcast_in_dim3A_1745 : vector<16xi1>, vector<16xi32>
      %ne3A_1747 = arith.constant 0 : i32
      %ne3A_1748 = vector.broadcast %ne3A_1747 : i32 to vector<16xi32>
      %ne3A_1749 = arith.cmpi ne, %get3A_1724, %ne3A_1748 : vector<16xi32>
      %le3A_1750 = arith.cmpi sle, %iota3A, %select_n3A_1746 : vector<16xi32>
      %and3A_1751 = arith.andi %ne3A_1749, %le3A_1750 : vector<16xi1>
      %all_reduce_population_count3A_1752 = tpu.all_reduce %and3A_1751 {dim = 0 : i64, kind = #tpu.reduction_kind<sum>} : vector<16xi1> -> vector<16xi32>
      %ne3A_1753 = arith.constant 0 : i32
      %ne3A_1754 = vector.broadcast %ne3A_1753 : i32 to vector<16xi32>
      %ne3A_1755 = arith.cmpi ne, %get3A_1728, %ne3A_1754 : vector<16xi32>
      %le3A_1756 = arith.cmpi sle, %add3A_5, %select_n3A_1746 : vector<16xi32>
      %and3A_1757 = arith.andi %ne3A_1755, %le3A_1756 : vector<16xi1>
      %all_reduce_population_count3A_1758 = tpu.all_reduce %and3A_1757 {dim = 0 : i64, kind = #tpu.reduction_kind<sum>} : vector<16xi1> -> vector<16xi32>
      %add3A_1759 = arith.addi %all_reduce_population_count3A_1752, %all_reduce_population_count3A_1758 : vector<16xi32>
      %gt3A_1760 = arith.constant 0 : i32
      %gt3A_1761 = vector.broadcast %gt3A_1760 : i32 to vector<16xi32>
      %gt3A_1762 = arith.cmpi sgt, %add3A_1759, %gt3A_1761 : vector<16xi32>
      %and3A_1763 = arith.andi %gt3A_1712, %gt3A_1762 : vector<16xi1>
      %and3A_1764 = arith.andi %eq3A_1704, %and3A_1763 : vector<16xi1>
      %jit3A_1765 = arith.constant 0 : i32
      %broadcast_in_dim3A_1766 = vector.broadcast %jit3A_1765 : i32 to vector<16xi32>
      %select_n3A_1767 = arith.select %and3A_1764, %broadcast_in_dim3A_1766, %select_n3A_1701 : vector<16xi1>, vector<16xi32>
      %eq3A_1768 = arith.cmpi eq, %iota3A, %select_n3A_1746 : vector<16xi32>
      %jit3A_1769 = arith.constant 0 : i32
      %broadcast_in_dim3A_1770 = vector.broadcast %jit3A_1769 : i32 to vector<16xi32>
      %select_n3A_1771 = arith.select %eq3A_1768, %broadcast_in_dim3A_1770, %select_n3A_1697 : vector<16xi1>, vector<16xi32>
      %eq3A_1772 = arith.cmpi eq, %add3A_5, %select_n3A_1746 : vector<16xi32>
      %jit3A_1773 = arith.constant 0 : i32
      %broadcast_in_dim3A_1774 = vector.broadcast %jit3A_1773 : i32 to vector<16xi32>
      %select_n3A_1775 = arith.select %eq3A_1772, %broadcast_in_dim3A_1774, %select_n3A_1767 : vector<16xi1>, vector<16xi32>
      %eq3A_1776 = arith.constant 8 : i32
      %eq3A_1777 = vector.broadcast %eq3A_1776 : i32 to vector<16xi32>
      %eq3A_1778 = arith.cmpi eq, %iota3A, %eq3A_1777 : vector<16xi32>
      %ne3A_1779 = arith.constant 0 : i32
      %ne3A_1780 = vector.broadcast %ne3A_1779 : i32 to vector<16xi32>
      %ne3A_1781 = arith.cmpi ne, %select_n3A_1775, %ne3A_1780 : vector<16xi32>
      %and3A_1782 = arith.andi %eq3A_1778, %ne3A_1781 : vector<16xi1>
      %all_reduce_population_count3A_1783 = tpu.all_reduce %and3A_1782 {dim = 0 : i64, kind = #tpu.reduction_kind<sum>} : vector<16xi1> -> vector<16xi32>
      %gt3A_1784 = arith.constant 0 : i32
      %gt3A_1785 = vector.broadcast %gt3A_1784 : i32 to vector<16xi32>
      %gt3A_1786 = arith.cmpi sgt, %all_reduce_population_count3A_1783, %gt3A_1785 : vector<16xi32>
      %get3A_1787 = arith.constant 6 : i32
      %get3A_1788 = arith.index_cast %get3A_1787 : i32 to index
      %get3A_1789 = arith.constant 0 : index
      %get3A_1790 = tpu.vector_load %arg5[%get3A_1788, %get3A_1789] {strides = array<i32>} : memref<8x128xi32, #tpu.memory_space<vmem>>, vector<16xi32>,
      %get3A_1791 = arith.constant 6 : i32
      %get3A_1792 = arith.index_cast %get3A_1791 : i32 to index
      %get3A_1793 = arith.constant 16 : index
      %get3A_1794 = tpu.vector_load %arg5[%get3A_1792, %get3A_1793] {strides = array<i32>} : memref<8x128xi32, #tpu.memory_space<vmem>>, vector<16xi32>,
      %get3A_1795 = arith.constant 6 : i32
      %get3A_1796 = arith.index_cast %get3A_1795 : i32 to index
      %get3A_1797 = arith.constant 0 : index
      %get3A_1798 = tpu.vector_load %arg6[%get3A_1796, %get3A_1797] {strides = array<i32>} : memref<8x128xi32, #tpu.memory_space<vmem>>, vector<16xi32>,
      %get3A_1799 = arith.constant 6 : i32
      %get3A_1800 = arith.index_cast %get3A_1799 : i32 to index
      %get3A_1801 = arith.constant 16 : index
      %get3A_1802 = tpu.vector_load %arg6[%get3A_1800, %get3A_1801] {strides = array<i32>} : memref<8x128xi32, #tpu.memory_space<vmem>>, vector<16xi32>,
      %ne3A_1803 = arith.constant 0 : i32
      %ne3A_1804 = vector.broadcast %ne3A_1803 : i32 to vector<16xi32>
      %ne3A_1805 = arith.cmpi ne, %get3A_1790, %ne3A_1804 : vector<16xi32>
      %all_reduce_ffs3A_1806 = tpu.all_reduce %ne3A_1805 {dim = 0 : i64, kind = #tpu.reduction_kind<find_first_set>} : vector<16xi1> -> vector<16xi32>
      %ne3A_1807 = arith.constant 0 : i32
      %ne3A_1808 = vector.broadcast %ne3A_1807 : i32 to vector<16xi32>
      %ne3A_1809 = arith.cmpi ne, %get3A_1794, %ne3A_1808 : vector<16xi32>
      %all_reduce_ffs3A_1810 = tpu.all_reduce %ne3A_1809 {dim = 0 : i64, kind = #tpu.reduction_kind<find_first_set>} : vector<16xi1> -> vector<16xi32>
      %lt3A_1811 = arith.constant 16 : i32
      %lt3A_1812 = vector.broadcast %lt3A_1811 : i32 to vector<16xi32>
      %lt3A_1813 = arith.cmpi slt, %all_reduce_ffs3A_1806, %lt3A_1812 : vector<16xi32>
      %add3A_1814 = arith.constant 16 : i32
      %add3A_1815 = vector.broadcast %add3A_1814 : i32 to vector<16xi32>
      %add3A_1816 = arith.addi %add3A_1815, %all_reduce_ffs3A_1810 : vector<16xi32>
      %select_n3A_1817 = arith.select %lt3A_1813, %all_reduce_ffs3A_1806, %add3A_1816 : vector<16xi1>, vector<16xi32>
      %jit3A_1818 = arith.constant 32 : i32
      %broadcast_in_dim3A_1819 = vector.broadcast %jit3A_1818 : i32 to vector<16xi32>
      %select_n3A_1820 = arith.select %gt3A_1786, %select_n3A_1817, %broadcast_in_dim3A_1819 : vector<16xi1>, vector<16xi32>
      %ne3A_1821 = arith.constant 0 : i32
      %ne3A_1822 = vector.broadcast %ne3A_1821 : i32 to vector<16xi32>
      %ne3A_1823 = arith.cmpi ne, %get3A_1798, %ne3A_1822 : vector<16xi32>
      %le3A_1824 = arith.cmpi sle, %iota3A, %select_n3A_1820 : vector<16xi32>
      %and3A_1825 = arith.andi %ne3A_1823, %le3A_1824 : vector<16xi1>
      %all_reduce_population_count3A_1826 = tpu.all_reduce %and3A_1825 {dim = 0 : i64, kind = #tpu.reduction_kind<sum>} : vector<16xi1> -> vector<16xi32>
      %ne3A_1827 = arith.constant 0 : i32
      %ne3A_1828 = vector.broadcast %ne3A_1827 : i32 to vector<16xi32>
      %ne3A_1829 = arith.cmpi ne, %get3A_1802, %ne3A_1828 : vector<16xi32>
      %le3A_1830 = arith.cmpi sle, %add3A_5, %select_n3A_1820 : vector<16xi32>
      %and3A_1831 = arith.andi %ne3A_1829, %le3A_1830 : vector<16xi1>
      %all_reduce_population_count3A_1832 = tpu.all_reduce %and3A_1831 {dim = 0 : i64, kind = #tpu.reduction_kind<sum>} : vector<16xi1> -> vector<16xi32>
      %add3A_1833 = arith.addi %all_reduce_population_count3A_1826, %all_reduce_population_count3A_1832 : vector<16xi32>
      %gt3A_1834 = arith.constant 0 : i32
      %gt3A_1835 = vector.broadcast %gt3A_1834 : i32 to vector<16xi32>
      %gt3A_1836 = arith.cmpi sgt, %add3A_1833, %gt3A_1835 : vector<16xi32>
      %and3A_1837 = arith.andi %gt3A_1786, %gt3A_1836 : vector<16xi1>
      %and3A_1838 = arith.andi %eq3A_1778, %and3A_1837 : vector<16xi1>
      %jit3A_1839 = arith.constant 0 : i32
      %broadcast_in_dim3A_1840 = vector.broadcast %jit3A_1839 : i32 to vector<16xi32>
      %select_n3A_1841 = arith.select %and3A_1838, %broadcast_in_dim3A_1840, %select_n3A_1775 : vector<16xi1>, vector<16xi32>
      %eq3A_1842 = arith.cmpi eq, %iota3A, %select_n3A_1820 : vector<16xi32>
      %jit3A_1843 = arith.constant 0 : i32
      %broadcast_in_dim3A_1844 = vector.broadcast %jit3A_1843 : i32 to vector<16xi32>
      %select_n3A_1845 = arith.select %eq3A_1842, %broadcast_in_dim3A_1844, %select_n3A_1771 : vector<16xi1>, vector<16xi32>
      %eq3A_1846 = arith.cmpi eq, %add3A_5, %select_n3A_1820 : vector<16xi32>
      %jit3A_1847 = arith.constant 0 : i32
      %broadcast_in_dim3A_1848 = vector.broadcast %jit3A_1847 : i32 to vector<16xi32>
      %select_n3A_1849 = arith.select %eq3A_1846, %broadcast_in_dim3A_1848, %select_n3A_1841 : vector<16xi1>, vector<16xi32>
      %eq3A_1850 = arith.constant 9 : i32
      %eq3A_1851 = vector.broadcast %eq3A_1850 : i32 to vector<16xi32>
      %eq3A_1852 = arith.cmpi eq, %iota3A, %eq3A_1851 : vector<16xi32>
      %ne3A_1853 = arith.constant 0 : i32
      %ne3A_1854 = vector.broadcast %ne3A_1853 : i32 to vector<16xi32>
      %ne3A_1855 = arith.cmpi ne, %select_n3A_1849, %ne3A_1854 : vector<16xi32>
      %and3A_1856 = arith.andi %eq3A_1852, %ne3A_1855 : vector<16xi1>
      %all_reduce_population_count3A_1857 = tpu.all_reduce %and3A_1856 {dim = 0 : i64, kind = #tpu.reduction_kind<sum>} : vector<16xi1> -> vector<16xi32>
      %gt3A_1858 = arith.constant 0 : i32
      %gt3A_1859 = vector.broadcast %gt3A_1858 : i32 to vector<16xi32>
      %gt3A_1860 = arith.cmpi sgt, %all_reduce_population_count3A_1857, %gt3A_1859 : vector<16xi32>
      %get3A_1861 = arith.constant 6 : i32
      %get3A_1862 = arith.index_cast %get3A_1861 : i32 to index
      %get3A_1863 = arith.constant 32 : index
      %get3A_1864 = tpu.vector_load %arg5[%get3A_1862, %get3A_1863] {strides = array<i32>} : memref<8x128xi32, #tpu.memory_space<vmem>>, vector<16xi32>,
      %get3A_1865 = arith.constant 6 : i32
      %get3A_1866 = arith.index_cast %get3A_1865 : i32 to index
      %get3A_1867 = arith.constant 48 : index
      %get3A_1868 = tpu.vector_load %arg5[%get3A_1866, %get3A_1867] {strides = array<i32>} : memref<8x128xi32, #tpu.memory_space<vmem>>, vector<16xi32>,
      %get3A_1869 = arith.constant 6 : i32
      %get3A_1870 = arith.index_cast %get3A_1869 : i32 to index
      %get3A_1871 = arith.constant 32 : index
      %get3A_1872 = tpu.vector_load %arg6[%get3A_1870, %get3A_1871] {strides = array<i32>} : memref<8x128xi32, #tpu.memory_space<vmem>>, vector<16xi32>,
      %get3A_1873 = arith.constant 6 : i32
      %get3A_1874 = arith.index_cast %get3A_1873 : i32 to index
      %get3A_1875 = arith.constant 48 : index
      %get3A_1876 = tpu.vector_load %arg6[%get3A_1874, %get3A_1875] {strides = array<i32>} : memref<8x128xi32, #tpu.memory_space<vmem>>, vector<16xi32>,
      %ne3A_1877 = arith.constant 0 : i32
      %ne3A_1878 = vector.broadcast %ne3A_1877 : i32 to vector<16xi32>
      %ne3A_1879 = arith.cmpi ne, %get3A_1864, %ne3A_1878 : vector<16xi32>
      %all_reduce_ffs3A_1880 = tpu.all_reduce %ne3A_1879 {dim = 0 : i64, kind = #tpu.reduction_kind<find_first_set>} : vector<16xi1> -> vector<16xi32>
      %ne3A_1881 = arith.constant 0 : i32
      %ne3A_1882 = vector.broadcast %ne3A_1881 : i32 to vector<16xi32>
      %ne3A_1883 = arith.cmpi ne, %get3A_1868, %ne3A_1882 : vector<16xi32>
      %all_reduce_ffs3A_1884 = tpu.all_reduce %ne3A_1883 {dim = 0 : i64, kind = #tpu.reduction_kind<find_first_set>} : vector<16xi1> -> vector<16xi32>
      %lt3A_1885 = arith.constant 16 : i32
      %lt3A_1886 = vector.broadcast %lt3A_1885 : i32 to vector<16xi32>
      %lt3A_1887 = arith.cmpi slt, %all_reduce_ffs3A_1880, %lt3A_1886 : vector<16xi32>
      %add3A_1888 = arith.constant 16 : i32
      %add3A_1889 = vector.broadcast %add3A_1888 : i32 to vector<16xi32>
      %add3A_1890 = arith.addi %add3A_1889, %all_reduce_ffs3A_1884 : vector<16xi32>
      %select_n3A_1891 = arith.select %lt3A_1887, %all_reduce_ffs3A_1880, %add3A_1890 : vector<16xi1>, vector<16xi32>
      %jit3A_1892 = arith.constant 32 : i32
      %broadcast_in_dim3A_1893 = vector.broadcast %jit3A_1892 : i32 to vector<16xi32>
      %select_n3A_1894 = arith.select %gt3A_1860, %select_n3A_1891, %broadcast_in_dim3A_1893 : vector<16xi1>, vector<16xi32>
      %ne3A_1895 = arith.constant 0 : i32
      %ne3A_1896 = vector.broadcast %ne3A_1895 : i32 to vector<16xi32>
      %ne3A_1897 = arith.cmpi ne, %get3A_1872, %ne3A_1896 : vector<16xi32>
      %le3A_1898 = arith.cmpi sle, %iota3A, %select_n3A_1894 : vector<16xi32>
      %and3A_1899 = arith.andi %ne3A_1897, %le3A_1898 : vector<16xi1>
      %all_reduce_population_count3A_1900 = tpu.all_reduce %and3A_1899 {dim = 0 : i64, kind = #tpu.reduction_kind<sum>} : vector<16xi1> -> vector<16xi32>
      %ne3A_1901 = arith.constant 0 : i32
      %ne3A_1902 = vector.broadcast %ne3A_1901 : i32 to vector<16xi32>
      %ne3A_1903 = arith.cmpi ne, %get3A_1876, %ne3A_1902 : vector<16xi32>
      %le3A_1904 = arith.cmpi sle, %add3A_5, %select_n3A_1894 : vector<16xi32>
      %and3A_1905 = arith.andi %ne3A_1903, %le3A_1904 : vector<16xi1>
      %all_reduce_population_count3A_1906 = tpu.all_reduce %and3A_1905 {dim = 0 : i64, kind = #tpu.reduction_kind<sum>} : vector<16xi1> -> vector<16xi32>
      %add3A_1907 = arith.addi %all_reduce_population_count3A_1900, %all_reduce_population_count3A_1906 : vector<16xi32>
      %gt3A_1908 = arith.constant 0 : i32
      %gt3A_1909 = vector.broadcast %gt3A_1908 : i32 to vector<16xi32>
      %gt3A_1910 = arith.cmpi sgt, %add3A_1907, %gt3A_1909 : vector<16xi32>
      %and3A_1911 = arith.andi %gt3A_1860, %gt3A_1910 : vector<16xi1>
      %and3A_1912 = arith.andi %eq3A_1852, %and3A_1911 : vector<16xi1>
      %jit3A_1913 = arith.constant 0 : i32
      %broadcast_in_dim3A_1914 = vector.broadcast %jit3A_1913 : i32 to vector<16xi32>
      %select_n3A_1915 = arith.select %and3A_1912, %broadcast_in_dim3A_1914, %select_n3A_1849 : vector<16xi1>, vector<16xi32>
      %eq3A_1916 = arith.cmpi eq, %iota3A, %select_n3A_1894 : vector<16xi32>
      %jit3A_1917 = arith.constant 0 : i32
      %broadcast_in_dim3A_1918 = vector.broadcast %jit3A_1917 : i32 to vector<16xi32>
      %select_n3A_1919 = arith.select %eq3A_1916, %broadcast_in_dim3A_1918, %select_n3A_1845 : vector<16xi1>, vector<16xi32>
      %eq3A_1920 = arith.cmpi eq, %add3A_5, %select_n3A_1894 : vector<16xi32>
      %jit3A_1921 = arith.constant 0 : i32
      %broadcast_in_dim3A_1922 = vector.broadcast %jit3A_1921 : i32 to vector<16xi32>
      %select_n3A_1923 = arith.select %eq3A_1920, %broadcast_in_dim3A_1922, %select_n3A_1915 : vector<16xi1>, vector<16xi32>
      %eq3A_1924 = arith.constant 10 : i32
      %eq3A_1925 = vector.broadcast %eq3A_1924 : i32 to vector<16xi32>
      %eq3A_1926 = arith.cmpi eq, %iota3A, %eq3A_1925 : vector<16xi32>
      %ne3A_1927 = arith.constant 0 : i32
      %ne3A_1928 = vector.broadcast %ne3A_1927 : i32 to vector<16xi32>
      %ne3A_1929 = arith.cmpi ne, %select_n3A_1923, %ne3A_1928 : vector<16xi32>
      %and3A_1930 = arith.andi %eq3A_1926, %ne3A_1929 : vector<16xi1>
      %all_reduce_population_count3A_1931 = tpu.all_reduce %and3A_1930 {dim = 0 : i64, kind = #tpu.reduction_kind<sum>} : vector<16xi1> -> vector<16xi32>
      %gt3A_1932 = arith.constant 0 : i32
      %gt3A_1933 = vector.broadcast %gt3A_1932 : i32 to vector<16xi32>
      %gt3A_1934 = arith.cmpi sgt, %all_reduce_population_count3A_1931, %gt3A_1933 : vector<16xi32>
      %get3A_1935 = arith.constant 6 : i32
      %get3A_1936 = arith.index_cast %get3A_1935 : i32 to index
      %get3A_1937 = arith.constant 64 : index
      %get3A_1938 = tpu.vector_load %arg5[%get3A_1936, %get3A_1937] {strides = array<i32>} : memref<8x128xi32, #tpu.memory_space<vmem>>, vector<16xi32>,
      %get3A_1939 = arith.constant 6 : i32
      %get3A_1940 = arith.index_cast %get3A_1939 : i32 to index
      %get3A_1941 = arith.constant 80 : index
      %get3A_1942 = tpu.vector_load %arg5[%get3A_1940, %get3A_1941] {strides = array<i32>} : memref<8x128xi32, #tpu.memory_space<vmem>>, vector<16xi32>,
      %get3A_1943 = arith.constant 6 : i32
      %get3A_1944 = arith.index_cast %get3A_1943 : i32 to index
      %get3A_1945 = arith.constant 64 : index
      %get3A_1946 = tpu.vector_load %arg6[%get3A_1944, %get3A_1945] {strides = array<i32>} : memref<8x128xi32, #tpu.memory_space<vmem>>, vector<16xi32>,
      %get3A_1947 = arith.constant 6 : i32
      %get3A_1948 = arith.index_cast %get3A_1947 : i32 to index
      %get3A_1949 = arith.constant 80 : index
      %get3A_1950 = tpu.vector_load %arg6[%get3A_1948, %get3A_1949] {strides = array<i32>} : memref<8x128xi32, #tpu.memory_space<vmem>>, vector<16xi32>,
      %ne3A_1951 = arith.constant 0 : i32
      %ne3A_1952 = vector.broadcast %ne3A_1951 : i32 to vector<16xi32>
      %ne3A_1953 = arith.cmpi ne, %get3A_1938, %ne3A_1952 : vector<16xi32>
      %all_reduce_ffs3A_1954 = tpu.all_reduce %ne3A_1953 {dim = 0 : i64, kind = #tpu.reduction_kind<find_first_set>} : vector<16xi1> -> vector<16xi32>
      %ne3A_1955 = arith.constant 0 : i32
      %ne3A_1956 = vector.broadcast %ne3A_1955 : i32 to vector<16xi32>
      %ne3A_1957 = arith.cmpi ne, %get3A_1942, %ne3A_1956 : vector<16xi32>
      %all_reduce_ffs3A_1958 = tpu.all_reduce %ne3A_1957 {dim = 0 : i64, kind = #tpu.reduction_kind<find_first_set>} : vector<16xi1> -> vector<16xi32>
      %lt3A_1959 = arith.constant 16 : i32
      %lt3A_1960 = vector.broadcast %lt3A_1959 : i32 to vector<16xi32>
      %lt3A_1961 = arith.cmpi slt, %all_reduce_ffs3A_1954, %lt3A_1960 : vector<16xi32>
      %add3A_1962 = arith.constant 16 : i32
      %add3A_1963 = vector.broadcast %add3A_1962 : i32 to vector<16xi32>
      %add3A_1964 = arith.addi %add3A_1963, %all_reduce_ffs3A_1958 : vector<16xi32>
      %select_n3A_1965 = arith.select %lt3A_1961, %all_reduce_ffs3A_1954, %add3A_1964 : vector<16xi1>, vector<16xi32>
      %jit3A_1966 = arith.constant 32 : i32
      %broadcast_in_dim3A_1967 = vector.broadcast %jit3A_1966 : i32 to vector<16xi32>
      %select_n3A_1968 = arith.select %gt3A_1934, %select_n3A_1965, %broadcast_in_dim3A_1967 : vector<16xi1>, vector<16xi32>
      %ne3A_1969 = arith.constant 0 : i32
      %ne3A_1970 = vector.broadcast %ne3A_1969 : i32 to vector<16xi32>
      %ne3A_1971 = arith.cmpi ne, %get3A_1946, %ne3A_1970 : vector<16xi32>
      %le3A_1972 = arith.cmpi sle, %iota3A, %select_n3A_1968 : vector<16xi32>
      %and3A_1973 = arith.andi %ne3A_1971, %le3A_1972 : vector<16xi1>
      %all_reduce_population_count3A_1974 = tpu.all_reduce %and3A_1973 {dim = 0 : i64, kind = #tpu.reduction_kind<sum>} : vector<16xi1> -> vector<16xi32>
      %ne3A_1975 = arith.constant 0 : i32
      %ne3A_1976 = vector.broadcast %ne3A_1975 : i32 to vector<16xi32>
      %ne3A_1977 = arith.cmpi ne, %get3A_1950, %ne3A_1976 : vector<16xi32>
      %le3A_1978 = arith.cmpi sle, %add3A_5, %select_n3A_1968 : vector<16xi32>
      %and3A_1979 = arith.andi %ne3A_1977, %le3A_1978 : vector<16xi1>
      %all_reduce_population_count3A_1980 = tpu.all_reduce %and3A_1979 {dim = 0 : i64, kind = #tpu.reduction_kind<sum>} : vector<16xi1> -> vector<16xi32>
      %add3A_1981 = arith.addi %all_reduce_population_count3A_1974, %all_reduce_population_count3A_1980 : vector<16xi32>
      %gt3A_1982 = arith.constant 0 : i32
      %gt3A_1983 = vector.broadcast %gt3A_1982 : i32 to vector<16xi32>
      %gt3A_1984 = arith.cmpi sgt, %add3A_1981, %gt3A_1983 : vector<16xi32>
      %and3A_1985 = arith.andi %gt3A_1934, %gt3A_1984 : vector<16xi1>
      %and3A_1986 = arith.andi %eq3A_1926, %and3A_1985 : vector<16xi1>
      %jit3A_1987 = arith.constant 0 : i32
      %broadcast_in_dim3A_1988 = vector.broadcast %jit3A_1987 : i32 to vector<16xi32>
      %select_n3A_1989 = arith.select %and3A_1986, %broadcast_in_dim3A_1988, %select_n3A_1923 : vector<16xi1>, vector<16xi32>
      %eq3A_1990 = arith.cmpi eq, %iota3A, %select_n3A_1968 : vector<16xi32>
      %jit3A_1991 = arith.constant 0 : i32
      %broadcast_in_dim3A_1992 = vector.broadcast %jit3A_1991 : i32 to vector<16xi32>
      %select_n3A_1993 = arith.select %eq3A_1990, %broadcast_in_dim3A_1992, %select_n3A_1919 : vector<16xi1>, vector<16xi32>
      %eq3A_1994 = arith.cmpi eq, %add3A_5, %select_n3A_1968 : vector<16xi32>
      %jit3A_1995 = arith.constant 0 : i32
      %broadcast_in_dim3A_1996 = vector.broadcast %jit3A_1995 : i32 to vector<16xi32>
      %select_n3A_1997 = arith.select %eq3A_1994, %broadcast_in_dim3A_1996, %select_n3A_1989 : vector<16xi1>, vector<16xi32>
      %eq3A_1998 = arith.constant 11 : i32
      %eq3A_1999 = vector.broadcast %eq3A_1998 : i32 to vector<16xi32>
      %eq3A_2000 = arith.cmpi eq, %iota3A, %eq3A_1999 : vector<16xi32>
      %ne3A_2001 = arith.constant 0 : i32
      %ne3A_2002 = vector.broadcast %ne3A_2001 : i32 to vector<16xi32>
      %ne3A_2003 = arith.cmpi ne, %select_n3A_1997, %ne3A_2002 : vector<16xi32>
      %and3A_2004 = arith.andi %eq3A_2000, %ne3A_2003 : vector<16xi1>
      %all_reduce_population_count3A_2005 = tpu.all_reduce %and3A_2004 {dim = 0 : i64, kind = #tpu.reduction_kind<sum>} : vector<16xi1> -> vector<16xi32>
      %gt3A_2006 = arith.constant 0 : i32
      %gt3A_2007 = vector.broadcast %gt3A_2006 : i32 to vector<16xi32>
      %gt3A_2008 = arith.cmpi sgt, %all_reduce_population_count3A_2005, %gt3A_2007 : vector<16xi32>
      %get3A_2009 = arith.constant 6 : i32
      %get3A_2010 = arith.index_cast %get3A_2009 : i32 to index
      %get3A_2011 = arith.constant 96 : index
      %get3A_2012 = tpu.vector_load %arg5[%get3A_2010, %get3A_2011] {strides = array<i32>} : memref<8x128xi32, #tpu.memory_space<vmem>>, vector<16xi32>,
      %get3A_2013 = arith.constant 6 : i32
      %get3A_2014 = arith.index_cast %get3A_2013 : i32 to index
      %get3A_2015 = arith.constant 112 : index
      %get3A_2016 = tpu.vector_load %arg5[%get3A_2014, %get3A_2015] {strides = array<i32>} : memref<8x128xi32, #tpu.memory_space<vmem>>, vector<16xi32>,
      %get3A_2017 = arith.constant 6 : i32
      %get3A_2018 = arith.index_cast %get3A_2017 : i32 to index
      %get3A_2019 = arith.constant 96 : index
      %get3A_2020 = tpu.vector_load %arg6[%get3A_2018, %get3A_2019] {strides = array<i32>} : memref<8x128xi32, #tpu.memory_space<vmem>>, vector<16xi32>,
      %get3A_2021 = arith.constant 6 : i32
      %get3A_2022 = arith.index_cast %get3A_2021 : i32 to index
      %get3A_2023 = arith.constant 112 : index
      %get3A_2024 = tpu.vector_load %arg6[%get3A_2022, %get3A_2023] {strides = array<i32>} : memref<8x128xi32, #tpu.memory_space<vmem>>, vector<16xi32>,
      %ne3A_2025 = arith.constant 0 : i32
      %ne3A_2026 = vector.broadcast %ne3A_2025 : i32 to vector<16xi32>
      %ne3A_2027 = arith.cmpi ne, %get3A_2012, %ne3A_2026 : vector<16xi32>
      %all_reduce_ffs3A_2028 = tpu.all_reduce %ne3A_2027 {dim = 0 : i64, kind = #tpu.reduction_kind<find_first_set>} : vector<16xi1> -> vector<16xi32>
      %ne3A_2029 = arith.constant 0 : i32
      %ne3A_2030 = vector.broadcast %ne3A_2029 : i32 to vector<16xi32>
      %ne3A_2031 = arith.cmpi ne, %get3A_2016, %ne3A_2030 : vector<16xi32>
      %all_reduce_ffs3A_2032 = tpu.all_reduce %ne3A_2031 {dim = 0 : i64, kind = #tpu.reduction_kind<find_first_set>} : vector<16xi1> -> vector<16xi32>
      %lt3A_2033 = arith.constant 16 : i32
      %lt3A_2034 = vector.broadcast %lt3A_2033 : i32 to vector<16xi32>
      %lt3A_2035 = arith.cmpi slt, %all_reduce_ffs3A_2028, %lt3A_2034 : vector<16xi32>
      %add3A_2036 = arith.constant 16 : i32
      %add3A_2037 = vector.broadcast %add3A_2036 : i32 to vector<16xi32>
      %add3A_2038 = arith.addi %add3A_2037, %all_reduce_ffs3A_2032 : vector<16xi32>
      %select_n3A_2039 = arith.select %lt3A_2035, %all_reduce_ffs3A_2028, %add3A_2038 : vector<16xi1>, vector<16xi32>
      %jit3A_2040 = arith.constant 32 : i32
      %broadcast_in_dim3A_2041 = vector.broadcast %jit3A_2040 : i32 to vector<16xi32>
      %select_n3A_2042 = arith.select %gt3A_2008, %select_n3A_2039, %broadcast_in_dim3A_2041 : vector<16xi1>, vector<16xi32>
      %ne3A_2043 = arith.constant 0 : i32
      %ne3A_2044 = vector.broadcast %ne3A_2043 : i32 to vector<16xi32>
      %ne3A_2045 = arith.cmpi ne, %get3A_2020, %ne3A_2044 : vector<16xi32>
      %le3A_2046 = arith.cmpi sle, %iota3A, %select_n3A_2042 : vector<16xi32>
      %and3A_2047 = arith.andi %ne3A_2045, %le3A_2046 : vector<16xi1>
      %all_reduce_population_count3A_2048 = tpu.all_reduce %and3A_2047 {dim = 0 : i64, kind = #tpu.reduction_kind<sum>} : vector<16xi1> -> vector<16xi32>
      %ne3A_2049 = arith.constant 0 : i32
      %ne3A_2050 = vector.broadcast %ne3A_2049 : i32 to vector<16xi32>
      %ne3A_2051 = arith.cmpi ne, %get3A_2024, %ne3A_2050 : vector<16xi32>
      %le3A_2052 = arith.cmpi sle, %add3A_5, %select_n3A_2042 : vector<16xi32>
      %and3A_2053 = arith.andi %ne3A_2051, %le3A_2052 : vector<16xi1>
      %all_reduce_population_count3A_2054 = tpu.all_reduce %and3A_2053 {dim = 0 : i64, kind = #tpu.reduction_kind<sum>} : vector<16xi1> -> vector<16xi32>
      %add3A_2055 = arith.addi %all_reduce_population_count3A_2048, %all_reduce_population_count3A_2054 : vector<16xi32>
      %gt3A_2056 = arith.constant 0 : i32
      %gt3A_2057 = vector.broadcast %gt3A_2056 : i32 to vector<16xi32>
      %gt3A_2058 = arith.cmpi sgt, %add3A_2055, %gt3A_2057 : vector<16xi32>
      %and3A_2059 = arith.andi %gt3A_2008, %gt3A_2058 : vector<16xi1>
      %and3A_2060 = arith.andi %eq3A_2000, %and3A_2059 : vector<16xi1>
      %jit3A_2061 = arith.constant 0 : i32
      %broadcast_in_dim3A_2062 = vector.broadcast %jit3A_2061 : i32 to vector<16xi32>
      %select_n3A_2063 = arith.select %and3A_2060, %broadcast_in_dim3A_2062, %select_n3A_1997 : vector<16xi1>, vector<16xi32>
      %eq3A_2064 = arith.cmpi eq, %iota3A, %select_n3A_2042 : vector<16xi32>
      %jit3A_2065 = arith.constant 0 : i32
      %broadcast_in_dim3A_2066 = vector.broadcast %jit3A_2065 : i32 to vector<16xi32>
      %select_n3A_2067 = arith.select %eq3A_2064, %broadcast_in_dim3A_2066, %select_n3A_1993 : vector<16xi1>, vector<16xi32>
      %eq3A_2068 = arith.cmpi eq, %add3A_5, %select_n3A_2042 : vector<16xi32>
      %jit3A_2069 = arith.constant 0 : i32
      %broadcast_in_dim3A_2070 = vector.broadcast %jit3A_2069 : i32 to vector<16xi32>
      %select_n3A_2071 = arith.select %eq3A_2068, %broadcast_in_dim3A_2070, %select_n3A_2063 : vector<16xi1>, vector<16xi32>
      %eq3A_2072 = arith.constant 12 : i32
      %eq3A_2073 = vector.broadcast %eq3A_2072 : i32 to vector<16xi32>
      %eq3A_2074 = arith.cmpi eq, %iota3A, %eq3A_2073 : vector<16xi32>
      %ne3A_2075 = arith.constant 0 : i32
      %ne3A_2076 = vector.broadcast %ne3A_2075 : i32 to vector<16xi32>
      %ne3A_2077 = arith.cmpi ne, %select_n3A_2071, %ne3A_2076 : vector<16xi32>
      %and3A_2078 = arith.andi %eq3A_2074, %ne3A_2077 : vector<16xi1>
      %all_reduce_population_count3A_2079 = tpu.all_reduce %and3A_2078 {dim = 0 : i64, kind = #tpu.reduction_kind<sum>} : vector<16xi1> -> vector<16xi32>
      %gt3A_2080 = arith.constant 0 : i32
      %gt3A_2081 = vector.broadcast %gt3A_2080 : i32 to vector<16xi32>
      %gt3A_2082 = arith.cmpi sgt, %all_reduce_population_count3A_2079, %gt3A_2081 : vector<16xi32>
      %get3A_2083 = arith.constant 7 : i32
      %get3A_2084 = arith.index_cast %get3A_2083 : i32 to index
      %get3A_2085 = arith.constant 0 : index
      %get3A_2086 = tpu.vector_load %arg5[%get3A_2084, %get3A_2085] {strides = array<i32>} : memref<8x128xi32, #tpu.memory_space<vmem>>, vector<16xi32>,
      %get3A_2087 = arith.constant 7 : i32
      %get3A_2088 = arith.index_cast %get3A_2087 : i32 to index
      %get3A_2089 = arith.constant 16 : index
      %get3A_2090 = tpu.vector_load %arg5[%get3A_2088, %get3A_2089] {strides = array<i32>} : memref<8x128xi32, #tpu.memory_space<vmem>>, vector<16xi32>,
      %get3A_2091 = arith.constant 7 : i32
      %get3A_2092 = arith.index_cast %get3A_2091 : i32 to index
      %get3A_2093 = arith.constant 0 : index
      %get3A_2094 = tpu.vector_load %arg6[%get3A_2092, %get3A_2093] {strides = array<i32>} : memref<8x128xi32, #tpu.memory_space<vmem>>, vector<16xi32>,
      %get3A_2095 = arith.constant 7 : i32
      %get3A_2096 = arith.index_cast %get3A_2095 : i32 to index
      %get3A_2097 = arith.constant 16 : index
      %get3A_2098 = tpu.vector_load %arg6[%get3A_2096, %get3A_2097] {strides = array<i32>} : memref<8x128xi32, #tpu.memory_space<vmem>>, vector<16xi32>,
      %ne3A_2099 = arith.constant 0 : i32
      %ne3A_2100 = vector.broadcast %ne3A_2099 : i32 to vector<16xi32>
      %ne3A_2101 = arith.cmpi ne, %get3A_2086, %ne3A_2100 : vector<16xi32>
      %all_reduce_ffs3A_2102 = tpu.all_reduce %ne3A_2101 {dim = 0 : i64, kind = #tpu.reduction_kind<find_first_set>} : vector<16xi1> -> vector<16xi32>
      %ne3A_2103 = arith.constant 0 : i32
      %ne3A_2104 = vector.broadcast %ne3A_2103 : i32 to vector<16xi32>
      %ne3A_2105 = arith.cmpi ne, %get3A_2090, %ne3A_2104 : vector<16xi32>
      %all_reduce_ffs3A_2106 = tpu.all_reduce %ne3A_2105 {dim = 0 : i64, kind = #tpu.reduction_kind<find_first_set>} : vector<16xi1> -> vector<16xi32>
      %lt3A_2107 = arith.constant 16 : i32
      %lt3A_2108 = vector.broadcast %lt3A_2107 : i32 to vector<16xi32>
      %lt3A_2109 = arith.cmpi slt, %all_reduce_ffs3A_2102, %lt3A_2108 : vector<16xi32>
      %add3A_2110 = arith.constant 16 : i32
      %add3A_2111 = vector.broadcast %add3A_2110 : i32 to vector<16xi32>
      %add3A_2112 = arith.addi %add3A_2111, %all_reduce_ffs3A_2106 : vector<16xi32>
      %select_n3A_2113 = arith.select %lt3A_2109, %all_reduce_ffs3A_2102, %add3A_2112 : vector<16xi1>, vector<16xi32>
      %jit3A_2114 = arith.constant 32 : i32
      %broadcast_in_dim3A_2115 = vector.broadcast %jit3A_2114 : i32 to vector<16xi32>
      %select_n3A_2116 = arith.select %gt3A_2082, %select_n3A_2113, %broadcast_in_dim3A_2115 : vector<16xi1>, vector<16xi32>
      %ne3A_2117 = arith.constant 0 : i32
      %ne3A_2118 = vector.broadcast %ne3A_2117 : i32 to vector<16xi32>
      %ne3A_2119 = arith.cmpi ne, %get3A_2094, %ne3A_2118 : vector<16xi32>
      %le3A_2120 = arith.cmpi sle, %iota3A, %select_n3A_2116 : vector<16xi32>
      %and3A_2121 = arith.andi %ne3A_2119, %le3A_2120 : vector<16xi1>
      %all_reduce_population_count3A_2122 = tpu.all_reduce %and3A_2121 {dim = 0 : i64, kind = #tpu.reduction_kind<sum>} : vector<16xi1> -> vector<16xi32>
      %ne3A_2123 = arith.constant 0 : i32
      %ne3A_2124 = vector.broadcast %ne3A_2123 : i32 to vector<16xi32>
      %ne3A_2125 = arith.cmpi ne, %get3A_2098, %ne3A_2124 : vector<16xi32>
      %le3A_2126 = arith.cmpi sle, %add3A_5, %select_n3A_2116 : vector<16xi32>
      %and3A_2127 = arith.andi %ne3A_2125, %le3A_2126 : vector<16xi1>
      %all_reduce_population_count3A_2128 = tpu.all_reduce %and3A_2127 {dim = 0 : i64, kind = #tpu.reduction_kind<sum>} : vector<16xi1> -> vector<16xi32>
      %add3A_2129 = arith.addi %all_reduce_population_count3A_2122, %all_reduce_population_count3A_2128 : vector<16xi32>
      %gt3A_2130 = arith.constant 0 : i32
      %gt3A_2131 = vector.broadcast %gt3A_2130 : i32 to vector<16xi32>
      %gt3A_2132 = arith.cmpi sgt, %add3A_2129, %gt3A_2131 : vector<16xi32>
      %and3A_2133 = arith.andi %gt3A_2082, %gt3A_2132 : vector<16xi1>
      %and3A_2134 = arith.andi %eq3A_2074, %and3A_2133 : vector<16xi1>
      %jit3A_2135 = arith.constant 0 : i32
      %broadcast_in_dim3A_2136 = vector.broadcast %jit3A_2135 : i32 to vector<16xi32>
      %select_n3A_2137 = arith.select %and3A_2134, %broadcast_in_dim3A_2136, %select_n3A_2071 : vector<16xi1>, vector<16xi32>
      %eq3A_2138 = arith.cmpi eq, %iota3A, %select_n3A_2116 : vector<16xi32>
      %jit3A_2139 = arith.constant 0 : i32
      %broadcast_in_dim3A_2140 = vector.broadcast %jit3A_2139 : i32 to vector<16xi32>
      %select_n3A_2141 = arith.select %eq3A_2138, %broadcast_in_dim3A_2140, %select_n3A_2067 : vector<16xi1>, vector<16xi32>
      %eq3A_2142 = arith.cmpi eq, %add3A_5, %select_n3A_2116 : vector<16xi32>
      %jit3A_2143 = arith.constant 0 : i32
      %broadcast_in_dim3A_2144 = vector.broadcast %jit3A_2143 : i32 to vector<16xi32>
      %select_n3A_2145 = arith.select %eq3A_2142, %broadcast_in_dim3A_2144, %select_n3A_2137 : vector<16xi1>, vector<16xi32>
      %eq3A_2146 = arith.constant 13 : i32
      %eq3A_2147 = vector.broadcast %eq3A_2146 : i32 to vector<16xi32>
      %eq3A_2148 = arith.cmpi eq, %iota3A, %eq3A_2147 : vector<16xi32>
      %ne3A_2149 = arith.constant 0 : i32
      %ne3A_2150 = vector.broadcast %ne3A_2149 : i32 to vector<16xi32>
      %ne3A_2151 = arith.cmpi ne, %select_n3A_2145, %ne3A_2150 : vector<16xi32>
      %and3A_2152 = arith.andi %eq3A_2148, %ne3A_2151 : vector<16xi1>
      %all_reduce_population_count3A_2153 = tpu.all_reduce %and3A_2152 {dim = 0 : i64, kind = #tpu.reduction_kind<sum>} : vector<16xi1> -> vector<16xi32>
      %gt3A_2154 = arith.constant 0 : i32
      %gt3A_2155 = vector.broadcast %gt3A_2154 : i32 to vector<16xi32>
      %gt3A_2156 = arith.cmpi sgt, %all_reduce_population_count3A_2153, %gt3A_2155 : vector<16xi32>
      %get3A_2157 = arith.constant 7 : i32
      %get3A_2158 = arith.index_cast %get3A_2157 : i32 to index
      %get3A_2159 = arith.constant 32 : index
      %get3A_2160 = tpu.vector_load %arg5[%get3A_2158, %get3A_2159] {strides = array<i32>} : memref<8x128xi32, #tpu.memory_space<vmem>>, vector<16xi32>,
      %get3A_2161 = arith.constant 7 : i32
      %get3A_2162 = arith.index_cast %get3A_2161 : i32 to index
      %get3A_2163 = arith.constant 48 : index
      %get3A_2164 = tpu.vector_load %arg5[%get3A_2162, %get3A_2163] {strides = array<i32>} : memref<8x128xi32, #tpu.memory_space<vmem>>, vector<16xi32>,
      %get3A_2165 = arith.constant 7 : i32
      %get3A_2166 = arith.index_cast %get3A_2165 : i32 to index
      %get3A_2167 = arith.constant 32 : index
      %get3A_2168 = tpu.vector_load %arg6[%get3A_2166, %get3A_2167] {strides = array<i32>} : memref<8x128xi32, #tpu.memory_space<vmem>>, vector<16xi32>,
      %get3A_2169 = arith.constant 7 : i32
      %get3A_2170 = arith.index_cast %get3A_2169 : i32 to index
      %get3A_2171 = arith.constant 48 : index
      %get3A_2172 = tpu.vector_load %arg6[%get3A_2170, %get3A_2171] {strides = array<i32>} : memref<8x128xi32, #tpu.memory_space<vmem>>, vector<16xi32>,
      %ne3A_2173 = arith.constant 0 : i32
      %ne3A_2174 = vector.broadcast %ne3A_2173 : i32 to vector<16xi32>
      %ne3A_2175 = arith.cmpi ne, %get3A_2160, %ne3A_2174 : vector<16xi32>
      %all_reduce_ffs3A_2176 = tpu.all_reduce %ne3A_2175 {dim = 0 : i64, kind = #tpu.reduction_kind<find_first_set>} : vector<16xi1> -> vector<16xi32>
      %ne3A_2177 = arith.constant 0 : i32
      %ne3A_2178 = vector.broadcast %ne3A_2177 : i32 to vector<16xi32>
      %ne3A_2179 = arith.cmpi ne, %get3A_2164, %ne3A_2178 : vector<16xi32>
      %all_reduce_ffs3A_2180 = tpu.all_reduce %ne3A_2179 {dim = 0 : i64, kind = #tpu.reduction_kind<find_first_set>} : vector<16xi1> -> vector<16xi32>
      %lt3A_2181 = arith.constant 16 : i32
      %lt3A_2182 = vector.broadcast %lt3A_2181 : i32 to vector<16xi32>
      %lt3A_2183 = arith.cmpi slt, %all_reduce_ffs3A_2176, %lt3A_2182 : vector<16xi32>
      %add3A_2184 = arith.constant 16 : i32
      %add3A_2185 = vector.broadcast %add3A_2184 : i32 to vector<16xi32>
      %add3A_2186 = arith.addi %add3A_2185, %all_reduce_ffs3A_2180 : vector<16xi32>
      %select_n3A_2187 = arith.select %lt3A_2183, %all_reduce_ffs3A_2176, %add3A_2186 : vector<16xi1>, vector<16xi32>
      %jit3A_2188 = arith.constant 32 : i32
      %broadcast_in_dim3A_2189 = vector.broadcast %jit3A_2188 : i32 to vector<16xi32>
      %select_n3A_2190 = arith.select %gt3A_2156, %select_n3A_2187, %broadcast_in_dim3A_2189 : vector<16xi1>, vector<16xi32>
      %ne3A_2191 = arith.constant 0 : i32
      %ne3A_2192 = vector.broadcast %ne3A_2191 : i32 to vector<16xi32>
      %ne3A_2193 = arith.cmpi ne, %get3A_2168, %ne3A_2192 : vector<16xi32>
      %le3A_2194 = arith.cmpi sle, %iota3A, %select_n3A_2190 : vector<16xi32>
      %and3A_2195 = arith.andi %ne3A_2193, %le3A_2194 : vector<16xi1>
      %all_reduce_population_count3A_2196 = tpu.all_reduce %and3A_2195 {dim = 0 : i64, kind = #tpu.reduction_kind<sum>} : vector<16xi1> -> vector<16xi32>
      %ne3A_2197 = arith.constant 0 : i32
      %ne3A_2198 = vector.broadcast %ne3A_2197 : i32 to vector<16xi32>
      %ne3A_2199 = arith.cmpi ne, %get3A_2172, %ne3A_2198 : vector<16xi32>
      %le3A_2200 = arith.cmpi sle, %add3A_5, %select_n3A_2190 : vector<16xi32>
      %and3A_2201 = arith.andi %ne3A_2199, %le3A_2200 : vector<16xi1>
      %all_reduce_population_count3A_2202 = tpu.all_reduce %and3A_2201 {dim = 0 : i64, kind = #tpu.reduction_kind<sum>} : vector<16xi1> -> vector<16xi32>
      %add3A_2203 = arith.addi %all_reduce_population_count3A_2196, %all_reduce_population_count3A_2202 : vector<16xi32>
      %gt3A_2204 = arith.constant 0 : i32
      %gt3A_2205 = vector.broadcast %gt3A_2204 : i32 to vector<16xi32>
      %gt3A_2206 = arith.cmpi sgt, %add3A_2203, %gt3A_2205 : vector<16xi32>
      %and3A_2207 = arith.andi %gt3A_2156, %gt3A_2206 : vector<16xi1>
      %and3A_2208 = arith.andi %eq3A_2148, %and3A_2207 : vector<16xi1>
      %jit3A_2209 = arith.constant 0 : i32
      %broadcast_in_dim3A_2210 = vector.broadcast %jit3A_2209 : i32 to vector<16xi32>
      %select_n3A_2211 = arith.select %and3A_2208, %broadcast_in_dim3A_2210, %select_n3A_2145 : vector<16xi1>, vector<16xi32>
      %eq3A_2212 = arith.cmpi eq, %iota3A, %select_n3A_2190 : vector<16xi32>
      %jit3A_2213 = arith.constant 0 : i32
      %broadcast_in_dim3A_2214 = vector.broadcast %jit3A_2213 : i32 to vector<16xi32>
      %select_n3A_2215 = arith.select %eq3A_2212, %broadcast_in_dim3A_2214, %select_n3A_2141 : vector<16xi1>, vector<16xi32>
      %eq3A_2216 = arith.cmpi eq, %add3A_5, %select_n3A_2190 : vector<16xi32>
      %jit3A_2217 = arith.constant 0 : i32
      %broadcast_in_dim3A_2218 = vector.broadcast %jit3A_2217 : i32 to vector<16xi32>
      %select_n3A_2219 = arith.select %eq3A_2216, %broadcast_in_dim3A_2218, %select_n3A_2211 : vector<16xi1>, vector<16xi32>
      %eq3A_2220 = arith.constant 14 : i32
      %eq3A_2221 = vector.broadcast %eq3A_2220 : i32 to vector<16xi32>
      %eq3A_2222 = arith.cmpi eq, %iota3A, %eq3A_2221 : vector<16xi32>
      %ne3A_2223 = arith.constant 0 : i32
      %ne3A_2224 = vector.broadcast %ne3A_2223 : i32 to vector<16xi32>
      %ne3A_2225 = arith.cmpi ne, %select_n3A_2219, %ne3A_2224 : vector<16xi32>
      %and3A_2226 = arith.andi %eq3A_2222, %ne3A_2225 : vector<16xi1>
      %all_reduce_population_count3A_2227 = tpu.all_reduce %and3A_2226 {dim = 0 : i64, kind = #tpu.reduction_kind<sum>} : vector<16xi1> -> vector<16xi32>
      %gt3A_2228 = arith.constant 0 : i32
      %gt3A_2229 = vector.broadcast %gt3A_2228 : i32 to vector<16xi32>
      %gt3A_2230 = arith.cmpi sgt, %all_reduce_population_count3A_2227, %gt3A_2229 : vector<16xi32>
      %get3A_2231 = arith.constant 7 : i32
      %get3A_2232 = arith.index_cast %get3A_2231 : i32 to index
      %get3A_2233 = arith.constant 64 : index
      %get3A_2234 = tpu.vector_load %arg5[%get3A_2232, %get3A_2233] {strides = array<i32>} : memref<8x128xi32, #tpu.memory_space<vmem>>, vector<16xi32>,
      %get3A_2235 = arith.constant 7 : i32
      %get3A_2236 = arith.index_cast %get3A_2235 : i32 to index
      %get3A_2237 = arith.constant 80 : index
      %get3A_2238 = tpu.vector_load %arg5[%get3A_2236, %get3A_2237] {strides = array<i32>} : memref<8x128xi32, #tpu.memory_space<vmem>>, vector<16xi32>,
      %get3A_2239 = arith.constant 7 : i32
      %get3A_2240 = arith.index_cast %get3A_2239 : i32 to index
      %get3A_2241 = arith.constant 64 : index
      %get3A_2242 = tpu.vector_load %arg6[%get3A_2240, %get3A_2241] {strides = array<i32>} : memref<8x128xi32, #tpu.memory_space<vmem>>, vector<16xi32>,
      %get3A_2243 = arith.constant 7 : i32
      %get3A_2244 = arith.index_cast %get3A_2243 : i32 to index
      %get3A_2245 = arith.constant 80 : index
      %get3A_2246 = tpu.vector_load %arg6[%get3A_2244, %get3A_2245] {strides = array<i32>} : memref<8x128xi32, #tpu.memory_space<vmem>>, vector<16xi32>,
      %ne3A_2247 = arith.constant 0 : i32
      %ne3A_2248 = vector.broadcast %ne3A_2247 : i32 to vector<16xi32>
      %ne3A_2249 = arith.cmpi ne, %get3A_2234, %ne3A_2248 : vector<16xi32>
      %all_reduce_ffs3A_2250 = tpu.all_reduce %ne3A_2249 {dim = 0 : i64, kind = #tpu.reduction_kind<find_first_set>} : vector<16xi1> -> vector<16xi32>
      %ne3A_2251 = arith.constant 0 : i32
      %ne3A_2252 = vector.broadcast %ne3A_2251 : i32 to vector<16xi32>
      %ne3A_2253 = arith.cmpi ne, %get3A_2238, %ne3A_2252 : vector<16xi32>
      %all_reduce_ffs3A_2254 = tpu.all_reduce %ne3A_2253 {dim = 0 : i64, kind = #tpu.reduction_kind<find_first_set>} : vector<16xi1> -> vector<16xi32>
      %lt3A_2255 = arith.constant 16 : i32
      %lt3A_2256 = vector.broadcast %lt3A_2255 : i32 to vector<16xi32>
      %lt3A_2257 = arith.cmpi slt, %all_reduce_ffs3A_2250, %lt3A_2256 : vector<16xi32>
      %add3A_2258 = arith.constant 16 : i32
      %add3A_2259 = vector.broadcast %add3A_2258 : i32 to vector<16xi32>
      %add3A_2260 = arith.addi %add3A_2259, %all_reduce_ffs3A_2254 : vector<16xi32>
      %select_n3A_2261 = arith.select %lt3A_2257, %all_reduce_ffs3A_2250, %add3A_2260 : vector<16xi1>, vector<16xi32>
      %jit3A_2262 = arith.constant 32 : i32
      %broadcast_in_dim3A_2263 = vector.broadcast %jit3A_2262 : i32 to vector<16xi32>
      %select_n3A_2264 = arith.select %gt3A_2230, %select_n3A_2261, %broadcast_in_dim3A_2263 : vector<16xi1>, vector<16xi32>
      %ne3A_2265 = arith.constant 0 : i32
      %ne3A_2266 = vector.broadcast %ne3A_2265 : i32 to vector<16xi32>
      %ne3A_2267 = arith.cmpi ne, %get3A_2242, %ne3A_2266 : vector<16xi32>
      %le3A_2268 = arith.cmpi sle, %iota3A, %select_n3A_2264 : vector<16xi32>
      %and3A_2269 = arith.andi %ne3A_2267, %le3A_2268 : vector<16xi1>
      %all_reduce_population_count3A_2270 = tpu.all_reduce %and3A_2269 {dim = 0 : i64, kind = #tpu.reduction_kind<sum>} : vector<16xi1> -> vector<16xi32>
      %ne3A_2271 = arith.constant 0 : i32
      %ne3A_2272 = vector.broadcast %ne3A_2271 : i32 to vector<16xi32>
      %ne3A_2273 = arith.cmpi ne, %get3A_2246, %ne3A_2272 : vector<16xi32>
      %le3A_2274 = arith.cmpi sle, %add3A_5, %select_n3A_2264 : vector<16xi32>
      %and3A_2275 = arith.andi %ne3A_2273, %le3A_2274 : vector<16xi1>
      %all_reduce_population_count3A_2276 = tpu.all_reduce %and3A_2275 {dim = 0 : i64, kind = #tpu.reduction_kind<sum>} : vector<16xi1> -> vector<16xi32>
      %add3A_2277 = arith.addi %all_reduce_population_count3A_2270, %all_reduce_population_count3A_2276 : vector<16xi32>
      %gt3A_2278 = arith.constant 0 : i32
      %gt3A_2279 = vector.broadcast %gt3A_2278 : i32 to vector<16xi32>
      %gt3A_2280 = arith.cmpi sgt, %add3A_2277, %gt3A_2279 : vector<16xi32>
      %and3A_2281 = arith.andi %gt3A_2230, %gt3A_2280 : vector<16xi1>
      %and3A_2282 = arith.andi %eq3A_2222, %and3A_2281 : vector<16xi1>
      %jit3A_2283 = arith.constant 0 : i32
      %broadcast_in_dim3A_2284 = vector.broadcast %jit3A_2283 : i32 to vector<16xi32>
      %select_n3A_2285 = arith.select %and3A_2282, %broadcast_in_dim3A_2284, %select_n3A_2219 : vector<16xi1>, vector<16xi32>
      %eq3A_2286 = arith.cmpi eq, %iota3A, %select_n3A_2264 : vector<16xi32>
      %jit3A_2287 = arith.constant 0 : i32
      %broadcast_in_dim3A_2288 = vector.broadcast %jit3A_2287 : i32 to vector<16xi32>
      %select_n3A_2289 = arith.select %eq3A_2286, %broadcast_in_dim3A_2288, %select_n3A_2215 : vector<16xi1>, vector<16xi32>
      %eq3A_2290 = arith.cmpi eq, %add3A_5, %select_n3A_2264 : vector<16xi32>
      %jit3A_2291 = arith.constant 0 : i32
      %broadcast_in_dim3A_2292 = vector.broadcast %jit3A_2291 : i32 to vector<16xi32>
      %select_n3A_2293 = arith.select %eq3A_2290, %broadcast_in_dim3A_2292, %select_n3A_2285 : vector<16xi1>, vector<16xi32>
      %eq3A_2294 = arith.constant 15 : i32
      %eq3A_2295 = vector.broadcast %eq3A_2294 : i32 to vector<16xi32>
      %eq3A_2296 = arith.cmpi eq, %iota3A, %eq3A_2295 : vector<16xi32>
      %ne3A_2297 = arith.constant 0 : i32
      %ne3A_2298 = vector.broadcast %ne3A_2297 : i32 to vector<16xi32>
      %ne3A_2299 = arith.cmpi ne, %select_n3A_2293, %ne3A_2298 : vector<16xi32>
      %and3A_2300 = arith.andi %eq3A_2296, %ne3A_2299 : vector<16xi1>
      %all_reduce_population_count3A_2301 = tpu.all_reduce %and3A_2300 {dim = 0 : i64, kind = #tpu.reduction_kind<sum>} : vector<16xi1> -> vector<16xi32>
      %gt3A_2302 = arith.constant 0 : i32
      %gt3A_2303 = vector.broadcast %gt3A_2302 : i32 to vector<16xi32>
      %gt3A_2304 = arith.cmpi sgt, %all_reduce_population_count3A_2301, %gt3A_2303 : vector<16xi32>
      %get3A_2305 = arith.constant 7 : i32
      %get3A_2306 = arith.index_cast %get3A_2305 : i32 to index
      %get3A_2307 = arith.constant 96 : index
      %get3A_2308 = tpu.vector_load %arg5[%get3A_2306, %get3A_2307] {strides = array<i32>} : memref<8x128xi32, #tpu.memory_space<vmem>>, vector<16xi32>,
      %get3A_2309 = arith.constant 7 : i32
      %get3A_2310 = arith.index_cast %get3A_2309 : i32 to index
      %get3A_2311 = arith.constant 112 : index
      %get3A_2312 = tpu.vector_load %arg5[%get3A_2310, %get3A_2311] {strides = array<i32>} : memref<8x128xi32, #tpu.memory_space<vmem>>, vector<16xi32>,
      %get3A_2313 = arith.constant 7 : i32
      %get3A_2314 = arith.index_cast %get3A_2313 : i32 to index
      %get3A_2315 = arith.constant 96 : index
      %get3A_2316 = tpu.vector_load %arg6[%get3A_2314, %get3A_2315] {strides = array<i32>} : memref<8x128xi32, #tpu.memory_space<vmem>>, vector<16xi32>,
      %get3A_2317 = arith.constant 7 : i32
      %get3A_2318 = arith.index_cast %get3A_2317 : i32 to index
      %get3A_2319 = arith.constant 112 : index
      %get3A_2320 = tpu.vector_load %arg6[%get3A_2318, %get3A_2319] {strides = array<i32>} : memref<8x128xi32, #tpu.memory_space<vmem>>, vector<16xi32>,
      %ne3A_2321 = arith.constant 0 : i32
      %ne3A_2322 = vector.broadcast %ne3A_2321 : i32 to vector<16xi32>
      %ne3A_2323 = arith.cmpi ne, %get3A_2308, %ne3A_2322 : vector<16xi32>
      %all_reduce_ffs3A_2324 = tpu.all_reduce %ne3A_2323 {dim = 0 : i64, kind = #tpu.reduction_kind<find_first_set>} : vector<16xi1> -> vector<16xi32>
      %ne3A_2325 = arith.constant 0 : i32
      %ne3A_2326 = vector.broadcast %ne3A_2325 : i32 to vector<16xi32>
      %ne3A_2327 = arith.cmpi ne, %get3A_2312, %ne3A_2326 : vector<16xi32>
      %all_reduce_ffs3A_2328 = tpu.all_reduce %ne3A_2327 {dim = 0 : i64, kind = #tpu.reduction_kind<find_first_set>} : vector<16xi1> -> vector<16xi32>
      %lt3A_2329 = arith.constant 16 : i32
      %lt3A_2330 = vector.broadcast %lt3A_2329 : i32 to vector<16xi32>
      %lt3A_2331 = arith.cmpi slt, %all_reduce_ffs3A_2324, %lt3A_2330 : vector<16xi32>
      %add3A_2332 = arith.constant 16 : i32
      %add3A_2333 = vector.broadcast %add3A_2332 : i32 to vector<16xi32>
      %add3A_2334 = arith.addi %add3A_2333, %all_reduce_ffs3A_2328 : vector<16xi32>
      %select_n3A_2335 = arith.select %lt3A_2331, %all_reduce_ffs3A_2324, %add3A_2334 : vector<16xi1>, vector<16xi32>
      %jit3A_2336 = arith.constant 32 : i32
      %broadcast_in_dim3A_2337 = vector.broadcast %jit3A_2336 : i32 to vector<16xi32>
      %select_n3A_2338 = arith.select %gt3A_2304, %select_n3A_2335, %broadcast_in_dim3A_2337 : vector<16xi1>, vector<16xi32>
      %ne3A_2339 = arith.constant 0 : i32
      %ne3A_2340 = vector.broadcast %ne3A_2339 : i32 to vector<16xi32>
      %ne3A_2341 = arith.cmpi ne, %get3A_2316, %ne3A_2340 : vector<16xi32>
      %le3A_2342 = arith.cmpi sle, %iota3A, %select_n3A_2338 : vector<16xi32>
      %and3A_2343 = arith.andi %ne3A_2341, %le3A_2342 : vector<16xi1>
      %all_reduce_population_count3A_2344 = tpu.all_reduce %and3A_2343 {dim = 0 : i64, kind = #tpu.reduction_kind<sum>} : vector<16xi1> -> vector<16xi32>
      %ne3A_2345 = arith.constant 0 : i32
      %ne3A_2346 = vector.broadcast %ne3A_2345 : i32 to vector<16xi32>
      %ne3A_2347 = arith.cmpi ne, %get3A_2320, %ne3A_2346 : vector<16xi32>
      %le3A_2348 = arith.cmpi sle, %add3A_5, %select_n3A_2338 : vector<16xi32>
      %and3A_2349 = arith.andi %ne3A_2347, %le3A_2348 : vector<16xi1>
      %all_reduce_population_count3A_2350 = tpu.all_reduce %and3A_2349 {dim = 0 : i64, kind = #tpu.reduction_kind<sum>} : vector<16xi1> -> vector<16xi32>
      %add3A_2351 = arith.addi %all_reduce_population_count3A_2344, %all_reduce_population_count3A_2350 : vector<16xi32>
      %gt3A_2352 = arith.constant 0 : i32
      %gt3A_2353 = vector.broadcast %gt3A_2352 : i32 to vector<16xi32>
      %gt3A_2354 = arith.cmpi sgt, %add3A_2351, %gt3A_2353 : vector<16xi32>
      %and3A_2355 = arith.andi %gt3A_2304, %gt3A_2354 : vector<16xi1>
      %and3A_2356 = arith.andi %eq3A_2296, %and3A_2355 : vector<16xi1>
      %jit3A_2357 = arith.constant 0 : i32
      %broadcast_in_dim3A_2358 = vector.broadcast %jit3A_2357 : i32 to vector<16xi32>
      %select_n3A_2359 = arith.select %and3A_2356, %broadcast_in_dim3A_2358, %select_n3A_2293 : vector<16xi1>, vector<16xi32>
      %eq3A_2360 = arith.cmpi eq, %iota3A, %select_n3A_2338 : vector<16xi32>
      %jit3A_2361 = arith.constant 0 : i32
      %broadcast_in_dim3A_2362 = vector.broadcast %jit3A_2361 : i32 to vector<16xi32>
      %select_n3A_2363 = arith.select %eq3A_2360, %broadcast_in_dim3A_2362, %select_n3A_2289 : vector<16xi1>, vector<16xi32>
      %eq3A_2364 = arith.cmpi eq, %add3A_5, %select_n3A_2338 : vector<16xi32>
      %jit3A_2365 = arith.constant 0 : i32
      %broadcast_in_dim3A_2366 = vector.broadcast %jit3A_2365 : i32 to vector<16xi32>
      %select_n3A_2367 = arith.select %eq3A_2364, %broadcast_in_dim3A_2366, %select_n3A_2359 : vector<16xi1>, vector<16xi32>
      %swap3A = arith.constant 0 : index
      %swap3A_2368 = tpu.vector_load %arg7[%swap3A] {strides = array<i32>} : memref<32xi32, #tpu.memory_space<vmem>>, vector<16xi32>,
      tpu.vector_store %arg7[%swap3A], %select_n3A_2363 {strides = array<i32>} : memref<32xi32, #tpu.memory_space<vmem>>, vector<16xi32>,
      %swap3A_2369 = arith.constant 16 : index
      %swap3A_2370 = tpu.vector_load %arg7[%swap3A_2369] {strides = array<i32>} : memref<32xi32, #tpu.memory_space<vmem>>, vector<16xi32>,
      tpu.vector_store %arg7[%swap3A_2369], %select_n3A_2367 {strides = array<i32>} : memref<32xi32, #tpu.memory_space<vmem>>, vector<16xi32>,
      "tpu.region"() ({
        %run_scoped3A = tpu.sem_alloc : memref<!tpu.dma_semaphore, #tpu.memory_space<semaphore_mem>>
        tpu.enqueue_dma source(%arg7 : memref<32xi32, #tpu.memory_space<vmem>>) target(%arg4 : memref<32xi32, #tpu.memory_space<hbm>>) target_semaphore(%run_scoped3A : memref<!tpu.dma_semaphore, #tpu.memory_space<semaphore_mem>>)
        tpu.wait_dma2 semaphore(%run_scoped3A : memref<!tpu.dma_semaphore, #tpu.memory_space<semaphore_mem>>) src(%arg7 : memref<32xi32, #tpu.memory_space<vmem>>) dst(%arg4 : memref<32xi32, #tpu.memory_space<hbm>>)
        tpu.yield
      }) : () -> ()
    } else {
    }
    return
  }
}

module attributes {stable_mosaic.version = 14 : i64} {
  func.func @_gram_kernel(%arg0: i32, %arg1: memref<1xf32, #tpu.memory_space<smem>>, %arg2: memref<32x128x128xf32, #tpu.memory_space<vmem>>, %arg3: memref<32x128x128xf32, #tpu.memory_space<vmem>>, %arg4: memref<8x128xi32, #tpu.memory_space<vmem>>, %arg5: memref<8x128xi32, #tpu.memory_space<vmem>>, %arg6: memref<256x256xf32, #tpu.memory_space<vmem>>) attributes {dimension_semantics = [#tpu.dimension_semantics<arbitrary>], iteration_bounds = array<i64: 16>, scalar_prefetch = 0 : i64, scratch_operands = 1 : i64, tpu.core_type = #tpu.core_type<tc>, window_params = [{transform_indices = @transform_0, window_bounds = array<i64: 1>}, {transform_indices = @transform_1, window_bounds = array<i64: 32, 128, 128>}, {transform_indices = @transform_2, window_bounds = array<i64: 32, 128, 128>}, {pipeline_mode = #tpu.pipeline_mode<synchronous>, transform_indices = @transform_3, window_bounds = array<i64: 8, 128>}, {pipeline_mode = #tpu.pipeline_mode<synchronous>, transform_indices = @transform_4, window_bounds = array<i64: 8, 128>}]} {
    %eq3A = arith.constant 0 : i32
    %eq3A_0 = arith.cmpi eq, %arg0, %eq3A : i32
    %convert_element_type3A = arith.extui %eq3A_0 : i1 to i32
    %cond3A = arith.constant 0 : i32
    %cond3A_1 = arith.cmpi ne, %convert_element_type3A, %cond3A : i32
    scf.if %cond3A_1 {
      %broadcast_in_dim3A_434 = arith.constant 0.000000e+00 : f32
      %broadcast_in_dim3A_435 = vector.broadcast %broadcast_in_dim3A_434 : f32 to vector<256x256xf32>
      %swap3A_436 = arith.constant 0 : index
      %swap3A_437 = arith.constant 0 : index
      %swap3A_438 = vector.load %arg6[%swap3A_436, %swap3A_437] : memref<256x256xf32, #tpu.memory_space<vmem>>, vector<256x256xf32>
      tpu.vector_store %arg6[%swap3A_436, %swap3A_437], %broadcast_in_dim3A_435 {strides = array<i32>} : memref<256x256xf32, #tpu.memory_space<vmem>>, vector<256x256xf32>,
    } else {
    }
    %iota3A = tpu.iota {dimensions = array<i32: 0>} : vector<256x256xi32>
    %jit3A = arith.constant 8 : i32
    %eq3A_2 = arith.constant 0 : i32
    %eq3A_3 = arith.cmpi eq, %jit3A, %eq3A_2 : i32
    %jit3A_4 = arith.constant 1 : i32
    %select_n3A = arith.select %eq3A_3, %jit3A_4, %jit3A : i32
    %rem3A = vector.broadcast %select_n3A : i32 to vector<256x256xi32>
    %rem3A_5 = arith.remsi %iota3A, %rem3A : vector<256x256xi32>
    %ne3A = arith.constant 0 : i32
    %ne3A_6 = vector.broadcast %ne3A : i32 to vector<256x256xi32>
    %ne3A_7 = arith.cmpi ne, %rem3A_5, %ne3A_6 : vector<256x256xi32>
    %lt3A = arith.constant 0 : i32
    %lt3A_8 = vector.broadcast %lt3A : i32 to vector<256x256xi32>
    %lt3A_9 = arith.cmpi slt, %rem3A_5, %lt3A_8 : vector<256x256xi32>
    %lt3A_10 = arith.constant 0 : i32
    %lt3A_11 = arith.cmpi slt, %select_n3A, %lt3A_10 : i32
    %ne3A_12 = vector.broadcast %lt3A_11 : i1 to vector<256x256xi1>
    %ne3A_13 = vector.broadcast %ne3A_12 : vector<256x256xi1> to vector<256x256xi1>
    %ne3A_14 = arith.xori %lt3A_9, %ne3A_13 : vector<256x256xi1>
    %and3A = arith.andi %ne3A_14, %ne3A_7 : vector<256x256xi1>
    %add3A = vector.broadcast %select_n3A : i32 to vector<256x256xi32>
    %add3A_15 = arith.addi %rem3A_5, %add3A : vector<256x256xi32>
    %select_n3A_16 = arith.select %and3A, %add3A_15, %rem3A_5 : vector<256x256xi1>, vector<256x256xi32>
    %iota3A_17 = tpu.iota {dimensions = array<i32: 1>} : vector<256x256xi32>
    %jit3A_18 = arith.constant 8 : i32
    %eq3A_19 = arith.constant 0 : i32
    %eq3A_20 = arith.cmpi eq, %jit3A_18, %eq3A_19 : i32
    %jit3A_21 = arith.constant 1 : i32
    %select_n3A_22 = arith.select %eq3A_20, %jit3A_21, %jit3A_18 : i32
    %rem3A_23 = vector.broadcast %select_n3A_22 : i32 to vector<256x256xi32>
    %rem3A_24 = arith.remsi %iota3A_17, %rem3A_23 : vector<256x256xi32>
    %ne3A_25 = arith.constant 0 : i32
    %ne3A_26 = vector.broadcast %ne3A_25 : i32 to vector<256x256xi32>
    %ne3A_27 = arith.cmpi ne, %rem3A_24, %ne3A_26 : vector<256x256xi32>
    %lt3A_28 = arith.constant 0 : i32
    %lt3A_29 = vector.broadcast %lt3A_28 : i32 to vector<256x256xi32>
    %lt3A_30 = arith.cmpi slt, %rem3A_24, %lt3A_29 : vector<256x256xi32>
    %lt3A_31 = arith.constant 0 : i32
    %lt3A_32 = arith.cmpi slt, %select_n3A_22, %lt3A_31 : i32
    %ne3A_33 = vector.broadcast %lt3A_32 : i1 to vector<256x256xi1>
    %ne3A_34 = vector.broadcast %ne3A_33 : vector<256x256xi1> to vector<256x256xi1>
    %ne3A_35 = arith.xori %lt3A_30, %ne3A_34 : vector<256x256xi1>
    %and3A_36 = arith.andi %ne3A_35, %ne3A_27 : vector<256x256xi1>
    %add3A_37 = vector.broadcast %select_n3A_22 : i32 to vector<256x256xi32>
    %add3A_38 = arith.addi %rem3A_24, %add3A_37 : vector<256x256xi32>
    %select_n3A_39 = arith.select %and3A_36, %add3A_38, %rem3A_24 : vector<256x256xi1>, vector<256x256xi32>
    %eq3A_40 = arith.cmpi eq, %select_n3A_16, %select_n3A_39 : vector<256x256xi32>
    %broadcast_in_dim3A = arith.constant 0.000000e+00 : f32
    %broadcast_in_dim3A_41 = vector.broadcast %broadcast_in_dim3A : f32 to vector<256x256xf32>
    %get3A = arith.constant 0 : index
    %get3A_42 = arith.constant 0 : index
    %get3A_43 = arith.constant 0 : index
    %get3A_44 = vector.load %arg2[%get3A, %get3A_42, %get3A_43] : memref<32x128x128xf32, #tpu.memory_space<vmem>>, vector<32x8x128xf32>
    %reshape3A = vector.shape_cast %get3A_44 : vector<32x8x128xf32> to vector<256x128xf32>
    %convert_element_type3A_45 = arith.truncf %reshape3A : vector<256x128xf32> to vector<256x128xbf16>
    %dot_general3A = arith.constant dense<0.000000e+00> : vector<256x256xf32>
    %dot_general3A_46 = tpu.matmul %convert_element_type3A_45, %convert_element_type3A_45, %dot_general3A {dimension_numbers = #tpu.dot_dimension_numbers<[1], [1], [0], [0], [0, 0, 1, 0], [], []>, transpose_lhs_hint = false} : vector<256x128xbf16>, vector<256x128xbf16>, vector<256x256xf32> -> vector<256x256xf32>
    %jit3A_47 = arith.constant 0.000000e+00 : f32
    %broadcast_in_dim3A_48 = vector.broadcast %jit3A_47 : f32 to vector<256x256xf32>
    %select_n3A_49 = arith.select %eq3A_40, %dot_general3A_46, %broadcast_in_dim3A_48 : vector<256x256xi1>, vector<256x256xf32>
    %add3A_50 = arith.addf %broadcast_in_dim3A_41, %select_n3A_49 : vector<256x256xf32>
    %get3A_51 = arith.constant 0 : index
    %get3A_52 = arith.constant 8 : index
    %get3A_53 = arith.constant 0 : index
    %get3A_54 = vector.load %arg2[%get3A_51, %get3A_52, %get3A_53] : memref<32x128x128xf32, #tpu.memory_space<vmem>>, vector<32x8x128xf32>
    %reshape3A_55 = vector.shape_cast %get3A_54 : vector<32x8x128xf32> to vector<256x128xf32>
    %convert_element_type3A_56 = arith.truncf %reshape3A_55 : vector<256x128xf32> to vector<256x128xbf16>
    %dot_general3A_57 = arith.constant dense<0.000000e+00> : vector<256x256xf32>
    %dot_general3A_58 = tpu.matmul %convert_element_type3A_56, %convert_element_type3A_56, %dot_general3A_57 {dimension_numbers = #tpu.dot_dimension_numbers<[1], [1], [0], [0], [0, 0, 1, 0], [], []>, transpose_lhs_hint = false} : vector<256x128xbf16>, vector<256x128xbf16>, vector<256x256xf32> -> vector<256x256xf32>
    %jit3A_59 = arith.constant 0.000000e+00 : f32
    %broadcast_in_dim3A_60 = vector.broadcast %jit3A_59 : f32 to vector<256x256xf32>
    %select_n3A_61 = arith.select %eq3A_40, %dot_general3A_58, %broadcast_in_dim3A_60 : vector<256x256xi1>, vector<256x256xf32>
    %add3A_62 = arith.addf %add3A_50, %select_n3A_61 : vector<256x256xf32>
    %get3A_63 = arith.constant 0 : index
    %get3A_64 = arith.constant 16 : index
    %get3A_65 = arith.constant 0 : index
    %get3A_66 = vector.load %arg2[%get3A_63, %get3A_64, %get3A_65] : memref<32x128x128xf32, #tpu.memory_space<vmem>>, vector<32x8x128xf32>
    %reshape3A_67 = vector.shape_cast %get3A_66 : vector<32x8x128xf32> to vector<256x128xf32>
    %convert_element_type3A_68 = arith.truncf %reshape3A_67 : vector<256x128xf32> to vector<256x128xbf16>
    %dot_general3A_69 = arith.constant dense<0.000000e+00> : vector<256x256xf32>
    %dot_general3A_70 = tpu.matmul %convert_element_type3A_68, %convert_element_type3A_68, %dot_general3A_69 {dimension_numbers = #tpu.dot_dimension_numbers<[1], [1], [0], [0], [0, 0, 1, 0], [], []>, transpose_lhs_hint = false} : vector<256x128xbf16>, vector<256x128xbf16>, vector<256x256xf32> -> vector<256x256xf32>
    %jit3A_71 = arith.constant 0.000000e+00 : f32
    %broadcast_in_dim3A_72 = vector.broadcast %jit3A_71 : f32 to vector<256x256xf32>
    %select_n3A_73 = arith.select %eq3A_40, %dot_general3A_70, %broadcast_in_dim3A_72 : vector<256x256xi1>, vector<256x256xf32>
    %add3A_74 = arith.addf %add3A_62, %select_n3A_73 : vector<256x256xf32>
    %get3A_75 = arith.constant 0 : index
    %get3A_76 = arith.constant 24 : index
    %get3A_77 = arith.constant 0 : index
    %get3A_78 = vector.load %arg2[%get3A_75, %get3A_76, %get3A_77] : memref<32x128x128xf32, #tpu.memory_space<vmem>>, vector<32x8x128xf32>
    %reshape3A_79 = vector.shape_cast %get3A_78 : vector<32x8x128xf32> to vector<256x128xf32>
    %convert_element_type3A_80 = arith.truncf %reshape3A_79 : vector<256x128xf32> to vector<256x128xbf16>
    %dot_general3A_81 = arith.constant dense<0.000000e+00> : vector<256x256xf32>
    %dot_general3A_82 = tpu.matmul %convert_element_type3A_80, %convert_element_type3A_80, %dot_general3A_81 {dimension_numbers = #tpu.dot_dimension_numbers<[1], [1], [0], [0], [0, 0, 1, 0], [], []>, transpose_lhs_hint = false} : vector<256x128xbf16>, vector<256x128xbf16>, vector<256x256xf32> -> vector<256x256xf32>
    %jit3A_83 = arith.constant 0.000000e+00 : f32
    %broadcast_in_dim3A_84 = vector.broadcast %jit3A_83 : f32 to vector<256x256xf32>
    %select_n3A_85 = arith.select %eq3A_40, %dot_general3A_82, %broadcast_in_dim3A_84 : vector<256x256xi1>, vector<256x256xf32>
    %add3A_86 = arith.addf %add3A_74, %select_n3A_85 : vector<256x256xf32>
    %get3A_87 = arith.constant 0 : index
    %get3A_88 = arith.constant 32 : index
    %get3A_89 = arith.constant 0 : index
    %get3A_90 = vector.load %arg2[%get3A_87, %get3A_88, %get3A_89] : memref<32x128x128xf32, #tpu.memory_space<vmem>>, vector<32x8x128xf32>
    %reshape3A_91 = vector.shape_cast %get3A_90 : vector<32x8x128xf32> to vector<256x128xf32>
    %convert_element_type3A_92 = arith.truncf %reshape3A_91 : vector<256x128xf32> to vector<256x128xbf16>
    %dot_general3A_93 = arith.constant dense<0.000000e+00> : vector<256x256xf32>
    %dot_general3A_94 = tpu.matmul %convert_element_type3A_92, %convert_element_type3A_92, %dot_general3A_93 {dimension_numbers = #tpu.dot_dimension_numbers<[1], [1], [0], [0], [0, 0, 1, 0], [], []>, transpose_lhs_hint = false} : vector<256x128xbf16>, vector<256x128xbf16>, vector<256x256xf32> -> vector<256x256xf32>
    %jit3A_95 = arith.constant 0.000000e+00 : f32
    %broadcast_in_dim3A_96 = vector.broadcast %jit3A_95 : f32 to vector<256x256xf32>
    %select_n3A_97 = arith.select %eq3A_40, %dot_general3A_94, %broadcast_in_dim3A_96 : vector<256x256xi1>, vector<256x256xf32>
    %add3A_98 = arith.addf %add3A_86, %select_n3A_97 : vector<256x256xf32>
    %get3A_99 = arith.constant 0 : index
    %get3A_100 = arith.constant 40 : index
    %get3A_101 = arith.constant 0 : index
    %get3A_102 = vector.load %arg2[%get3A_99, %get3A_100, %get3A_101] : memref<32x128x128xf32, #tpu.memory_space<vmem>>, vector<32x8x128xf32>
    %reshape3A_103 = vector.shape_cast %get3A_102 : vector<32x8x128xf32> to vector<256x128xf32>
    %convert_element_type3A_104 = arith.truncf %reshape3A_103 : vector<256x128xf32> to vector<256x128xbf16>
    %dot_general3A_105 = arith.constant dense<0.000000e+00> : vector<256x256xf32>
    %dot_general3A_106 = tpu.matmul %convert_element_type3A_104, %convert_element_type3A_104, %dot_general3A_105 {dimension_numbers = #tpu.dot_dimension_numbers<[1], [1], [0], [0], [0, 0, 1, 0], [], []>, transpose_lhs_hint = false} : vector<256x128xbf16>, vector<256x128xbf16>, vector<256x256xf32> -> vector<256x256xf32>
    %jit3A_107 = arith.constant 0.000000e+00 : f32
    %broadcast_in_dim3A_108 = vector.broadcast %jit3A_107 : f32 to vector<256x256xf32>
    %select_n3A_109 = arith.select %eq3A_40, %dot_general3A_106, %broadcast_in_dim3A_108 : vector<256x256xi1>, vector<256x256xf32>
    %add3A_110 = arith.addf %add3A_98, %select_n3A_109 : vector<256x256xf32>
    %get3A_111 = arith.constant 0 : index
    %get3A_112 = arith.constant 48 : index
    %get3A_113 = arith.constant 0 : index
    %get3A_114 = vector.load %arg2[%get3A_111, %get3A_112, %get3A_113] : memref<32x128x128xf32, #tpu.memory_space<vmem>>, vector<32x8x128xf32>
    %reshape3A_115 = vector.shape_cast %get3A_114 : vector<32x8x128xf32> to vector<256x128xf32>
    %convert_element_type3A_116 = arith.truncf %reshape3A_115 : vector<256x128xf32> to vector<256x128xbf16>
    %dot_general3A_117 = arith.constant dense<0.000000e+00> : vector<256x256xf32>
    %dot_general3A_118 = tpu.matmul %convert_element_type3A_116, %convert_element_type3A_116, %dot_general3A_117 {dimension_numbers = #tpu.dot_dimension_numbers<[1], [1], [0], [0], [0, 0, 1, 0], [], []>, transpose_lhs_hint = false} : vector<256x128xbf16>, vector<256x128xbf16>, vector<256x256xf32> -> vector<256x256xf32>
    %jit3A_119 = arith.constant 0.000000e+00 : f32
    %broadcast_in_dim3A_120 = vector.broadcast %jit3A_119 : f32 to vector<256x256xf32>
    %select_n3A_121 = arith.select %eq3A_40, %dot_general3A_118, %broadcast_in_dim3A_120 : vector<256x256xi1>, vector<256x256xf32>
    %add3A_122 = arith.addf %add3A_110, %select_n3A_121 : vector<256x256xf32>
    %get3A_123 = arith.constant 0 : index
    %get3A_124 = arith.constant 56 : index
    %get3A_125 = arith.constant 0 : index
    %get3A_126 = vector.load %arg2[%get3A_123, %get3A_124, %get3A_125] : memref<32x128x128xf32, #tpu.memory_space<vmem>>, vector<32x8x128xf32>
    %reshape3A_127 = vector.shape_cast %get3A_126 : vector<32x8x128xf32> to vector<256x128xf32>
    %convert_element_type3A_128 = arith.truncf %reshape3A_127 : vector<256x128xf32> to vector<256x128xbf16>
    %dot_general3A_129 = arith.constant dense<0.000000e+00> : vector<256x256xf32>
    %dot_general3A_130 = tpu.matmul %convert_element_type3A_128, %convert_element_type3A_128, %dot_general3A_129 {dimension_numbers = #tpu.dot_dimension_numbers<[1], [1], [0], [0], [0, 0, 1, 0], [], []>, transpose_lhs_hint = false} : vector<256x128xbf16>, vector<256x128xbf16>, vector<256x256xf32> -> vector<256x256xf32>
    %jit3A_131 = arith.constant 0.000000e+00 : f32
    %broadcast_in_dim3A_132 = vector.broadcast %jit3A_131 : f32 to vector<256x256xf32>
    %select_n3A_133 = arith.select %eq3A_40, %dot_general3A_130, %broadcast_in_dim3A_132 : vector<256x256xi1>, vector<256x256xf32>
    %add3A_134 = arith.addf %add3A_122, %select_n3A_133 : vector<256x256xf32>
    %get3A_135 = arith.constant 0 : index
    %get3A_136 = arith.constant 64 : index
    %get3A_137 = arith.constant 0 : index
    %get3A_138 = vector.load %arg2[%get3A_135, %get3A_136, %get3A_137] : memref<32x128x128xf32, #tpu.memory_space<vmem>>, vector<32x8x128xf32>
    %reshape3A_139 = vector.shape_cast %get3A_138 : vector<32x8x128xf32> to vector<256x128xf32>
    %convert_element_type3A_140 = arith.truncf %reshape3A_139 : vector<256x128xf32> to vector<256x128xbf16>
    %dot_general3A_141 = arith.constant dense<0.000000e+00> : vector<256x256xf32>
    %dot_general3A_142 = tpu.matmul %convert_element_type3A_140, %convert_element_type3A_140, %dot_general3A_141 {dimension_numbers = #tpu.dot_dimension_numbers<[1], [1], [0], [0], [0, 0, 1, 0], [], []>, transpose_lhs_hint = false} : vector<256x128xbf16>, vector<256x128xbf16>, vector<256x256xf32> -> vector<256x256xf32>
    %jit3A_143 = arith.constant 0.000000e+00 : f32
    %broadcast_in_dim3A_144 = vector.broadcast %jit3A_143 : f32 to vector<256x256xf32>
    %select_n3A_145 = arith.select %eq3A_40, %dot_general3A_142, %broadcast_in_dim3A_144 : vector<256x256xi1>, vector<256x256xf32>
    %add3A_146 = arith.addf %add3A_134, %select_n3A_145 : vector<256x256xf32>
    %get3A_147 = arith.constant 0 : index
    %get3A_148 = arith.constant 72 : index
    %get3A_149 = arith.constant 0 : index
    %get3A_150 = vector.load %arg2[%get3A_147, %get3A_148, %get3A_149] : memref<32x128x128xf32, #tpu.memory_space<vmem>>, vector<32x8x128xf32>
    %reshape3A_151 = vector.shape_cast %get3A_150 : vector<32x8x128xf32> to vector<256x128xf32>
    %convert_element_type3A_152 = arith.truncf %reshape3A_151 : vector<256x128xf32> to vector<256x128xbf16>
    %dot_general3A_153 = arith.constant dense<0.000000e+00> : vector<256x256xf32>
    %dot_general3A_154 = tpu.matmul %convert_element_type3A_152, %convert_element_type3A_152, %dot_general3A_153 {dimension_numbers = #tpu.dot_dimension_numbers<[1], [1], [0], [0], [0, 0, 1, 0], [], []>, transpose_lhs_hint = false} : vector<256x128xbf16>, vector<256x128xbf16>, vector<256x256xf32> -> vector<256x256xf32>
    %jit3A_155 = arith.constant 0.000000e+00 : f32
    %broadcast_in_dim3A_156 = vector.broadcast %jit3A_155 : f32 to vector<256x256xf32>
    %select_n3A_157 = arith.select %eq3A_40, %dot_general3A_154, %broadcast_in_dim3A_156 : vector<256x256xi1>, vector<256x256xf32>
    %add3A_158 = arith.addf %add3A_146, %select_n3A_157 : vector<256x256xf32>
    %get3A_159 = arith.constant 0 : index
    %get3A_160 = arith.constant 80 : index
    %get3A_161 = arith.constant 0 : index
    %get3A_162 = vector.load %arg2[%get3A_159, %get3A_160, %get3A_161] : memref<32x128x128xf32, #tpu.memory_space<vmem>>, vector<32x8x128xf32>
    %reshape3A_163 = vector.shape_cast %get3A_162 : vector<32x8x128xf32> to vector<256x128xf32>
    %convert_element_type3A_164 = arith.truncf %reshape3A_163 : vector<256x128xf32> to vector<256x128xbf16>
    %dot_general3A_165 = arith.constant dense<0.000000e+00> : vector<256x256xf32>
    %dot_general3A_166 = tpu.matmul %convert_element_type3A_164, %convert_element_type3A_164, %dot_general3A_165 {dimension_numbers = #tpu.dot_dimension_numbers<[1], [1], [0], [0], [0, 0, 1, 0], [], []>, transpose_lhs_hint = false} : vector<256x128xbf16>, vector<256x128xbf16>, vector<256x256xf32> -> vector<256x256xf32>
    %jit3A_167 = arith.constant 0.000000e+00 : f32
    %broadcast_in_dim3A_168 = vector.broadcast %jit3A_167 : f32 to vector<256x256xf32>
    %select_n3A_169 = arith.select %eq3A_40, %dot_general3A_166, %broadcast_in_dim3A_168 : vector<256x256xi1>, vector<256x256xf32>
    %add3A_170 = arith.addf %add3A_158, %select_n3A_169 : vector<256x256xf32>
    %get3A_171 = arith.constant 0 : index
    %get3A_172 = arith.constant 88 : index
    %get3A_173 = arith.constant 0 : index
    %get3A_174 = vector.load %arg2[%get3A_171, %get3A_172, %get3A_173] : memref<32x128x128xf32, #tpu.memory_space<vmem>>, vector<32x8x128xf32>
    %reshape3A_175 = vector.shape_cast %get3A_174 : vector<32x8x128xf32> to vector<256x128xf32>
    %convert_element_type3A_176 = arith.truncf %reshape3A_175 : vector<256x128xf32> to vector<256x128xbf16>
    %dot_general3A_177 = arith.constant dense<0.000000e+00> : vector<256x256xf32>
    %dot_general3A_178 = tpu.matmul %convert_element_type3A_176, %convert_element_type3A_176, %dot_general3A_177 {dimension_numbers = #tpu.dot_dimension_numbers<[1], [1], [0], [0], [0, 0, 1, 0], [], []>, transpose_lhs_hint = false} : vector<256x128xbf16>, vector<256x128xbf16>, vector<256x256xf32> -> vector<256x256xf32>
    %jit3A_179 = arith.constant 0.000000e+00 : f32
    %broadcast_in_dim3A_180 = vector.broadcast %jit3A_179 : f32 to vector<256x256xf32>
    %select_n3A_181 = arith.select %eq3A_40, %dot_general3A_178, %broadcast_in_dim3A_180 : vector<256x256xi1>, vector<256x256xf32>
    %add3A_182 = arith.addf %add3A_170, %select_n3A_181 : vector<256x256xf32>
    %get3A_183 = arith.constant 0 : index
    %get3A_184 = arith.constant 96 : index
    %get3A_185 = arith.constant 0 : index
    %get3A_186 = vector.load %arg2[%get3A_183, %get3A_184, %get3A_185] : memref<32x128x128xf32, #tpu.memory_space<vmem>>, vector<32x8x128xf32>
    %reshape3A_187 = vector.shape_cast %get3A_186 : vector<32x8x128xf32> to vector<256x128xf32>
    %convert_element_type3A_188 = arith.truncf %reshape3A_187 : vector<256x128xf32> to vector<256x128xbf16>
    %dot_general3A_189 = arith.constant dense<0.000000e+00> : vector<256x256xf32>
    %dot_general3A_190 = tpu.matmul %convert_element_type3A_188, %convert_element_type3A_188, %dot_general3A_189 {dimension_numbers = #tpu.dot_dimension_numbers<[1], [1], [0], [0], [0, 0, 1, 0], [], []>, transpose_lhs_hint = false} : vector<256x128xbf16>, vector<256x128xbf16>, vector<256x256xf32> -> vector<256x256xf32>
    %jit3A_191 = arith.constant 0.000000e+00 : f32
    %broadcast_in_dim3A_192 = vector.broadcast %jit3A_191 : f32 to vector<256x256xf32>
    %select_n3A_193 = arith.select %eq3A_40, %dot_general3A_190, %broadcast_in_dim3A_192 : vector<256x256xi1>, vector<256x256xf32>
    %add3A_194 = arith.addf %add3A_182, %select_n3A_193 : vector<256x256xf32>
    %get3A_195 = arith.constant 0 : index
    %get3A_196 = arith.constant 104 : index
    %get3A_197 = arith.constant 0 : index
    %get3A_198 = vector.load %arg2[%get3A_195, %get3A_196, %get3A_197] : memref<32x128x128xf32, #tpu.memory_space<vmem>>, vector<32x8x128xf32>
    %reshape3A_199 = vector.shape_cast %get3A_198 : vector<32x8x128xf32> to vector<256x128xf32>
    %convert_element_type3A_200 = arith.truncf %reshape3A_199 : vector<256x128xf32> to vector<256x128xbf16>
    %dot_general3A_201 = arith.constant dense<0.000000e+00> : vector<256x256xf32>
    %dot_general3A_202 = tpu.matmul %convert_element_type3A_200, %convert_element_type3A_200, %dot_general3A_201 {dimension_numbers = #tpu.dot_dimension_numbers<[1], [1], [0], [0], [0, 0, 1, 0], [], []>, transpose_lhs_hint = false} : vector<256x128xbf16>, vector<256x128xbf16>, vector<256x256xf32> -> vector<256x256xf32>
    %jit3A_203 = arith.constant 0.000000e+00 : f32
    %broadcast_in_dim3A_204 = vector.broadcast %jit3A_203 : f32 to vector<256x256xf32>
    %select_n3A_205 = arith.select %eq3A_40, %dot_general3A_202, %broadcast_in_dim3A_204 : vector<256x256xi1>, vector<256x256xf32>
    %add3A_206 = arith.addf %add3A_194, %select_n3A_205 : vector<256x256xf32>
    %get3A_207 = arith.constant 0 : index
    %get3A_208 = arith.constant 112 : index
    %get3A_209 = arith.constant 0 : index
    %get3A_210 = vector.load %arg2[%get3A_207, %get3A_208, %get3A_209] : memref<32x128x128xf32, #tpu.memory_space<vmem>>, vector<32x8x128xf32>
    %reshape3A_211 = vector.shape_cast %get3A_210 : vector<32x8x128xf32> to vector<256x128xf32>
    %convert_element_type3A_212 = arith.truncf %reshape3A_211 : vector<256x128xf32> to vector<256x128xbf16>
    %dot_general3A_213 = arith.constant dense<0.000000e+00> : vector<256x256xf32>
    %dot_general3A_214 = tpu.matmul %convert_element_type3A_212, %convert_element_type3A_212, %dot_general3A_213 {dimension_numbers = #tpu.dot_dimension_numbers<[1], [1], [0], [0], [0, 0, 1, 0], [], []>, transpose_lhs_hint = false} : vector<256x128xbf16>, vector<256x128xbf16>, vector<256x256xf32> -> vector<256x256xf32>
    %jit3A_215 = arith.constant 0.000000e+00 : f32
    %broadcast_in_dim3A_216 = vector.broadcast %jit3A_215 : f32 to vector<256x256xf32>
    %select_n3A_217 = arith.select %eq3A_40, %dot_general3A_214, %broadcast_in_dim3A_216 : vector<256x256xi1>, vector<256x256xf32>
    %add3A_218 = arith.addf %add3A_206, %select_n3A_217 : vector<256x256xf32>
    %get3A_219 = arith.constant 0 : index
    %get3A_220 = arith.constant 120 : index
    %get3A_221 = arith.constant 0 : index
    %get3A_222 = vector.load %arg2[%get3A_219, %get3A_220, %get3A_221] : memref<32x128x128xf32, #tpu.memory_space<vmem>>, vector<32x8x128xf32>
    %reshape3A_223 = vector.shape_cast %get3A_222 : vector<32x8x128xf32> to vector<256x128xf32>
    %convert_element_type3A_224 = arith.truncf %reshape3A_223 : vector<256x128xf32> to vector<256x128xbf16>
    %dot_general3A_225 = arith.constant dense<0.000000e+00> : vector<256x256xf32>
    %dot_general3A_226 = tpu.matmul %convert_element_type3A_224, %convert_element_type3A_224, %dot_general3A_225 {dimension_numbers = #tpu.dot_dimension_numbers<[1], [1], [0], [0], [0, 0, 1, 0], [], []>, transpose_lhs_hint = false} : vector<256x128xbf16>, vector<256x128xbf16>, vector<256x256xf32> -> vector<256x256xf32>
    %jit3A_227 = arith.constant 0.000000e+00 : f32
    %broadcast_in_dim3A_228 = vector.broadcast %jit3A_227 : f32 to vector<256x256xf32>
    %select_n3A_229 = arith.select %eq3A_40, %dot_general3A_226, %broadcast_in_dim3A_228 : vector<256x256xi1>, vector<256x256xf32>
    %add3A_230 = arith.addf %add3A_218, %select_n3A_229 : vector<256x256xf32>
    %get3A_231 = arith.constant 0 : index
    %get3A_232 = arith.constant 0 : index
    %get3A_233 = arith.constant 0 : index
    %get3A_234 = vector.load %arg3[%get3A_231, %get3A_232, %get3A_233] : memref<32x128x128xf32, #tpu.memory_space<vmem>>, vector<32x8x128xf32>
    %reshape3A_235 = vector.shape_cast %get3A_234 : vector<32x8x128xf32> to vector<256x128xf32>
    %convert_element_type3A_236 = arith.truncf %reshape3A_235 : vector<256x128xf32> to vector<256x128xbf16>
    %dot_general3A_237 = arith.constant dense<0.000000e+00> : vector<256x256xf32>
    %dot_general3A_238 = tpu.matmul %convert_element_type3A_236, %convert_element_type3A_236, %dot_general3A_237 {dimension_numbers = #tpu.dot_dimension_numbers<[1], [1], [0], [0], [0, 0, 1, 0], [], []>, transpose_lhs_hint = false} : vector<256x128xbf16>, vector<256x128xbf16>, vector<256x256xf32> -> vector<256x256xf32>
    %jit3A_239 = arith.constant 0.000000e+00 : f32
    %broadcast_in_dim3A_240 = vector.broadcast %jit3A_239 : f32 to vector<256x256xf32>
    %select_n3A_241 = arith.select %eq3A_40, %dot_general3A_238, %broadcast_in_dim3A_240 : vector<256x256xi1>, vector<256x256xf32>
    %add3A_242 = arith.addf %add3A_230, %select_n3A_241 : vector<256x256xf32>
    %get3A_243 = arith.constant 0 : index
    %get3A_244 = arith.constant 8 : index
    %get3A_245 = arith.constant 0 : index
    %get3A_246 = vector.load %arg3[%get3A_243, %get3A_244, %get3A_245] : memref<32x128x128xf32, #tpu.memory_space<vmem>>, vector<32x8x128xf32>
    %reshape3A_247 = vector.shape_cast %get3A_246 : vector<32x8x128xf32> to vector<256x128xf32>
    %convert_element_type3A_248 = arith.truncf %reshape3A_247 : vector<256x128xf32> to vector<256x128xbf16>
    %dot_general3A_249 = arith.constant dense<0.000000e+00> : vector<256x256xf32>
    %dot_general3A_250 = tpu.matmul %convert_element_type3A_248, %convert_element_type3A_248, %dot_general3A_249 {dimension_numbers = #tpu.dot_dimension_numbers<[1], [1], [0], [0], [0, 0, 1, 0], [], []>, transpose_lhs_hint = false} : vector<256x128xbf16>, vector<256x128xbf16>, vector<256x256xf32> -> vector<256x256xf32>
    %jit3A_251 = arith.constant 0.000000e+00 : f32
    %broadcast_in_dim3A_252 = vector.broadcast %jit3A_251 : f32 to vector<256x256xf32>
    %select_n3A_253 = arith.select %eq3A_40, %dot_general3A_250, %broadcast_in_dim3A_252 : vector<256x256xi1>, vector<256x256xf32>
    %add3A_254 = arith.addf %add3A_242, %select_n3A_253 : vector<256x256xf32>
    %get3A_255 = arith.constant 0 : index
    %get3A_256 = arith.constant 16 : index
    %get3A_257 = arith.constant 0 : index
    %get3A_258 = vector.load %arg3[%get3A_255, %get3A_256, %get3A_257] : memref<32x128x128xf32, #tpu.memory_space<vmem>>, vector<32x8x128xf32>
    %reshape3A_259 = vector.shape_cast %get3A_258 : vector<32x8x128xf32> to vector<256x128xf32>
    %convert_element_type3A_260 = arith.truncf %reshape3A_259 : vector<256x128xf32> to vector<256x128xbf16>
    %dot_general3A_261 = arith.constant dense<0.000000e+00> : vector<256x256xf32>
    %dot_general3A_262 = tpu.matmul %convert_element_type3A_260, %convert_element_type3A_260, %dot_general3A_261 {dimension_numbers = #tpu.dot_dimension_numbers<[1], [1], [0], [0], [0, 0, 1, 0], [], []>, transpose_lhs_hint = false} : vector<256x128xbf16>, vector<256x128xbf16>, vector<256x256xf32> -> vector<256x256xf32>
    %jit3A_263 = arith.constant 0.000000e+00 : f32
    %broadcast_in_dim3A_264 = vector.broadcast %jit3A_263 : f32 to vector<256x256xf32>
    %select_n3A_265 = arith.select %eq3A_40, %dot_general3A_262, %broadcast_in_dim3A_264 : vector<256x256xi1>, vector<256x256xf32>
    %add3A_266 = arith.addf %add3A_254, %select_n3A_265 : vector<256x256xf32>
    %get3A_267 = arith.constant 0 : index
    %get3A_268 = arith.constant 24 : index
    %get3A_269 = arith.constant 0 : index
    %get3A_270 = vector.load %arg3[%get3A_267, %get3A_268, %get3A_269] : memref<32x128x128xf32, #tpu.memory_space<vmem>>, vector<32x8x128xf32>
    %reshape3A_271 = vector.shape_cast %get3A_270 : vector<32x8x128xf32> to vector<256x128xf32>
    %convert_element_type3A_272 = arith.truncf %reshape3A_271 : vector<256x128xf32> to vector<256x128xbf16>
    %dot_general3A_273 = arith.constant dense<0.000000e+00> : vector<256x256xf32>
    %dot_general3A_274 = tpu.matmul %convert_element_type3A_272, %convert_element_type3A_272, %dot_general3A_273 {dimension_numbers = #tpu.dot_dimension_numbers<[1], [1], [0], [0], [0, 0, 1, 0], [], []>, transpose_lhs_hint = false} : vector<256x128xbf16>, vector<256x128xbf16>, vector<256x256xf32> -> vector<256x256xf32>
    %jit3A_275 = arith.constant 0.000000e+00 : f32
    %broadcast_in_dim3A_276 = vector.broadcast %jit3A_275 : f32 to vector<256x256xf32>
    %select_n3A_277 = arith.select %eq3A_40, %dot_general3A_274, %broadcast_in_dim3A_276 : vector<256x256xi1>, vector<256x256xf32>
    %add3A_278 = arith.addf %add3A_266, %select_n3A_277 : vector<256x256xf32>
    %get3A_279 = arith.constant 0 : index
    %get3A_280 = arith.constant 32 : index
    %get3A_281 = arith.constant 0 : index
    %get3A_282 = vector.load %arg3[%get3A_279, %get3A_280, %get3A_281] : memref<32x128x128xf32, #tpu.memory_space<vmem>>, vector<32x8x128xf32>
    %reshape3A_283 = vector.shape_cast %get3A_282 : vector<32x8x128xf32> to vector<256x128xf32>
    %convert_element_type3A_284 = arith.truncf %reshape3A_283 : vector<256x128xf32> to vector<256x128xbf16>
    %dot_general3A_285 = arith.constant dense<0.000000e+00> : vector<256x256xf32>
    %dot_general3A_286 = tpu.matmul %convert_element_type3A_284, %convert_element_type3A_284, %dot_general3A_285 {dimension_numbers = #tpu.dot_dimension_numbers<[1], [1], [0], [0], [0, 0, 1, 0], [], []>, transpose_lhs_hint = false} : vector<256x128xbf16>, vector<256x128xbf16>, vector<256x256xf32> -> vector<256x256xf32>
    %jit3A_287 = arith.constant 0.000000e+00 : f32
    %broadcast_in_dim3A_288 = vector.broadcast %jit3A_287 : f32 to vector<256x256xf32>
    %select_n3A_289 = arith.select %eq3A_40, %dot_general3A_286, %broadcast_in_dim3A_288 : vector<256x256xi1>, vector<256x256xf32>
    %add3A_290 = arith.addf %add3A_278, %select_n3A_289 : vector<256x256xf32>
    %get3A_291 = arith.constant 0 : index
    %get3A_292 = arith.constant 40 : index
    %get3A_293 = arith.constant 0 : index
    %get3A_294 = vector.load %arg3[%get3A_291, %get3A_292, %get3A_293] : memref<32x128x128xf32, #tpu.memory_space<vmem>>, vector<32x8x128xf32>
    %reshape3A_295 = vector.shape_cast %get3A_294 : vector<32x8x128xf32> to vector<256x128xf32>
    %convert_element_type3A_296 = arith.truncf %reshape3A_295 : vector<256x128xf32> to vector<256x128xbf16>
    %dot_general3A_297 = arith.constant dense<0.000000e+00> : vector<256x256xf32>
    %dot_general3A_298 = tpu.matmul %convert_element_type3A_296, %convert_element_type3A_296, %dot_general3A_297 {dimension_numbers = #tpu.dot_dimension_numbers<[1], [1], [0], [0], [0, 0, 1, 0], [], []>, transpose_lhs_hint = false} : vector<256x128xbf16>, vector<256x128xbf16>, vector<256x256xf32> -> vector<256x256xf32>
    %jit3A_299 = arith.constant 0.000000e+00 : f32
    %broadcast_in_dim3A_300 = vector.broadcast %jit3A_299 : f32 to vector<256x256xf32>
    %select_n3A_301 = arith.select %eq3A_40, %dot_general3A_298, %broadcast_in_dim3A_300 : vector<256x256xi1>, vector<256x256xf32>
    %add3A_302 = arith.addf %add3A_290, %select_n3A_301 : vector<256x256xf32>
    %get3A_303 = arith.constant 0 : index
    %get3A_304 = arith.constant 48 : index
    %get3A_305 = arith.constant 0 : index
    %get3A_306 = vector.load %arg3[%get3A_303, %get3A_304, %get3A_305] : memref<32x128x128xf32, #tpu.memory_space<vmem>>, vector<32x8x128xf32>
    %reshape3A_307 = vector.shape_cast %get3A_306 : vector<32x8x128xf32> to vector<256x128xf32>
    %convert_element_type3A_308 = arith.truncf %reshape3A_307 : vector<256x128xf32> to vector<256x128xbf16>
    %dot_general3A_309 = arith.constant dense<0.000000e+00> : vector<256x256xf32>
    %dot_general3A_310 = tpu.matmul %convert_element_type3A_308, %convert_element_type3A_308, %dot_general3A_309 {dimension_numbers = #tpu.dot_dimension_numbers<[1], [1], [0], [0], [0, 0, 1, 0], [], []>, transpose_lhs_hint = false} : vector<256x128xbf16>, vector<256x128xbf16>, vector<256x256xf32> -> vector<256x256xf32>
    %jit3A_311 = arith.constant 0.000000e+00 : f32
    %broadcast_in_dim3A_312 = vector.broadcast %jit3A_311 : f32 to vector<256x256xf32>
    %select_n3A_313 = arith.select %eq3A_40, %dot_general3A_310, %broadcast_in_dim3A_312 : vector<256x256xi1>, vector<256x256xf32>
    %add3A_314 = arith.addf %add3A_302, %select_n3A_313 : vector<256x256xf32>
    %get3A_315 = arith.constant 0 : index
    %get3A_316 = arith.constant 56 : index
    %get3A_317 = arith.constant 0 : index
    %get3A_318 = vector.load %arg3[%get3A_315, %get3A_316, %get3A_317] : memref<32x128x128xf32, #tpu.memory_space<vmem>>, vector<32x8x128xf32>
    %reshape3A_319 = vector.shape_cast %get3A_318 : vector<32x8x128xf32> to vector<256x128xf32>
    %convert_element_type3A_320 = arith.truncf %reshape3A_319 : vector<256x128xf32> to vector<256x128xbf16>
    %dot_general3A_321 = arith.constant dense<0.000000e+00> : vector<256x256xf32>
    %dot_general3A_322 = tpu.matmul %convert_element_type3A_320, %convert_element_type3A_320, %dot_general3A_321 {dimension_numbers = #tpu.dot_dimension_numbers<[1], [1], [0], [0], [0, 0, 1, 0], [], []>, transpose_lhs_hint = false} : vector<256x128xbf16>, vector<256x128xbf16>, vector<256x256xf32> -> vector<256x256xf32>
    %jit3A_323 = arith.constant 0.000000e+00 : f32
    %broadcast_in_dim3A_324 = vector.broadcast %jit3A_323 : f32 to vector<256x256xf32>
    %select_n3A_325 = arith.select %eq3A_40, %dot_general3A_322, %broadcast_in_dim3A_324 : vector<256x256xi1>, vector<256x256xf32>
    %add3A_326 = arith.addf %add3A_314, %select_n3A_325 : vector<256x256xf32>
    %get3A_327 = arith.constant 0 : index
    %get3A_328 = arith.constant 64 : index
    %get3A_329 = arith.constant 0 : index
    %get3A_330 = vector.load %arg3[%get3A_327, %get3A_328, %get3A_329] : memref<32x128x128xf32, #tpu.memory_space<vmem>>, vector<32x8x128xf32>
    %reshape3A_331 = vector.shape_cast %get3A_330 : vector<32x8x128xf32> to vector<256x128xf32>
    %convert_element_type3A_332 = arith.truncf %reshape3A_331 : vector<256x128xf32> to vector<256x128xbf16>
    %dot_general3A_333 = arith.constant dense<0.000000e+00> : vector<256x256xf32>
    %dot_general3A_334 = tpu.matmul %convert_element_type3A_332, %convert_element_type3A_332, %dot_general3A_333 {dimension_numbers = #tpu.dot_dimension_numbers<[1], [1], [0], [0], [0, 0, 1, 0], [], []>, transpose_lhs_hint = false} : vector<256x128xbf16>, vector<256x128xbf16>, vector<256x256xf32> -> vector<256x256xf32>
    %jit3A_335 = arith.constant 0.000000e+00 : f32
    %broadcast_in_dim3A_336 = vector.broadcast %jit3A_335 : f32 to vector<256x256xf32>
    %select_n3A_337 = arith.select %eq3A_40, %dot_general3A_334, %broadcast_in_dim3A_336 : vector<256x256xi1>, vector<256x256xf32>
    %add3A_338 = arith.addf %add3A_326, %select_n3A_337 : vector<256x256xf32>
    %get3A_339 = arith.constant 0 : index
    %get3A_340 = arith.constant 72 : index
    %get3A_341 = arith.constant 0 : index
    %get3A_342 = vector.load %arg3[%get3A_339, %get3A_340, %get3A_341] : memref<32x128x128xf32, #tpu.memory_space<vmem>>, vector<32x8x128xf32>
    %reshape3A_343 = vector.shape_cast %get3A_342 : vector<32x8x128xf32> to vector<256x128xf32>
    %convert_element_type3A_344 = arith.truncf %reshape3A_343 : vector<256x128xf32> to vector<256x128xbf16>
    %dot_general3A_345 = arith.constant dense<0.000000e+00> : vector<256x256xf32>
    %dot_general3A_346 = tpu.matmul %convert_element_type3A_344, %convert_element_type3A_344, %dot_general3A_345 {dimension_numbers = #tpu.dot_dimension_numbers<[1], [1], [0], [0], [0, 0, 1, 0], [], []>, transpose_lhs_hint = false} : vector<256x128xbf16>, vector<256x128xbf16>, vector<256x256xf32> -> vector<256x256xf32>
    %jit3A_347 = arith.constant 0.000000e+00 : f32
    %broadcast_in_dim3A_348 = vector.broadcast %jit3A_347 : f32 to vector<256x256xf32>
    %select_n3A_349 = arith.select %eq3A_40, %dot_general3A_346, %broadcast_in_dim3A_348 : vector<256x256xi1>, vector<256x256xf32>
    %add3A_350 = arith.addf %add3A_338, %select_n3A_349 : vector<256x256xf32>
    %get3A_351 = arith.constant 0 : index
    %get3A_352 = arith.constant 80 : index
    %get3A_353 = arith.constant 0 : index
    %get3A_354 = vector.load %arg3[%get3A_351, %get3A_352, %get3A_353] : memref<32x128x128xf32, #tpu.memory_space<vmem>>, vector<32x8x128xf32>
    %reshape3A_355 = vector.shape_cast %get3A_354 : vector<32x8x128xf32> to vector<256x128xf32>
    %convert_element_type3A_356 = arith.truncf %reshape3A_355 : vector<256x128xf32> to vector<256x128xbf16>
    %dot_general3A_357 = arith.constant dense<0.000000e+00> : vector<256x256xf32>
    %dot_general3A_358 = tpu.matmul %convert_element_type3A_356, %convert_element_type3A_356, %dot_general3A_357 {dimension_numbers = #tpu.dot_dimension_numbers<[1], [1], [0], [0], [0, 0, 1, 0], [], []>, transpose_lhs_hint = false} : vector<256x128xbf16>, vector<256x128xbf16>, vector<256x256xf32> -> vector<256x256xf32>
    %jit3A_359 = arith.constant 0.000000e+00 : f32
    %broadcast_in_dim3A_360 = vector.broadcast %jit3A_359 : f32 to vector<256x256xf32>
    %select_n3A_361 = arith.select %eq3A_40, %dot_general3A_358, %broadcast_in_dim3A_360 : vector<256x256xi1>, vector<256x256xf32>
    %add3A_362 = arith.addf %add3A_350, %select_n3A_361 : vector<256x256xf32>
    %get3A_363 = arith.constant 0 : index
    %get3A_364 = arith.constant 88 : index
    %get3A_365 = arith.constant 0 : index
    %get3A_366 = vector.load %arg3[%get3A_363, %get3A_364, %get3A_365] : memref<32x128x128xf32, #tpu.memory_space<vmem>>, vector<32x8x128xf32>
    %reshape3A_367 = vector.shape_cast %get3A_366 : vector<32x8x128xf32> to vector<256x128xf32>
    %convert_element_type3A_368 = arith.truncf %reshape3A_367 : vector<256x128xf32> to vector<256x128xbf16>
    %dot_general3A_369 = arith.constant dense<0.000000e+00> : vector<256x256xf32>
    %dot_general3A_370 = tpu.matmul %convert_element_type3A_368, %convert_element_type3A_368, %dot_general3A_369 {dimension_numbers = #tpu.dot_dimension_numbers<[1], [1], [0], [0], [0, 0, 1, 0], [], []>, transpose_lhs_hint = false} : vector<256x128xbf16>, vector<256x128xbf16>, vector<256x256xf32> -> vector<256x256xf32>
    %jit3A_371 = arith.constant 0.000000e+00 : f32
    %broadcast_in_dim3A_372 = vector.broadcast %jit3A_371 : f32 to vector<256x256xf32>
    %select_n3A_373 = arith.select %eq3A_40, %dot_general3A_370, %broadcast_in_dim3A_372 : vector<256x256xi1>, vector<256x256xf32>
    %add3A_374 = arith.addf %add3A_362, %select_n3A_373 : vector<256x256xf32>
    %get3A_375 = arith.constant 0 : index
    %get3A_376 = arith.constant 96 : index
    %get3A_377 = arith.constant 0 : index
    %get3A_378 = vector.load %arg3[%get3A_375, %get3A_376, %get3A_377] : memref<32x128x128xf32, #tpu.memory_space<vmem>>, vector<32x8x128xf32>
    %reshape3A_379 = vector.shape_cast %get3A_378 : vector<32x8x128xf32> to vector<256x128xf32>
    %convert_element_type3A_380 = arith.truncf %reshape3A_379 : vector<256x128xf32> to vector<256x128xbf16>
    %dot_general3A_381 = arith.constant dense<0.000000e+00> : vector<256x256xf32>
    %dot_general3A_382 = tpu.matmul %convert_element_type3A_380, %convert_element_type3A_380, %dot_general3A_381 {dimension_numbers = #tpu.dot_dimension_numbers<[1], [1], [0], [0], [0, 0, 1, 0], [], []>, transpose_lhs_hint = false} : vector<256x128xbf16>, vector<256x128xbf16>, vector<256x256xf32> -> vector<256x256xf32>
    %jit3A_383 = arith.constant 0.000000e+00 : f32
    %broadcast_in_dim3A_384 = vector.broadcast %jit3A_383 : f32 to vector<256x256xf32>
    %select_n3A_385 = arith.select %eq3A_40, %dot_general3A_382, %broadcast_in_dim3A_384 : vector<256x256xi1>, vector<256x256xf32>
    %add3A_386 = arith.addf %add3A_374, %select_n3A_385 : vector<256x256xf32>
    %get3A_387 = arith.constant 0 : index
    %get3A_388 = arith.constant 104 : index
    %get3A_389 = arith.constant 0 : index
    %get3A_390 = vector.load %arg3[%get3A_387, %get3A_388, %get3A_389] : memref<32x128x128xf32, #tpu.memory_space<vmem>>, vector<32x8x128xf32>
    %reshape3A_391 = vector.shape_cast %get3A_390 : vector<32x8x128xf32> to vector<256x128xf32>
    %convert_element_type3A_392 = arith.truncf %reshape3A_391 : vector<256x128xf32> to vector<256x128xbf16>
    %dot_general3A_393 = arith.constant dense<0.000000e+00> : vector<256x256xf32>
    %dot_general3A_394 = tpu.matmul %convert_element_type3A_392, %convert_element_type3A_392, %dot_general3A_393 {dimension_numbers = #tpu.dot_dimension_numbers<[1], [1], [0], [0], [0, 0, 1, 0], [], []>, transpose_lhs_hint = false} : vector<256x128xbf16>, vector<256x128xbf16>, vector<256x256xf32> -> vector<256x256xf32>
    %jit3A_395 = arith.constant 0.000000e+00 : f32
    %broadcast_in_dim3A_396 = vector.broadcast %jit3A_395 : f32 to vector<256x256xf32>
    %select_n3A_397 = arith.select %eq3A_40, %dot_general3A_394, %broadcast_in_dim3A_396 : vector<256x256xi1>, vector<256x256xf32>
    %add3A_398 = arith.addf %add3A_386, %select_n3A_397 : vector<256x256xf32>
    %get3A_399 = arith.constant 0 : index
    %get3A_400 = arith.constant 112 : index
    %get3A_401 = arith.constant 0 : index
    %get3A_402 = vector.load %arg3[%get3A_399, %get3A_400, %get3A_401] : memref<32x128x128xf32, #tpu.memory_space<vmem>>, vector<32x8x128xf32>
    %reshape3A_403 = vector.shape_cast %get3A_402 : vector<32x8x128xf32> to vector<256x128xf32>
    %convert_element_type3A_404 = arith.truncf %reshape3A_403 : vector<256x128xf32> to vector<256x128xbf16>
    %dot_general3A_405 = arith.constant dense<0.000000e+00> : vector<256x256xf32>
    %dot_general3A_406 = tpu.matmul %convert_element_type3A_404, %convert_element_type3A_404, %dot_general3A_405 {dimension_numbers = #tpu.dot_dimension_numbers<[1], [1], [0], [0], [0, 0, 1, 0], [], []>, transpose_lhs_hint = false} : vector<256x128xbf16>, vector<256x128xbf16>, vector<256x256xf32> -> vector<256x256xf32>
    %jit3A_407 = arith.constant 0.000000e+00 : f32
    %broadcast_in_dim3A_408 = vector.broadcast %jit3A_407 : f32 to vector<256x256xf32>
    %select_n3A_409 = arith.select %eq3A_40, %dot_general3A_406, %broadcast_in_dim3A_408 : vector<256x256xi1>, vector<256x256xf32>
    %add3A_410 = arith.addf %add3A_398, %select_n3A_409 : vector<256x256xf32>
    %get3A_411 = arith.constant 0 : index
    %get3A_412 = arith.constant 120 : index
    %get3A_413 = arith.constant 0 : index
    %get3A_414 = vector.load %arg3[%get3A_411, %get3A_412, %get3A_413] : memref<32x128x128xf32, #tpu.memory_space<vmem>>, vector<32x8x128xf32>
    %reshape3A_415 = vector.shape_cast %get3A_414 : vector<32x8x128xf32> to vector<256x128xf32>
    %convert_element_type3A_416 = arith.truncf %reshape3A_415 : vector<256x128xf32> to vector<256x128xbf16>
    %dot_general3A_417 = arith.constant dense<0.000000e+00> : vector<256x256xf32>
    %dot_general3A_418 = tpu.matmul %convert_element_type3A_416, %convert_element_type3A_416, %dot_general3A_417 {dimension_numbers = #tpu.dot_dimension_numbers<[1], [1], [0], [0], [0, 0, 1, 0], [], []>, transpose_lhs_hint = false} : vector<256x128xbf16>, vector<256x128xbf16>, vector<256x256xf32> -> vector<256x256xf32>
    %jit3A_419 = arith.constant 0.000000e+00 : f32
    %broadcast_in_dim3A_420 = vector.broadcast %jit3A_419 : f32 to vector<256x256xf32>
    %select_n3A_421 = arith.select %eq3A_40, %dot_general3A_418, %broadcast_in_dim3A_420 : vector<256x256xi1>, vector<256x256xf32>
    %add3A_422 = arith.addf %add3A_410, %select_n3A_421 : vector<256x256xf32>
    %get3A_423 = arith.constant 0 : index
    %get3A_424 = arith.constant 0 : index
    %get3A_425 = vector.load %arg6[%get3A_423, %get3A_424] : memref<256x256xf32, #tpu.memory_space<vmem>>, vector<256x256xf32>
    %add3A_426 = arith.addf %get3A_425, %add3A_422 : vector<256x256xf32>
    %swap3A = arith.constant 0 : index
    %swap3A_427 = arith.constant 0 : index
    %swap3A_428 = vector.load %arg6[%swap3A, %swap3A_427] : memref<256x256xf32, #tpu.memory_space<vmem>>, vector<256x256xf32>
    tpu.vector_store %arg6[%swap3A, %swap3A_427], %add3A_426 {strides = array<i32>} : memref<256x256xf32, #tpu.memory_space<vmem>>, vector<256x256xf32>,
    %eq3A_429 = arith.constant 15 : i32
    %eq3A_430 = arith.cmpi eq, %arg0, %eq3A_429 : i32
    %convert_element_type3A_431 = arith.extui %eq3A_430 : i1 to i32
    %cond3A_432 = arith.constant 0 : i32
    %cond3A_433 = arith.cmpi ne, %convert_element_type3A_431, %cond3A_432 : i32
    scf.if %cond3A_433 {
      %get3A_434 = arith.constant 0 : index
      %get3A_435 = arith.constant 0 : index
      %get3A_436 = vector.load %arg6[%get3A_434, %get3A_435] : memref<256x256xf32, #tpu.memory_space<vmem>>, vector<256x256xf32>
      %iota3A_437 = tpu.iota {dimensions = array<i32: 0>} : vector<256x32xi32>
      %jit3A_438 = arith.constant 8 : i32
      %div3A = vector.broadcast %jit3A_438 : i32 to vector<256x32xi32>
      %div3A_439 = arith.divsi %iota3A_437, %div3A : vector<256x32xi32>
      %sign3A = arith.constant 0 : i32
      %sign3A_440 = vector.broadcast %sign3A : i32 to vector<256x32xi32>
      %sign3A_441 = arith.cmpi sgt, %iota3A_437, %sign3A_440 : vector<256x32xi32>
      %sign3A_442 = arith.extui %sign3A_441 : vector<256x32xi1> to vector<256x32xi32>
      %sign3A_443 = arith.constant 0 : i32
      %sign3A_444 = vector.broadcast %sign3A_443 : i32 to vector<256x32xi32>
      %sign3A_445 = arith.cmpi slt, %iota3A_437, %sign3A_444 : vector<256x32xi32>
      %sign3A_446 = arith.extui %sign3A_445 : vector<256x32xi1> to vector<256x32xi32>
      %sign3A_447 = arith.subi %sign3A_442, %sign3A_446 : vector<256x32xi32>
      %sign3A_448 = arith.constant 0 : i32
      %sign3A_449 = arith.cmpi sgt, %jit3A_438, %sign3A_448 : i32
      %sign3A_450 = arith.extui %sign3A_449 : i1 to i32
      %sign3A_451 = arith.constant 0 : i32
      %sign3A_452 = arith.cmpi slt, %jit3A_438, %sign3A_451 : i32
      %sign3A_453 = arith.extui %sign3A_452 : i1 to i32
      %sign3A_454 = arith.subi %sign3A_450, %sign3A_453 : i32
      %ne3A_455 = vector.broadcast %sign3A_454 : i32 to vector<256x32xi32>
      %ne3A_456 = arith.cmpi ne, %sign3A_447, %ne3A_455 : vector<256x32xi32>
      %rem3A_457 = vector.broadcast %jit3A_438 : i32 to vector<256x32xi32>
      %rem3A_458 = arith.remsi %iota3A_437, %rem3A_457 : vector<256x32xi32>
      %ne3A_459 = arith.constant 0 : i32
      %ne3A_460 = vector.broadcast %ne3A_459 : i32 to vector<256x32xi32>
      %ne3A_461 = arith.cmpi ne, %rem3A_458, %ne3A_460 : vector<256x32xi32>
      %and3A_462 = arith.andi %ne3A_456, %ne3A_461 : vector<256x32xi1>
      %sub3A = arith.constant 1 : i32
      %sub3A_463 = vector.broadcast %sub3A : i32 to vector<256x32xi32>
      %sub3A_464 = arith.subi %div3A_439, %sub3A_463 : vector<256x32xi32>
      %select_n3A_465 = arith.select %and3A_462, %sub3A_464, %div3A_439 : vector<256x32xi1>, vector<256x32xi32>
      %iota3A_466 = tpu.iota {dimensions = array<i32: 1>} : vector<256x32xi32>
      %eq3A_467 = arith.cmpi eq, %select_n3A_465, %iota3A_466 : vector<256x32xi32>
      %jit3A_468 = arith.constant 1.000000e+00 : f32
      %jit3A_469 = arith.constant 0.000000e+00 : f32
      %broadcast_in_dim3A_470 = vector.broadcast %jit3A_468 : f32 to vector<256x32xf32>
      %broadcast_in_dim3A_471 = vector.broadcast %jit3A_469 : f32 to vector<256x32xf32>
      %select_n3A_472 = arith.select %eq3A_467, %broadcast_in_dim3A_470, %broadcast_in_dim3A_471 : vector<256x32xi1>, vector<256x32xf32>
      %dot_general3A_473 = arith.constant dense<0.000000e+00> : vector<32x256xf32>
      %dot_general3A_474 = tpu.matmul %select_n3A_472, %get3A_436, %dot_general3A_473 {dimension_numbers = #tpu.dot_dimension_numbers<[0], [0], [1], [1], [0, 1, 1, 1], [], []>, precision = #tpu.contract_precision<fp32>, transpose_lhs_hint = false} : vector<256x32xf32>, vector<256x256xf32>, vector<32x256xf32> -> vector<32x256xf32>
      %dot_general3A_475 = arith.constant dense<0.000000e+00> : vector<32x32xf32>
      %dot_general3A_476 = tpu.matmul %dot_general3A_474, %select_n3A_472, %dot_general3A_475 {dimension_numbers = #tpu.dot_dimension_numbers<[1], [0], [0], [1], [0, 0, 1, 1], [], []>, precision = #tpu.contract_precision<fp32>, transpose_lhs_hint = false} : vector<32x256xf32>, vector<256x32xf32>, vector<32x32xf32> -> vector<32x32xf32>
      %get3A_477 = arith.constant 0 : index
      %get3A_478 = memref.load %arg1[%get3A_477] : memref<1xf32, #tpu.memory_space<smem>>
      %iota3A_479 = tpu.iota {dimensions = array<i32: 0>} : vector<32x32xi32>
      %iota3A_480 = tpu.iota {dimensions = array<i32: 1>} : vector<32x32xi32>
      %eq3A_481 = arith.cmpi eq, %iota3A_479, %iota3A_480 : vector<32x32xi32>
      %jit3A_482 = arith.constant 0.000000e+00 : f32
      %broadcast_in_dim3A_483 = vector.broadcast %jit3A_482 : f32 to vector<32x32xf32>
      %select_n3A_484 = arith.select %eq3A_481, %dot_general3A_476, %broadcast_in_dim3A_483 : vector<32x32xi1>, vector<32x32xf32>
      %reduce_sum3A = arith.constant dense<0.000000e+00> : vector<32xf32>
      %reduce_sum3A_485 = vector.multi_reduction <add>, %select_n3A_484, %reduce_sum3A [1] : vector<32x32xf32> to vector<32xf32>
      %broadcast_in_dim3A_486 = vector.shape_cast %reduce_sum3A_485 : vector<32xf32> to vector<32x1xf32>
      %reduce_sum3A_487 = arith.constant dense<0.000000e+00> : vector<32xf32>
      %reduce_sum3A_488 = vector.multi_reduction <add>, %select_n3A_484, %reduce_sum3A_487 [0] : vector<32x32xf32> to vector<32xf32>
      %broadcast_in_dim3A_489 = vector.shape_cast %reduce_sum3A_488 : vector<32xf32> to vector<1x32xf32>
      %add3A_490 = vector.broadcast %broadcast_in_dim3A_486 : vector<32x1xf32> to vector<32x32xf32>
      %add3A_491 = vector.broadcast %broadcast_in_dim3A_489 : vector<1x32xf32> to vector<32x32xf32>
      %add3A_492 = arith.addf %add3A_490, %add3A_491 : vector<32x32xf32>
      %sub3A_493 = arith.subf %add3A_492, %dot_general3A_476 : vector<32x32xf32>
      %div3A_494 = arith.divf %dot_general3A_476, %sub3A_493 : vector<32x32xf32>
      %gt3A = vector.broadcast %get3A_478 : f32 to vector<32x32xf32>
      %gt3A_495 = arith.cmpf ogt, %div3A_494, %gt3A : vector<32x32xf32>
      %gt3A_496 = vector.broadcast %broadcast_in_dim3A_486 : vector<32x1xf32> to vector<32x32xf32>
      %gt3A_497 = vector.broadcast %broadcast_in_dim3A_489 : vector<1x32xf32> to vector<32x32xf32>
      %gt3A_498 = arith.cmpf ogt, %gt3A_496, %gt3A_497 : vector<32x32xf32>
      %and3A_499 = arith.andi %gt3A_495, %gt3A_498 : vector<32x32xi1>
      %jit3A_500 = arith.constant 1.000000e+00 : f32
      %jit3A_501 = arith.constant 0.000000e+00 : f32
      %broadcast_in_dim3A_502 = vector.broadcast %jit3A_500 : f32 to vector<32x32xf32>
      %broadcast_in_dim3A_503 = vector.broadcast %jit3A_501 : f32 to vector<32x32xf32>
      %select_n3A_504 = arith.select %and3A_499, %broadcast_in_dim3A_502, %broadcast_in_dim3A_503 : vector<32x32xi1>, vector<32x32xf32>
      %gt3A_505 = vector.broadcast %broadcast_in_dim3A_489 : vector<1x32xf32> to vector<32x32xf32>
      %gt3A_506 = vector.broadcast %broadcast_in_dim3A_486 : vector<32x1xf32> to vector<32x32xf32>
      %gt3A_507 = arith.cmpf ogt, %gt3A_505, %gt3A_506 : vector<32x32xf32>
      %and3A_508 = arith.andi %gt3A_495, %gt3A_507 : vector<32x32xi1>
      %jit3A_509 = arith.constant 1.000000e+00 : f32
      %jit3A_510 = arith.constant 0.000000e+00 : f32
      %broadcast_in_dim3A_511 = vector.broadcast %jit3A_509 : f32 to vector<32x32xf32>
      %broadcast_in_dim3A_512 = vector.broadcast %jit3A_510 : f32 to vector<32x32xf32>
      %select_n3A_513 = arith.select %and3A_508, %broadcast_in_dim3A_511, %broadcast_in_dim3A_512 : vector<32x32xi1>, vector<32x32xf32>
      %iota3A_514 = tpu.iota {dimensions = array<i32: 0>} : vector<8x32xi32>
      %iota3A_515 = tpu.iota {dimensions = array<i32: 1>} : vector<8x32xi32>
      %mul3A = arith.constant 4 : i32
      %mul3A_516 = vector.broadcast %mul3A : i32 to vector<8x32xi32>
      %mul3A_517 = arith.muli %mul3A_516, %iota3A_514 : vector<8x32xi32>
      %add3A_518 = arith.constant 0 : i32
      %add3A_519 = vector.broadcast %add3A_518 : i32 to vector<8x32xi32>
      %add3A_520 = arith.addi %mul3A_517, %add3A_519 : vector<8x32xi32>
      %eq3A_521 = arith.cmpi eq, %iota3A_515, %add3A_520 : vector<8x32xi32>
      %jit3A_522 = arith.constant 1.000000e+00 : f32
      %jit3A_523 = arith.constant 0.000000e+00 : f32
      %broadcast_in_dim3A_524 = vector.broadcast %jit3A_522 : f32 to vector<8x32xf32>
      %broadcast_in_dim3A_525 = vector.broadcast %jit3A_523 : f32 to vector<8x32xf32>
      %select_n3A_526 = arith.select %eq3A_521, %broadcast_in_dim3A_524, %broadcast_in_dim3A_525 : vector<8x32xi1>, vector<8x32xf32>
      %dot_general3A_527 = arith.constant dense<0.000000e+00> : vector<8x32xf32>
      %dot_general3A_528 = tpu.matmul %select_n3A_526, %select_n3A_504, %dot_general3A_527 {dimension_numbers = #tpu.dot_dimension_numbers<[1], [0], [0], [1], [0, 0, 1, 1], [], []>, transpose_lhs_hint = false} : vector<8x32xf32>, vector<32x32xf32>, vector<8x32xf32> -> vector<8x32xf32>
      %mul3A_529 = arith.constant 4 : i32
      %mul3A_530 = vector.broadcast %mul3A_529 : i32 to vector<8x32xi32>
      %mul3A_531 = arith.muli %mul3A_530, %iota3A_514 : vector<8x32xi32>
      %add3A_532 = arith.constant 1 : i32
      %add3A_533 = vector.broadcast %add3A_532 : i32 to vector<8x32xi32>
      %add3A_534 = arith.addi %mul3A_531, %add3A_533 : vector<8x32xi32>
      %eq3A_535 = arith.cmpi eq, %iota3A_515, %add3A_534 : vector<8x32xi32>
      %jit3A_536 = arith.constant 1.000000e+00 : f32
      %jit3A_537 = arith.constant 0.000000e+00 : f32
      %broadcast_in_dim3A_538 = vector.broadcast %jit3A_536 : f32 to vector<8x32xf32>
      %broadcast_in_dim3A_539 = vector.broadcast %jit3A_537 : f32 to vector<8x32xf32>
      %select_n3A_540 = arith.select %eq3A_535, %broadcast_in_dim3A_538, %broadcast_in_dim3A_539 : vector<8x32xi1>, vector<8x32xf32>
      %dot_general3A_541 = arith.constant dense<0.000000e+00> : vector<8x32xf32>
      %dot_general3A_542 = tpu.matmul %select_n3A_540, %select_n3A_504, %dot_general3A_541 {dimension_numbers = #tpu.dot_dimension_numbers<[1], [0], [0], [1], [0, 0, 1, 1], [], []>, transpose_lhs_hint = false} : vector<8x32xf32>, vector<32x32xf32>, vector<8x32xf32> -> vector<8x32xf32>
      %mul3A_543 = arith.constant 4 : i32
      %mul3A_544 = vector.broadcast %mul3A_543 : i32 to vector<8x32xi32>
      %mul3A_545 = arith.muli %mul3A_544, %iota3A_514 : vector<8x32xi32>
      %add3A_546 = arith.constant 2 : i32
      %add3A_547 = vector.broadcast %add3A_546 : i32 to vector<8x32xi32>
      %add3A_548 = arith.addi %mul3A_545, %add3A_547 : vector<8x32xi32>
      %eq3A_549 = arith.cmpi eq, %iota3A_515, %add3A_548 : vector<8x32xi32>
      %jit3A_550 = arith.constant 1.000000e+00 : f32
      %jit3A_551 = arith.constant 0.000000e+00 : f32
      %broadcast_in_dim3A_552 = vector.broadcast %jit3A_550 : f32 to vector<8x32xf32>
      %broadcast_in_dim3A_553 = vector.broadcast %jit3A_551 : f32 to vector<8x32xf32>
      %select_n3A_554 = arith.select %eq3A_549, %broadcast_in_dim3A_552, %broadcast_in_dim3A_553 : vector<8x32xi1>, vector<8x32xf32>
      %dot_general3A_555 = arith.constant dense<0.000000e+00> : vector<8x32xf32>
      %dot_general3A_556 = tpu.matmul %select_n3A_554, %select_n3A_504, %dot_general3A_555 {dimension_numbers = #tpu.dot_dimension_numbers<[1], [0], [0], [1], [0, 0, 1, 1], [], []>, transpose_lhs_hint = false} : vector<8x32xf32>, vector<32x32xf32>, vector<8x32xf32> -> vector<8x32xf32>
      %mul3A_557 = arith.constant 4 : i32
      %mul3A_558 = vector.broadcast %mul3A_557 : i32 to vector<8x32xi32>
      %mul3A_559 = arith.muli %mul3A_558, %iota3A_514 : vector<8x32xi32>
      %add3A_560 = arith.constant 3 : i32
      %add3A_561 = vector.broadcast %add3A_560 : i32 to vector<8x32xi32>
      %add3A_562 = arith.addi %mul3A_559, %add3A_561 : vector<8x32xi32>
      %eq3A_563 = arith.cmpi eq, %iota3A_515, %add3A_562 : vector<8x32xi32>
      %jit3A_564 = arith.constant 1.000000e+00 : f32
      %jit3A_565 = arith.constant 0.000000e+00 : f32
      %broadcast_in_dim3A_566 = vector.broadcast %jit3A_564 : f32 to vector<8x32xf32>
      %broadcast_in_dim3A_567 = vector.broadcast %jit3A_565 : f32 to vector<8x32xf32>
      %select_n3A_568 = arith.select %eq3A_563, %broadcast_in_dim3A_566, %broadcast_in_dim3A_567 : vector<8x32xi1>, vector<8x32xf32>
      %dot_general3A_569 = arith.constant dense<0.000000e+00> : vector<8x32xf32>
      %dot_general3A_570 = tpu.matmul %select_n3A_568, %select_n3A_504, %dot_general3A_569 {dimension_numbers = #tpu.dot_dimension_numbers<[1], [0], [0], [1], [0, 0, 1, 1], [], []>, transpose_lhs_hint = false} : vector<8x32xf32>, vector<32x32xf32>, vector<8x32xf32> -> vector<8x32xf32>
      %concatenate3A = tpu.concatenate %dot_general3A_528, %dot_general3A_542, %dot_general3A_556, %dot_general3A_570 in 1 : vector<8x32xf32>, vector<8x32xf32>, vector<8x32xf32>, vector<8x32xf32> -> vector<8x128xf32>
      %convert_element_type3A_571 = arith.fptosi %concatenate3A : vector<8x128xf32> to vector<8x128xi32>
      %swap3A_572 = arith.constant 0 : index
      %swap3A_573 = arith.constant 0 : index
      %swap3A_574 = vector.load %arg4[%swap3A_572, %swap3A_573] : memref<8x128xi32, #tpu.memory_space<vmem>>, vector<8x128xi32>
      tpu.vector_store %arg4[%swap3A_572, %swap3A_573], %convert_element_type3A_571 {strides = array<i32>} : memref<8x128xi32, #tpu.memory_space<vmem>>, vector<8x128xi32>,
      %mul3A_575 = arith.constant 4 : i32
      %mul3A_576 = vector.broadcast %mul3A_575 : i32 to vector<8x32xi32>
      %mul3A_577 = arith.muli %mul3A_576, %iota3A_514 : vector<8x32xi32>
      %add3A_578 = arith.constant 0 : i32
      %add3A_579 = vector.broadcast %add3A_578 : i32 to vector<8x32xi32>
      %add3A_580 = arith.addi %mul3A_577, %add3A_579 : vector<8x32xi32>
      %eq3A_581 = arith.cmpi eq, %iota3A_515, %add3A_580 : vector<8x32xi32>
      %jit3A_582 = arith.constant 1.000000e+00 : f32
      %jit3A_583 = arith.constant 0.000000e+00 : f32
      %broadcast_in_dim3A_584 = vector.broadcast %jit3A_582 : f32 to vector<8x32xf32>
      %broadcast_in_dim3A_585 = vector.broadcast %jit3A_583 : f32 to vector<8x32xf32>
      %select_n3A_586 = arith.select %eq3A_581, %broadcast_in_dim3A_584, %broadcast_in_dim3A_585 : vector<8x32xi1>, vector<8x32xf32>
      %dot_general3A_587 = arith.constant dense<0.000000e+00> : vector<8x32xf32>
      %dot_general3A_588 = tpu.matmul %select_n3A_586, %select_n3A_513, %dot_general3A_587 {dimension_numbers = #tpu.dot_dimension_numbers<[1], [0], [0], [1], [0, 0, 1, 1], [], []>, transpose_lhs_hint = false} : vector<8x32xf32>, vector<32x32xf32>, vector<8x32xf32> -> vector<8x32xf32>
      %mul3A_589 = arith.constant 4 : i32
      %mul3A_590 = vector.broadcast %mul3A_589 : i32 to vector<8x32xi32>
      %mul3A_591 = arith.muli %mul3A_590, %iota3A_514 : vector<8x32xi32>
      %add3A_592 = arith.constant 1 : i32
      %add3A_593 = vector.broadcast %add3A_592 : i32 to vector<8x32xi32>
      %add3A_594 = arith.addi %mul3A_591, %add3A_593 : vector<8x32xi32>
      %eq3A_595 = arith.cmpi eq, %iota3A_515, %add3A_594 : vector<8x32xi32>
      %jit3A_596 = arith.constant 1.000000e+00 : f32
      %jit3A_597 = arith.constant 0.000000e+00 : f32
      %broadcast_in_dim3A_598 = vector.broadcast %jit3A_596 : f32 to vector<8x32xf32>
      %broadcast_in_dim3A_599 = vector.broadcast %jit3A_597 : f32 to vector<8x32xf32>
      %select_n3A_600 = arith.select %eq3A_595, %broadcast_in_dim3A_598, %broadcast_in_dim3A_599 : vector<8x32xi1>, vector<8x32xf32>
      %dot_general3A_601 = arith.constant dense<0.000000e+00> : vector<8x32xf32>
      %dot_general3A_602 = tpu.matmul %select_n3A_600, %select_n3A_513, %dot_general3A_601 {dimension_numbers = #tpu.dot_dimension_numbers<[1], [0], [0], [1], [0, 0, 1, 1], [], []>, transpose_lhs_hint = false} : vector<8x32xf32>, vector<32x32xf32>, vector<8x32xf32> -> vector<8x32xf32>
      %mul3A_603 = arith.constant 4 : i32
      %mul3A_604 = vector.broadcast %mul3A_603 : i32 to vector<8x32xi32>
      %mul3A_605 = arith.muli %mul3A_604, %iota3A_514 : vector<8x32xi32>
      %add3A_606 = arith.constant 2 : i32
      %add3A_607 = vector.broadcast %add3A_606 : i32 to vector<8x32xi32>
      %add3A_608 = arith.addi %mul3A_605, %add3A_607 : vector<8x32xi32>
      %eq3A_609 = arith.cmpi eq, %iota3A_515, %add3A_608 : vector<8x32xi32>
      %jit3A_610 = arith.constant 1.000000e+00 : f32
      %jit3A_611 = arith.constant 0.000000e+00 : f32
      %broadcast_in_dim3A_612 = vector.broadcast %jit3A_610 : f32 to vector<8x32xf32>
      %broadcast_in_dim3A_613 = vector.broadcast %jit3A_611 : f32 to vector<8x32xf32>
      %select_n3A_614 = arith.select %eq3A_609, %broadcast_in_dim3A_612, %broadcast_in_dim3A_613 : vector<8x32xi1>, vector<8x32xf32>
      %dot_general3A_615 = arith.constant dense<0.000000e+00> : vector<8x32xf32>
      %dot_general3A_616 = tpu.matmul %select_n3A_614, %select_n3A_513, %dot_general3A_615 {dimension_numbers = #tpu.dot_dimension_numbers<[1], [0], [0], [1], [0, 0, 1, 1], [], []>, transpose_lhs_hint = false} : vector<8x32xf32>, vector<32x32xf32>, vector<8x32xf32> -> vector<8x32xf32>
      %mul3A_617 = arith.constant 4 : i32
      %mul3A_618 = vector.broadcast %mul3A_617 : i32 to vector<8x32xi32>
      %mul3A_619 = arith.muli %mul3A_618, %iota3A_514 : vector<8x32xi32>
      %add3A_620 = arith.constant 3 : i32
      %add3A_621 = vector.broadcast %add3A_620 : i32 to vector<8x32xi32>
      %add3A_622 = arith.addi %mul3A_619, %add3A_621 : vector<8x32xi32>
      %eq3A_623 = arith.cmpi eq, %iota3A_515, %add3A_622 : vector<8x32xi32>
      %jit3A_624 = arith.constant 1.000000e+00 : f32
      %jit3A_625 = arith.constant 0.000000e+00 : f32
      %broadcast_in_dim3A_626 = vector.broadcast %jit3A_624 : f32 to vector<8x32xf32>
      %broadcast_in_dim3A_627 = vector.broadcast %jit3A_625 : f32 to vector<8x32xf32>
      %select_n3A_628 = arith.select %eq3A_623, %broadcast_in_dim3A_626, %broadcast_in_dim3A_627 : vector<8x32xi1>, vector<8x32xf32>
      %dot_general3A_629 = arith.constant dense<0.000000e+00> : vector<8x32xf32>
      %dot_general3A_630 = tpu.matmul %select_n3A_628, %select_n3A_513, %dot_general3A_629 {dimension_numbers = #tpu.dot_dimension_numbers<[1], [0], [0], [1], [0, 0, 1, 1], [], []>, transpose_lhs_hint = false} : vector<8x32xf32>, vector<32x32xf32>, vector<8x32xf32> -> vector<8x32xf32>
      %concatenate3A_631 = tpu.concatenate %dot_general3A_588, %dot_general3A_602, %dot_general3A_616, %dot_general3A_630 in 1 : vector<8x32xf32>, vector<8x32xf32>, vector<8x32xf32>, vector<8x32xf32> -> vector<8x128xf32>
      %convert_element_type3A_632 = arith.fptosi %concatenate3A_631 : vector<8x128xf32> to vector<8x128xi32>
      %swap3A_633 = arith.constant 0 : index
      %swap3A_634 = arith.constant 0 : index
      %swap3A_635 = vector.load %arg5[%swap3A_633, %swap3A_634] : memref<8x128xi32, #tpu.memory_space<vmem>>, vector<8x128xi32>
      tpu.vector_store %arg5[%swap3A_633, %swap3A_634], %convert_element_type3A_632 {strides = array<i32>} : memref<8x128xi32, #tpu.memory_space<vmem>>, vector<8x128xi32>,
    } else {
    }
    return
  }
  func.func @transform_0(%arg0: i32) -> i32 {
    %c0_i32 = arith.constant 0 : i32
    %c0_i32_0 = arith.constant 0 : i32
    return %c0_i32 : i32
  }
  func.func @transform_1(%arg0: i32) -> (i32, i32, i32) {
    %mul3A = arith.constant 2 : i32
    %mul3A_0 = arith.muli %mul3A, %arg0 : i32
    %c0_i32 = arith.constant 0 : i32
    %c0_i32_1 = arith.constant 0 : i32
    %c0_i32_2 = arith.constant 0 : i32
    return %c0_i32, %mul3A_0, %c0_i32_1 : i32, i32, i32
  }
  func.func @transform_2(%arg0: i32) -> (i32, i32, i32) {
    %mul3A = arith.constant 2 : i32
    %mul3A_0 = arith.muli %mul3A, %arg0 : i32
    %add3A = arith.constant 1 : i32
    %add3A_1 = arith.addi %mul3A_0, %add3A : i32
    %c0_i32 = arith.constant 0 : i32
    %c0_i32_2 = arith.constant 0 : i32
    %c0_i32_3 = arith.constant 0 : i32
    return %c0_i32, %add3A_1, %c0_i32_2 : i32, i32, i32
  }
  func.func @transform_3(%arg0: i32) -> (i32, i32) {
    %c0_i32 = arith.constant 0 : i32
    %c0_i32_0 = arith.constant 0 : i32
    %c0_i32_1 = arith.constant 0 : i32
    return %c0_i32, %c0_i32_0 : i32, i32
  }
  func.func @transform_4(%arg0: i32) -> (i32, i32) {
    %c0_i32 = arith.constant 0 : i32
    %c0_i32_0 = arith.constant 0 : i32
    %c0_i32_1 = arith.constant 0 : i32
    return %c0_i32, %c0_i32_0 : i32, i32
  }
}

</mosaic_0001>

<sc_bundles>
// kernel: kernel.4.cloned.1.call-start
scs
__scs_entry_jumppad:
0x0: {  	(pc) =	sbr.rel $0x88, $3  }
0x1: {  	(tag) =	ssettag $0x0;
	lr =	simm.s32 $0x1  }
0x2: {  	[smem:$0x3F9F] =	sst lr;
	_ =	strace $0xD0000000  }
0x3: {  	_ = 	snop  }
0x4: {  	_ = 	snop  }
0x5: {  	_ = 	snop  }
0x6: {  	_ = 	snop  }
0x7: {  	_ = 	snop  }
__scs_overlays_trampoline_lowered:
0x8: {  	[smem:$0x3FAE] =	sst s0  }
0x9: {  	[smem:$0x3FAF] =	sst s1  }
0xa: {  	[smem:$0x3FB0] =	sst s2  }
0xb: {  	[smem:$0x3FB1] =	sst s3  }
0xc: {  	[smem:$0x3FB2] =	sst s4  }
0xd: {  	[smem:$0x3FB3] =	sst s5  }
0xe: {  	[smem:$0x3FB4] =	sst s6  }
0xf: {  	[smem:$0x3FB5] =	sst s7  }
0x10: {  	[smem:$0x3FB6] =	sst s8  }
0x11: {  	[smem:$0x3FB7] =	sst s9;
	s0 =	simm.s32 @!p0 $0x0  }
0x12: {  	s1 =	sld [smem:$0x3F9D];
	s0 =	simm.s32 @p0 $0x1  }
0x13: {  	[smem:$0x3FB8] =	sst s0;
	s0 =	simm.s32 @!p1 $0x0  }
0x14: {  	s2 =	sld [smem:$0x3F9C];
	s0 =	simm.s32 @p1 $0x1  }
0x15: {  	[smem:$0x3FB9] =	sst s0;
	s0 =	simm.s32 @!p2 $0x0  }
0x16: {  	s3 =	sld [smem:$0x3FDB];
	s0 =	simm.s32 @p2 $0x1  }
0x17: {  	s4 =	simm.s32 $0x1BF5;
	[smem:$0x3FBB] =	sst s0  }
0x18: {  	s0 =	sld [smem:$0x3F9E];
	_ =	swait.ge [sflag:s4], $0x0  }
0x19: {  	s7 =	sld [smem:$0x3F9F]  }
0x1a: {  	s8 =	sadd.s32 $0xFFFFE003, lr  }
0x1b: {  	s9 =	sadd.s32 $0xFFFFFEF7, lr;
	s5 =	simm.s32 $0xFFFFFFFF;
	p2 =	slt.u32 s8, $0xFFFFF086  }
0x1c: {  	p1 =	slt.u32 s9, $0xF7A;
	s5 =	simm.s32 @!p2 $0x0  }
0x1d: {  	s5 =	simm.s32 @p1 $0x1;
	p0 =	seq.s32 s7, s2  }
0x1e: {  	s7 =	smul.u32 @!p0 $0xF7A, s2;
	p2 =	seq.s32 @!p0 s5, $0x0  }
0x1f: {  	s9 =	smul.u32 $0xF7A, s1;
	s8 =	simm.s32 @!p0 $0x1BF5;
	p2 =	por !p2, p0  }
0x20: {  	[sflag:s8] =	ssyncset.s32 @!p0 $0xFFFFF086;
	s6 =	sadd.s32 @!p0 s3, s7;
	s7 =	simm.s32 @!p0 $0x108  }
0x21: {  	s3 =	sadd.s32 s3, s9;
	s6 =	sadd.s32 @!p0 $0x88, s6;
	s7 =	simm.s32 @p2 $0x1082  }
0x22: {  	[simem:s7], [sflag:s8] =	dma.local @!p0 [hbm:s6], $0xF7A  }
0x23: {  	s9 =	sor.u32 $0xD0000000, s2;
	s6 =	simm.s32 $0x108;
	_ =	swait.ge @!p0 [sflag:s8], $0x0  }
0x24: {  	s3 =	sadd.s32 $0x88, s3;
	s6 =	simm.s32 @!p1 $0x1082;
	[sflag:s4] =	ssyncset.s32 $0xFFFFF086  }
0x25: {  	[simem:s6], [sflag:s4] =	dma.local [hbm:s3], $0xF7A  }
0x26: {  	[smem:$0x3F9F] =	sst s1;
	(tag) =	ssettag s2;
	_ =	strace s9  }
0x27: {  	s1 =	sld [smem:$0x3FAF]  }
0x28: {  	s2 =	sld [smem:$0x3FB0]  }
0x29: {  	s4 =	sld [smem:$0x3FB2]  }
0x2a: {  	p0 =	seq.s32 s5, $0x0;
	s5 =	sld [smem:$0x3FB3]  }
0x2b: {  	s6 =	sld [smem:$0x3FB4]  }
0x2c: {  	s7 =	sld [smem:$0x3FB5]  }
0x2d: {  	s3 =	simm.s32 $0x108;
	s8 =	sld [smem:$0x3FB6]  }
0x2e: {  	s3 =	simm.s32 @!p0 $0x1082;
	s9 =	sld [smem:$0x3FB7]  }
0x2f: {  	lr =	sadd.s32 s0, s3;
	s0 =	sld [smem:$0x3FAE]  }
0x30: {  	s3 =	sld [smem:$0x3FB1]  }
0x31: {  	[smem:$0x3FBA] =	sst s10  }
0x32: {  	s10 =	sld [smem:$0x3FB8];
	_ =	sdelay $0x3  }
0x33: {  	p0 =	seq.s32 s10, $0x1;
	s10 =	sld [smem:$0x3FBA];
	_ =	sdelay $0x3  }
0x34: {  	[smem:$0x3FBA] =	sst s10  }
0x35: {  	s10 =	sld [smem:$0x3FB9];
	_ =	sdelay $0x3  }
0x36: {  	p1 =	seq.s32 s10, $0x1;
	s10 =	sld [smem:$0x3FBA];
	_ =	sdelay $0x3  }
0x37: {  	[smem:$0x3FBA] =	sst s10  }
0x38: {  	s10 =	sld [smem:$0x3FBB]  }
0x39: {  	_ = 	snop;
	(pc) =	sbr.ind lr, $3  }
0x3a: {  	_ = 	snop  }
0x3b: {  	_ = 	snop  }
0x3c: {  	p2 =	seq.s32 s10, $0x1;
	s10 =	sld [smem:$0x3FBA]  }
0x3d: {  	_ =	shalt  }
0x3e: {  	_ =	shalt  }
0x3f: {  	_ =	shalt  }
0x40: {  	_ =	shalt  }
0x41: {  	_ =	shalt  }
0x42: {  	_ =	shalt  }
0x43: {  	_ =	shalt  }
0x44: {  	_ =	shalt  }
0x45: {  	_ =	shalt  }
0x46: {  	_ =	shalt  }
0x47: {  	_ =	shalt  }
0x48: {  	_ =	shalt  }
0x49: {  	_ =	shalt  }
0x4a: {  	_ =	shalt  }
0x4b: {  	_ =	shalt  }
0x4c: {  	_ =	shalt  }
0x4d: {  	_ =	shalt  }
0x4e: {  	_ =	shalt  }
0x4f: {  	_ =	shalt  }
0x50: {  	_ =	shalt  }
0x51: {  	_ =	shalt  }
0x52: {  	_ =	shalt  }
0x53: {  	_ =	shalt  }
0x54: {  	_ =	shalt  }
0x55: {  	_ =	shalt  }
0x56: {  	_ =	shalt  }
0x57: {  	_ =	shalt  }
0x58: {  	_ =	shalt  }
0x59: {  	_ =	shalt  }
0x5a: {  	_ =	shalt  }
0x5b: {  	_ =	shalt  }
0x5c: {  	_ =	shalt  }
0x5d: {  	_ =	shalt  }
0x5e: {  	_ =	shalt  }
0x5f: {  	_ =	shalt  }
0x60: {  	_ =	shalt  }
0x61: {  	_ =	shalt  }
0x62: {  	_ =	shalt  }
0x63: {  	_ =	shalt  }
0x64: {  	_ =	shalt  }
0x65: {  	_ =	shalt  }
0x66: {  	_ =	shalt  }
0x67: {  	_ =	shalt  }
0x68: {  	_ =	shalt  }
0x69: {  	_ =	shalt  }
0x6a: {  	_ =	shalt  }
0x6b: {  	_ =	shalt  }
0x6c: {  	_ =	shalt  }
0x6d: {  	_ =	shalt  }
0x6e: {  	_ =	shalt  }
0x6f: {  	_ =	shalt  }
0x70: {  	_ =	shalt  }
0x71: {  	_ =	shalt  }
0x72: {  	_ =	shalt  }
0x73: {  	_ =	shalt  }
0x74: {  	_ =	shalt  }
0x75: {  	_ =	shalt  }
0x76: {  	_ =	shalt  }
0x77: {  	_ =	shalt  }
0x78: {  	_ =	shalt  }
0x79: {  	_ =	shalt  }
0x7a: {  	_ =	shalt  }
0x7b: {  	_ =	shalt  }
0x7c: {  	_ =	shalt  }
0x7d: {  	_ =	shalt  }
0x7e: {  	_ =	shalt  }
0x7f: {  	_ =	shalt  }
0x80: {  	_ =	shalt  }
0x81: {  	_ =	shalt  }
0x82: {  	_ =	shalt  }
0x83: {  	_ =	shalt  }
0x84: {  	_ =	shalt  }
0x85: {  	_ =	shalt  }
0x86: {  	_ =	shalt  }
0x87: {  	_ =	shalt  }
.Lfunc_end0:
.L_simem_size_0:
called_computation_lowered:
.L_overlay_start_0:
0x88: {  	s2 =	sld [smem:$0x3FD9]  }
0x89: {  	s3 =	sld [smem:$0x3FFE];
	_ =	sdelay $0x1  }
0x8a: {  	s1 =	srdreg.scid  }
0x8b: {  	s0 =	sand.u32 $0x1, s1  }
0x8c: {  	s16 =	sshll.u32 s0, $0xA;
	s2 =	sadd.s32 s3, s2  }
0x8d: {  	s2 =	sadd.s32 s2, s16  }
0x8e: {  	[smem:$0x3FC6] =	sst s2  }
0x8f: {  	_ = 	snop  }
0x90: {  	(tm) =	ssettm $0x1  }
0x91: {  	s17 =	sld [smem:$0x3FFB];
	_ =	sdelay $0x3  }
0x92: {  	_ =	strace s17  }
0x93: {  	s2 =	sld [smem:$0x3FFC];
	_ =	sdelay $0x3  }
0x94: {  	_ =	strace s2  }
0x95: {  	s2 =	sld [smem:$0x3FFD];
	_ =	sdelay $0x3  }
0x96: {  	_ =	strace s2  }
0x97: {  	_ =	strace $0x8FFFFFFF  }
0x98: {  	s18 =	sld [smem:$0x3FDB];
	_ =	sdelay $0x1  }
0x99: {  	s19 =	simm.s32 $_scs_section_size  }
0x9a: {  	s4 =	simm.s32 $_size__tile_overlayer_lowered;
	s5 =	simm.s32 $_tile_overlayer_lowered  }
0x9b: {  	s22 =	simm.s32 $0x1BFF;
	s21 =	sshll.u32 s5, $0x1;
	s2 =	sadd.s32 s19, s18  }
0x9c: {  	s6 =	simm.s32 $0x0;
	s20 =	sshll.u32 s4, $0x1;
	s4 =	sadd.s32 s21, s2  }
0x9d: {  	[timem:s6], [sflag:s22] =	dma.local [hbm:s4], s20  }
0x9e: {  	_ =	swait.ge [sflag:s22], s20  }
0x9f: {  	s3 =	ssub.s32 $0x0, s20;
	[sflag:s22] =	ssyncset.done $0x0  }
0xa0: {  	[sflag:s22] =	ssyncadd.s32 s3;
	_ =	sdelay $0x1  }
0xa1: {  	s23 =	simm.s32 $0x1B8B  }
0xa2: {  	_ =	swait.ge [sflag:s23], $0x1  }
0xa3: {  	[sflag:s23] =	ssyncset.done $0x0  }
0xa4: {  	s25 =	simm.s32 $0x1B8E;
	s24 =	sld [smem:$0x3FFE];
	[sflag:s23] =	ssyncadd.s32 $0xFFFFFFFF  }
0xa5: {  	s26 =	simm.s32 $execute0_lowered;
	[smem:$0x3FD2] =	sst s25  }
0xa6: {  	s4 =	sshll.u32 s26, $0x1;
	_ =	strace $0x80000046;
	[dreg:$0x1] =	wrdreg $0xFFFFFFFF  }
0xa7: {  	s28 =	simm.s32 $_size_execute0_lowered;
	s2 =	sadd.s32 s2, s4;
	[dreg:$0x0] =	wrdreg $0x0  }
0xa8: {  	s4 =	sshll.u32 s28, $0x1;
	[dreg:$0x2] =	wrdreg s2  }
0xa9: {  	[dreg:$0x3] =	wrdreg s4  }
0xaa: {  	[dreg:$0x4] =	wrdreg $0xC0  }
0xab: {  	_ =	task [dreg:s6], $0x5FFFF  }
0xac: {  	[dreg:$0x1] =	wrdreg $0xFFFFFFFF  }
0xad: {  	[dreg:$0x0] =	wrdreg $0x60  }
0xae: {  	[dreg:$0x2] =	wrdreg s24  }
0xaf: {  	[dreg:$0x3] =	wrdreg $0x9  }
0xb0: {  	_ =	task.clear_ibuf [dreg:s6], $0x4FFFF;
	_ =	strace $0x90000046  }
0xb1: {  	s29 =	simm.s32 $0x9;
	_ =	strace $0x80000048  }
0xb2: {  	_ =	swait.ge [sflag:s29], $0x1  }
0xb3: {  	[sflag:s29] =	ssyncadd.s32 $0xFFFFFFFF  }
0xb4: {  	_ =	strace $0x90000048  }
0xb5: {  	_ =	sfence  }
0xb6: {  	s30 =	sld [smem:$0x0];
	_ =	sdelay $0x2  }
0xb7: {  	s31 =	sshll.u32 s1, $0xD;
	s1 =	sshrl.u32 s1, $0x2  }
0xb8: {  	s3 =	sand.u32 $0x4000, s31;
	s1 =	sadd.s32 s1, s30  }
0xb9: {  	s0 =	sor.u32 s3, s0;
	s1 =	sshll.u32 s1, $0x11  }
0xba: {  	s0 =	sor.u32 s1, s0  }
0xbb: {  	s0 =	sadd.s32 $0x8F2B, s0  }
0xbc: {  	[sflag:s0] =	ssyncadd.remote.s32 $0x1  }
0xbd: {  	_ =	sfence.sel $0xFFFF  }
0xbe: {  	[dreg:$0x0] =	wrdreg $0xFFFFFFFF;
	(pc) =	sbr.abs _section_cstart, $3  }
0xbf: {  	[dreg:$0x1] =	wrdreg $0xFFFFFFFF  }
0xc0: {  	_ =	task.clear_ibuf [dreg:s6], $0x2FFFF;
	_ =	strace $0x9FFFFFFF  }
0xc1: {  	(tm) =	ssettm $0x7FFFFFFF  }
tec
execute0_lowered:
.L_overlay_start_1:
0x0: {  	(tag) =	ssettag $0x1  }
0x1: {  	s0 =	srdreg.scid  }
0x2: {  	s2 =	sand.u32 $0x1, s0;
	s0 =	stileid.u32  }
0x3: {  	s3 =	sor.u32 s0, s2  }
0x4: {  	p0 =	sne.s32 s3, $0x0  }
.Ltmp0:
0x5: {  	_ = 	snop;
	(pc) =	sbr.rel @p0 .LBB2_3-.Ltmp0, $3  }
0x6: {  	_ =	sdelay $0x1  }
0x7: {  	s4 =	rddreg [dreg:$0x0]  }
0x8: {  	s1 =	rddreg [dreg:$0x1];
	_ =	strace $0x80000047  }
0x9: {  	vm0 =	vmmov $0x1  }
0xa: {  	v0 =	vimm.s32 $0x0;
	v4 =	vimm.s32 $0x0;
	vm10 =	vcmask $0x704  }
0xb: {  	vm11 =	vcmask $0xB08;
	vm12 =	vcmask $0xF0C;
	v1 =	vmpcnt.ones.xlane vm0  }
0xc: {  	s5 =	ssub.s32 $0x2, s2;
	vm13 =	vcmask $0x1310;
	vm14 =	vcmask $0x1714;
	vm15 =	vcmask $0x1B18  }
0xd: {  	s2 =	sadd.s32 $0xA00, s4;
	s3 =	sadd.s32 $0xC00, s4;
	s4 =	sadd.s32 $0xE00, s4;
	v0 =	vsel vm0, $0xFFFFFFFF, v0;
	vm1 =	vgt.s32 v1, $0x0;
	v1 =	vimm.s32 $0x0  }
0xe: {  	s7 =	simm.s32 $0x1;
	s8 =	simm.s32 $0x400;
	vm2 =	vcmask $0x1F1C;
	s6 =	sshrl.u32 s5, $0x1;
	[tilespmem:$0x1FFE0] =	vst v0;
	v0 =	vlaneseq.u32;
	v1 =	vsel vm1, $0xFFFFFFFF, v1  }
0xf: {  	s9 =	simm.s32 $0x800;
	s5 =	ssub.s32 s5, s6;
	s6 =	simm.s32 $0x0;
	v2 =	vadd.s32 $0xF, v0;
	v3 =	vor.u32 $0x10, v0;
	[tilespmem:$0x1FFF0] =	vst v1;
	v1 =	vadd.s32 $0xFFFFFFFF, v0  }
.LBB2_2:
0x10: {  	[tilespmem:s6], [sflag:$0x1] =	stream.linear.gather [hbm4b:s2+s6], $0x400, $0x38;
	[tilespmem:$0x880] =	vst v63  }
0x11: {  	_ =	swait.ge [sflag:s7], $0x400  }
0x12: {  	[sflag:s7] =	ssyncset.done $0x0  }
0x13: {  	[sflag:s7] =	ssyncadd.s32 $0xFFFFFC00  }
0x14: {  	[tilespmem:s8], [sflag:$0x1] =	stream.linear.gather [hbm4b:s3+s6], $0x400, $0x38;
	[tilespmem:$0x880] =	vst v63  }
0x15: {  	_ =	swait.ge [sflag:s7], $0x400  }
0x16: {  	[sflag:s7] =	ssyncset.done $0x0  }
0x17: {  	[sflag:s7] =	ssyncadd.s32 $0xFFFFFC00  }
0x18: {  	v5 =	vld [tilespmem:$0x0]  }
0x19: {  	v6 =	vld [tilespmem:$0x10];
	_ =	sdelay $0x3  }
0x1a: {  	v49 =	vld [tilespmem:$0x1FFF0]  }
0x1b: {  	v7 =	vld [tilespmem:$0x400];
	vm1 =	vne.s32 v5, $0x0;
	vm3 =	vne.s32 v6, $0x0  }
0x1c: {  	v5 =	vld [tilespmem:$0x410];
	v6 =	vmctz.xlane vm1;
	v8 =	vmctz.xlane vm3;
	_ =	sdelay $0x1  }
0x1d: {  	vm1 =	vlt.s32 v6, $0x10;
	v8 =	vadd.s32 $0x10, v8  }
0x1e: {  	vm6 =	vnez.u8 v49;
	v6 =	vsel vm1, v6, v8  }
0x1f: {  	vm1 =	vne.s32 v7, $0x0;
	v6 =	vnsel vm6, $0x20, v6  }
0x20: {  	vm4 =	vne.s32 v5, $0x0;
	vm3 =	vgt.s32 v6, v1;
	vm5 =	vgt.s32 v6, v2  }
0x21: {  	vm1 =	vmand vm1, vm3;
	vm3 =	vmand vm4, vm5  }
0x22: {  	v5 =	vmpcnt.ones.xlane vm1;
	v7 =	vmpcnt.ones.xlane vm3;
	_ =	sdelay $0x1  }
0x23: {  	v5 =	vadd.s32 v5, v7  }
0x24: {  	vm1 =	vgt.s32 v5, $0x0;
	v5 =	vld [tilespmem:$0x1FFE0];
	_ =	sdelay $0x1  }
0x25: {  	v50 =	vld [tilespmem:$0x20]  }
0x26: {  	v7 =	vld [tilespmem:$0x30];
	_ =	sdelay $0x1  }
0x27: {  	vm1 =	vmand vm6, vm1;
	vm9 =	vnez.u8 v5  }
0x28: {  	vm1 =	vmand vm1, vm9  }
0x29: {  	vm3 =	vne.s32 v6, v0;
	vm1 =	vmneg vm1  }
0x2a: {  	v51 =	vld [tilespmem:$0x430];
	vm4 =	vne.s32 v7, $0x0;
	vm1 =	vmand vm3, vm1;
	vm3 =	vne.s32 v50, $0x0  }
0x2b: {  	v5 =	vld [tilespmem:$0x420];
	v9 =	vmctz.xlane vm4;
	vm5 =	vmand vm1, vm10;
	v7 =	vmctz.xlane vm3  }
0x2c: {  	v10 =	vmpcnt.ones.xlane vm5  }
0x2d: {  	v9 =	vadd.s32 $0x10, v9;
	vm3 =	vlt.s32 v7, $0x10  }
0x2e: {  	vm4 =	vgt.s32 v10, $0x0;
	v7 =	vsel vm3, v7, v9  }
0x2f: {  	vm6 =	vne.s32 v51, $0x0;
	v7 =	vnsel vm4, $0x20, v7  }
0x30: {  	vm3 =	vne.s32 v5, $0x0;
	vm5 =	vgt.s32 v7, v1;
	vm7 =	vgt.s32 v7, v2  }
0x31: {  	vm3 =	vmand vm3, vm5;
	vm5 =	vmand vm6, vm7  }
0x32: {  	v5 =	vmpcnt.ones.xlane vm3;
	v52 =	vmpcnt.ones.xlane vm5;
	_ =	sdelay $0x1  }
0x33: {  	v53 =	vld [tilespmem:$0x40];
	v5 =	vadd.s32 v5, v52  }
0x34: {  	vm3 =	vgt.s32 v5, $0x0;
	v5 =	vld [tilespmem:$0x50]  }
0x35: {  	vm3 =	vmand vm4, vm3  }
0x36: {  	vm3 =	vmand vm3, vm10  }
0x37: {  	vm4 =	vne.s32 v7, v0;
	vm3 =	vmneg vm3  }
0x38: {  	vm3 =	vmand vm4, vm3  }
0x39: {  	v54 =	vld [tilespmem:$0x440];
	vm1 =	vmand vm3, vm1;
	vm3 =	vne.s32 v53, $0x0;
	vm4 =	vne.s32 v5, $0x0  }
0x3a: {  	v5 =	vld [tilespmem:$0x450];
	vm5 =	vmand vm1, vm11;
	v8 =	vmctz.xlane vm3;
	v55 =	vmctz.xlane vm4  }
0x3b: {  	v11 =	vmpcnt.ones.xlane vm5  }
0x3c: {  	vm3 =	vlt.s32 v8, $0x10;
	v10 =	vadd.s32 $0x10, v55  }
0x3d: {  	vm4 =	vgt.s32 v11, $0x0;
	v8 =	vsel vm3, v8, v10  }
0x3e: {  	vm3 =	vne.s32 v54, $0x0;
	v8 =	vnsel vm4, $0x20, v8  }
0x3f: {  	vm6 =	vne.s32 v5, $0x0;
	vm5 =	vgt.s32 v8, v1;
	vm7 =	vgt.s32 v8, v2  }
0x40: {  	vm3 =	vmand vm3, vm5;
	vm5 =	vmand vm6, vm7  }
0x41: {  	v5 =	vmpcnt.ones.xlane vm3;
	v56 =	vmpcnt.ones.xlane vm5;
	_ =	sdelay $0x1  }
0x42: {  	v57 =	vld [tilespmem:$0x60];
	v5 =	vadd.s32 v5, v56  }
0x43: {  	vm3 =	vgt.s32 v5, $0x0;
	v5 =	vld [tilespmem:$0x70]  }
0x44: {  	vm3 =	vmand vm4, vm3  }
0x45: {  	vm3 =	vmand vm3, vm11  }
0x46: {  	vm4 =	vne.s32 v8, v0;
	vm3 =	vmneg vm3  }
0x47: {  	vm3 =	vmand vm4, vm3  }
0x48: {  	v58 =	vld [tilespmem:$0x460];
	vm1 =	vmand vm3, vm1;
	vm3 =	vne.s32 v57, $0x0;
	vm4 =	vne.s32 v5, $0x0  }
0x49: {  	v5 =	vld [tilespmem:$0x470];
	vm5 =	vmand vm1, vm12;
	v9 =	vmctz.xlane vm3;
	v59 =	vmctz.xlane vm4  }
0x4a: {  	v12 =	vmpcnt.ones.xlane vm5  }
0x4b: {  	vm3 =	vlt.s32 v9, $0x10;
	v11 =	vadd.s32 $0x10, v59  }
0x4c: {  	vm4 =	vgt.s32 v12, $0x0;
	v9 =	vsel vm3, v9, v11  }
0x4d: {  	vm3 =	vne.s32 v58, $0x0;
	v9 =	vnsel vm4, $0x20, v9  }
0x4e: {  	vm6 =	vne.s32 v5, $0x0;
	vm5 =	vgt.s32 v9, v1;
	vm7 =	vgt.s32 v9, v2  }
0x4f: {  	vm3 =	vmand vm3, vm5;
	vm5 =	vmand vm6, vm7  }
0x50: {  	v5 =	vmpcnt.ones.xlane vm3;
	v60 =	vmpcnt.ones.xlane vm5;
	_ =	sdelay $0x1  }
0x51: {  	v61 =	vld [tilespmem:$0x80];
	v5 =	vadd.s32 v5, v60  }
0x52: {  	vm3 =	vgt.s32 v5, $0x0;
	v5 =	vld [tilespmem:$0x90]  }
0x53: {  	vm3 =	vmand vm4, vm3  }
0x54: {  	vm3 =	vmand vm3, vm12  }
0x55: {  	vm4 =	vne.s32 v9, v0;
	vm3 =	vmneg vm3  }
0x56: {  	vm3 =	vmand vm4, vm3  }
0x57: {  	v62 =	vld [tilespmem:$0x480];
	vm1 =	vmand vm3, vm1;
	vm3 =	vne.s32 v61, $0x0;
	vm4 =	vne.s32 v5, $0x0  }
0x58: {  	v5 =	vld [tilespmem:$0x490];
	vm5 =	vmand vm1, vm13;
	v10 =	vmctz.xlane vm3;
	v63 =	vmctz.xlane vm4  }
0x59: {  	v13 =	vmpcnt.ones.xlane vm5  }
0x5a: {  	vm3 =	vlt.s32 v10, $0x10;
	v12 =	vadd.s32 $0x10, v63  }
0x5b: {  	vm4 =	vgt.s32 v13, $0x0;
	v10 =	vsel vm3, v10, v12  }
0x5c: {  	vm3 =	vne.s32 v62, $0x0;
	v10 =	vnsel vm4, $0x20, v10  }
0x5d: {  	vm6 =	vne.s32 v5, $0x0;
	vm5 =	vgt.s32 v10, v1;
	vm7 =	vgt.s32 v10, v2  }
0x5e: {  	vm3 =	vmand vm3, vm5;
	vm5 =	vmand vm6, vm7  }
0x5f: {  	v5 =	vmpcnt.ones.xlane vm3;
	v16 =	vmpcnt.ones.xlane vm5;
	_ =	sdelay $0x1  }
0x60: {  	v17 =	vld [tilespmem:$0xA0];
	v5 =	vadd.s32 v5, v16  }
0x61: {  	vm3 =	vgt.s32 v5, $0x0;
	v5 =	vld [tilespmem:$0xB0]  }
0x62: {  	vm3 =	vmand vm4, vm3  }
0x63: {  	vm3 =	vmand vm3, vm13  }
0x64: {  	vm4 =	vne.s32 v10, v0;
	vm3 =	vmneg vm3  }
0x65: {  	vm3 =	vmand vm4, vm3  }
0x66: {  	v18 =	vld [tilespmem:$0x4A0];
	vm1 =	vmand vm3, vm1;
	vm3 =	vne.s32 v17, $0x0;
	vm4 =	vne.s32 v5, $0x0  }
0x67: {  	v5 =	vld [tilespmem:$0x4B0];
	vm5 =	vmand vm1, vm14;
	v11 =	vmctz.xlane vm3;
	v19 =	vmctz.xlane vm4  }
0x68: {  	v14 =	vmpcnt.ones.xlane vm5  }
0x69: {  	vm3 =	vlt.s32 v11, $0x10;
	v13 =	vadd.s32 $0x10, v19  }
0x6a: {  	vm4 =	vgt.s32 v14, $0x0;
	v11 =	vsel vm3, v11, v13  }
0x6b: {  	vm3 =	vne.s32 v18, $0x0;
	v11 =	vnsel vm4, $0x20, v11  }
0x6c: {  	vm6 =	vne.s32 v5, $0x0;
	vm5 =	vgt.s32 v11, v1;
	vm7 =	vgt.s32 v11, v2  }
0x6d: {  	vm3 =	vmand vm3, vm5;
	vm5 =	vmand vm6, vm7  }
0x6e: {  	v5 =	vmpcnt.ones.xlane vm3;
	v20 =	vmpcnt.ones.xlane vm5;
	_ =	sdelay $0x1  }
0x6f: {  	v21 =	vld [tilespmem:$0xC0];
	v5 =	vadd.s32 v5, v20  }
0x70: {  	vm3 =	vgt.s32 v5, $0x0;
	v5 =	vld [tilespmem:$0xD0]  }
0x71: {  	vm3 =	vmand vm4, vm3  }
0x72: {  	vm3 =	vmand vm3, vm14  }
0x73: {  	vm4 =	vne.s32 v11, v0;
	vm3 =	vmneg vm3  }
0x74: {  	vm3 =	vmand vm4, vm3  }
0x75: {  	v22 =	vld [tilespmem:$0x4C0];
	vm1 =	vmand vm3, vm1;
	vm3 =	vne.s32 v21, $0x0;
	vm4 =	vne.s32 v5, $0x0  }
0x76: {  	v5 =	vld [tilespmem:$0x4D0];
	vm5 =	vmand vm1, vm15;
	v12 =	vmctz.xlane vm3;
	v23 =	vmctz.xlane vm4  }
0x77: {  	v15 =	vmpcnt.ones.xlane vm5  }
0x78: {  	vm3 =	vlt.s32 v12, $0x10;
	v14 =	vadd.s32 $0x10, v23  }
0x79: {  	vm4 =	vgt.s32 v15, $0x0;
	v12 =	vsel vm3, v12, v14  }
0x7a: {  	vm3 =	vne.s32 v22, $0x0;
	v12 =	vnsel vm4, $0x20, v12  }
0x7b: {  	vm6 =	vne.s32 v5, $0x0;
	vm5 =	vgt.s32 v12, v1;
	vm7 =	vgt.s32 v12, v2  }
0x7c: {  	vm3 =	vmand vm3, vm5;
	vm5 =	vmand vm6, vm7  }
0x7d: {  	v5 =	vmpcnt.ones.xlane vm3;
	v24 =	vmpcnt.ones.xlane vm5;
	_ =	sdelay $0x1  }
0x7e: {  	v25 =	vld [tilespmem:$0xE0];
	v5 =	vadd.s32 v5, v24  }
0x7f: {  	vm3 =	vgt.s32 v5, $0x0;
	v5 =	vld [tilespmem:$0xF0]  }
0x80: {  	vm3 =	vmand vm4, vm3  }
0x81: {  	vm3 =	vmand vm3, vm15  }
0x82: {  	vm4 =	vne.s32 v12, v0;
	vm3 =	vmneg vm3  }
0x83: {  	vm3 =	vmand vm4, vm3  }
0x84: {  	v26 =	vld [tilespmem:$0x4E0];
	vm1 =	vmand vm3, vm1;
	vm3 =	vne.s32 v25, $0x0;
	vm4 =	vne.s32 v5, $0x0  }
0x85: {  	v5 =	vld [tilespmem:$0x4F0];
	vm5 =	vmand vm1, vm2;
	v13 =	vmctz.xlane vm3;
	v27 =	vmctz.xlane vm4  }
0x86: {  	v16 =	vmpcnt.ones.xlane vm5  }
0x87: {  	vm3 =	vlt.s32 v13, $0x10;
	v15 =	vadd.s32 $0x10, v27  }
0x88: {  	vm4 =	vgt.s32 v16, $0x0;
	v13 =	vsel vm3, v13, v15  }
0x89: {  	vm3 =	vne.s32 v26, $0x0;
	v13 =	vnsel vm4, $0x20, v13  }
0x8a: {  	vm6 =	vne.s32 v5, $0x0;
	vm5 =	vgt.s32 v13, v1;
	vm7 =	vgt.s32 v13, v2  }
0x8b: {  	vm3 =	vmand vm3, vm5;
	vm5 =	vmand vm6, vm7  }
0x8c: {  	v5 =	vmpcnt.ones.xlane vm3;
	v28 =	vmpcnt.ones.xlane vm5;
	_ =	sdelay $0x1  }
0x8d: {  	v29 =	vld [tilespmem:$0x100];
	v5 =	vadd.s32 v5, v28  }
0x8e: {  	vm3 =	vgt.s32 v5, $0x0;
	v5 =	vld [tilespmem:$0x110]  }
0x8f: {  	vm3 =	vmand vm4, vm3  }
0x90: {  	vm3 =	vmand vm3, vm2  }
0x91: {  	vm4 =	vne.s32 v13, v0;
	vm3 =	vmneg vm3  }
0x92: {  	vm0 =	vcmask $0x2320;
	vm3 =	vmand vm4, vm3  }
0x93: {  	v30 =	vld [tilespmem:$0x500];
	vm1 =	vmand vm3, vm1;
	vm3 =	vne.s32 v29, $0x0;
	vm4 =	vne.s32 v5, $0x0  }
0x94: {  	v5 =	vld [tilespmem:$0x510];
	vm5 =	vmand vm1, vm0;
	v14 =	vmctz.xlane vm3;
	v31 =	vmctz.xlane vm4  }
0x95: {  	v17 =	vmpcnt.ones.xlane vm5  }
0x96: {  	vm3 =	vlt.s32 v14, $0x10;
	v16 =	vadd.s32 $0x10, v31  }
0x97: {  	vm4 =	vgt.s32 v17, $0x0;
	v14 =	vsel vm3, v14, v16  }
0x98: {  	vm3 =	vne.s32 v30, $0x0;
	v14 =	vnsel vm4, $0x20, v14  }
0x99: {  	vm6 =	vne.s32 v5, $0x0;
	vm5 =	vgt.s32 v14, v1;
	vm7 =	vgt.s32 v14, v2  }
0x9a: {  	vm3 =	vmand vm3, vm5;
	vm5 =	vmand vm6, vm7  }
0x9b: {  	v5 =	vmpcnt.ones.xlane vm3;
	v32 =	vmpcnt.ones.xlane vm5;
	_ =	sdelay $0x1  }
0x9c: {  	v33 =	vld [tilespmem:$0x120];
	v5 =	vadd.s32 v5, v32  }
0x9d: {  	vm3 =	vgt.s32 v5, $0x0;
	v5 =	vld [tilespmem:$0x130]  }
0x9e: {  	vm3 =	vmand vm4, vm3  }
0x9f: {  	vm3 =	vmand vm3, vm0  }
0xa0: {  	vm4 =	vne.s32 v14, v0;
	vm3 =	vmneg vm3  }
0xa1: {  	vm0 =	vcmask $0x2724;
	vm3 =	vmand vm4, vm3  }
0xa2: {  	v34 =	vld [tilespmem:$0x520];
	vm1 =	vmand vm3, vm1;
	vm3 =	vne.s32 v33, $0x0;
	vm4 =	vne.s32 v5, $0x0  }
0xa3: {  	v5 =	vld [tilespmem:$0x530];
	vm5 =	vmand vm1, vm0;
	v15 =	vmctz.xlane vm3;
	v35 =	vmctz.xlane vm4  }
0xa4: {  	v18 =	vmpcnt.ones.xlane vm5  }
0xa5: {  	vm3 =	vlt.s32 v15, $0x10;
	v17 =	vadd.s32 $0x10, v35  }
0xa6: {  	vm4 =	vgt.s32 v18, $0x0;
	v15 =	vsel vm3, v15, v17  }
0xa7: {  	vm3 =	vne.s32 v34, $0x0;
	v15 =	vnsel vm4, $0x20, v15  }
0xa8: {  	vm6 =	vne.s32 v5, $0x0;
	vm5 =	vgt.s32 v15, v1;
	vm7 =	vgt.s32 v15, v2  }
0xa9: {  	vm3 =	vmand vm3, vm5;
	vm5 =	vmand vm6, vm7  }
0xaa: {  	v5 =	vmpcnt.ones.xlane vm3;
	v36 =	vmpcnt.ones.xlane vm5;
	_ =	sdelay $0x1  }
0xab: {  	v37 =	vld [tilespmem:$0x140];
	v5 =	vadd.s32 v5, v36  }
0xac: {  	vm3 =	vgt.s32 v5, $0x0;
	v5 =	vld [tilespmem:$0x150]  }
0xad: {  	vm3 =	vmand vm4, vm3  }
0xae: {  	vm3 =	vmand vm3, vm0  }
0xaf: {  	vm4 =	vne.s32 v15, v0;
	vm3 =	vmneg vm3  }
0xb0: {  	vm0 =	vcmask $0x2B28;
	vm3 =	vmand vm4, vm3  }
0xb1: {  	v38 =	vld [tilespmem:$0x540];
	vm1 =	vmand vm3, vm1;
	vm3 =	vne.s32 v37, $0x0;
	vm4 =	vne.s32 v5, $0x0  }
0xb2: {  	v5 =	vld [tilespmem:$0x550];
	vm5 =	vmand vm1, vm0;
	v16 =	vmctz.xlane vm3;
	v39 =	vmctz.xlane vm4  }
0xb3: {  	v19 =	vmpcnt.ones.xlane vm5  }
0xb4: {  	vm3 =	vlt.s32 v16, $0x10;
	v18 =	vadd.s32 $0x10, v39  }
0xb5: {  	vm4 =	vgt.s32 v19, $0x0;
	v16 =	vsel vm3, v16, v18  }
0xb6: {  	vm3 =	vne.s32 v38, $0x0;
	v16 =	vnsel vm4, $0x20, v16  }
0xb7: {  	vm6 =	vne.s32 v5, $0x0;
	vm5 =	vgt.s32 v16, v1;
	vm7 =	vgt.s32 v16, v2  }
0xb8: {  	vm3 =	vmand vm3, vm5;
	vm5 =	vmand vm6, vm7  }
0xb9: {  	v5 =	vmpcnt.ones.xlane vm3;
	v40 =	vmpcnt.ones.xlane vm5;
	_ =	sdelay $0x1  }
0xba: {  	v41 =	vld [tilespmem:$0x160];
	v5 =	vadd.s32 v5, v40  }
0xbb: {  	vm3 =	vgt.s32 v5, $0x0;
	v5 =	vld [tilespmem:$0x170]  }
0xbc: {  	vm3 =	vmand vm4, vm3  }
0xbd: {  	vm3 =	vmand vm3, vm0  }
0xbe: {  	vm4 =	vne.s32 v16, v0;
	vm3 =	vmneg vm3  }
0xbf: {  	vm0 =	vcmask $0x2F2C;
	vm3 =	vmand vm4, vm3  }
0xc0: {  	v42 =	vld [tilespmem:$0x560];
	vm1 =	vmand vm3, vm1;
	vm3 =	vne.s32 v41, $0x0;
	vm4 =	vne.s32 v5, $0x0  }
0xc1: {  	v5 =	vld [tilespmem:$0x570];
	vm5 =	vmand vm1, vm0;
	v17 =	vmctz.xlane vm3;
	v43 =	vmctz.xlane vm4  }
0xc2: {  	v20 =	vmpcnt.ones.xlane vm5  }
0xc3: {  	vm3 =	vlt.s32 v17, $0x10;
	v19 =	vadd.s32 $0x10, v43  }
0xc4: {  	vm4 =	vgt.s32 v20, $0x0;
	v17 =	vsel vm3, v17, v19  }
0xc5: {  	vm3 =	vne.s32 v42, $0x0;
	v17 =	vnsel vm4, $0x20, v17  }
0xc6: {  	vm6 =	vne.s32 v5, $0x0;
	vm5 =	vgt.s32 v17, v1;
	vm7 =	vgt.s32 v17, v2  }
0xc7: {  	vm3 =	vmand vm3, vm5;
	vm5 =	vmand vm6, vm7  }
0xc8: {  	v5 =	vmpcnt.ones.xlane vm3;
	v44 =	vmpcnt.ones.xlane vm5;
	_ =	sdelay $0x1  }
0xc9: {  	v45 =	vld [tilespmem:$0x180];
	v5 =	vadd.s32 v5, v44  }
0xca: {  	vm3 =	vgt.s32 v5, $0x0;
	v5 =	vld [tilespmem:$0x190]  }
0xcb: {  	vm3 =	vmand vm4, vm3  }
0xcc: {  	vm3 =	vmand vm3, vm0  }
0xcd: {  	vm4 =	vne.s32 v17, v0;
	vm3 =	vmneg vm3  }
0xce: {  	vm0 =	vcmask $0x3330;
	vm3 =	vmand vm4, vm3  }
0xcf: {  	v46 =	vld [tilespmem:$0x580];
	vm1 =	vmand vm3, vm1;
	vm3 =	vne.s32 v45, $0x0;
	vm4 =	vne.s32 v5, $0x0  }
0xd0: {  	v5 =	vld [tilespmem:$0x590];
	vm5 =	vmand vm1, vm0;
	v18 =	vmctz.xlane vm3;
	v47 =	vmctz.xlane vm4  }
0xd1: {  	v21 =	vmpcnt.ones.xlane vm5  }
0xd2: {  	vm3 =	vlt.s32 v18, $0x10;
	v20 =	vadd.s32 $0x10, v47  }
0xd3: {  	vm4 =	vgt.s32 v21, $0x0;
	v18 =	vsel vm3, v18, v20  }
0xd4: {  	vm3 =	vne.s32 v46, $0x0;
	v18 =	vnsel vm4, $0x20, v18  }
0xd5: {  	vm6 =	vne.s32 v5, $0x0;
	vm5 =	vgt.s32 v18, v1;
	vm7 =	vgt.s32 v18, v2  }
0xd6: {  	vm3 =	vmand vm3, vm5;
	vm5 =	vmand vm6, vm7  }
0xd7: {  	v5 =	vmpcnt.ones.xlane vm3;
	v48 =	vmpcnt.ones.xlane vm5;
	_ =	sdelay $0x1  }
0xd8: {  	v49 =	vld [tilespmem:$0x1A0];
	v5 =	vadd.s32 v5, v48  }
0xd9: {  	vm3 =	vgt.s32 v5, $0x0;
	v5 =	vld [tilespmem:$0x1B0]  }
0xda: {  	vm3 =	vmand vm4, vm3  }
0xdb: {  	vm3 =	vmand vm3, vm0  }
0xdc: {  	vm4 =	vne.s32 v18, v0;
	vm3 =	vmneg vm3  }
0xdd: {  	vm0 =	vcmask $0x3734;
	vm3 =	vmand vm4, vm3  }
0xde: {  	v50 =	vld [tilespmem:$0x5A0];
	vm1 =	vmand vm3, vm1;
	vm3 =	vne.s32 v49, $0x0;
	vm4 =	vne.s32 v5, $0x0  }
0xdf: {  	v5 =	vld [tilespmem:$0x5B0];
	vm5 =	vmand vm1, vm0;
	v19 =	vmctz.xlane vm3;
	v51 =	vmctz.xlane vm4  }
0xe0: {  	v22 =	vmpcnt.ones.xlane vm5  }
0xe1: {  	vm3 =	vlt.s32 v19, $0x10;
	v21 =	vadd.s32 $0x10, v51  }
0xe2: {  	vm4 =	vgt.s32 v22, $0x0;
	v19 =	vsel vm3, v19, v21  }
0xe3: {  	vm3 =	vne.s32 v50, $0x0;
	v19 =	vnsel vm4, $0x20, v19  }
0xe4: {  	vm6 =	vne.s32 v5, $0x0;
	vm5 =	vgt.s32 v19, v1;
	vm7 =	vgt.s32 v19, v2  }
0xe5: {  	vm3 =	vmand vm3, vm5;
	vm5 =	vmand vm6, vm7  }
0xe6: {  	v5 =	vmpcnt.ones.xlane vm3;
	v52 =	vmpcnt.ones.xlane vm5;
	_ =	sdelay $0x1  }
0xe7: {  	v53 =	vld [tilespmem:$0x1C0];
	v5 =	vadd.s32 v5, v52  }
0xe8: {  	vm3 =	vgt.s32 v5, $0x0;
	v5 =	vld [tilespmem:$0x1D0]  }
0xe9: {  	vm3 =	vmand vm4, vm3  }
0xea: {  	vm3 =	vmand vm3, vm0  }
0xeb: {  	vm4 =	vne.s32 v19, v0;
	vm3 =	vmneg vm3  }
0xec: {  	vm0 =	vcmask $0x3B38;
	vm3 =	vmand vm4, vm3  }
0xed: {  	v54 =	vld [tilespmem:$0x5C0];
	vm1 =	vmand vm3, vm1;
	vm3 =	vne.s32 v53, $0x0;
	vm4 =	vne.s32 v5, $0x0  }
0xee: {  	v5 =	vld [tilespmem:$0x5D0];
	vm5 =	vmand vm1, vm0;
	v20 =	vmctz.xlane vm3;
	v55 =	vmctz.xlane vm4  }
0xef: {  	v23 =	vmpcnt.ones.xlane vm5  }
0xf0: {  	vm3 =	vlt.s32 v20, $0x10;
	v22 =	vadd.s32 $0x10, v55  }
0xf1: {  	vm4 =	vgt.s32 v23, $0x0;
	v20 =	vsel vm3, v20, v22  }
0xf2: {  	vm3 =	vne.s32 v54, $0x0;
	v20 =	vnsel vm4, $0x20, v20  }
0xf3: {  	vm6 =	vne.s32 v5, $0x0;
	vm5 =	vgt.s32 v20, v1;
	vm7 =	vgt.s32 v20, v2  }
0xf4: {  	vm3 =	vmand vm3, vm5;
	vm5 =	vmand vm6, vm7  }
0xf5: {  	v5 =	vmpcnt.ones.xlane vm3;
	v56 =	vmpcnt.ones.xlane vm5;
	_ =	sdelay $0x1  }
0xf6: {  	v57 =	vld [tilespmem:$0x1E0];
	v5 =	vadd.s32 v5, v56  }
0xf7: {  	vm3 =	vgt.s32 v5, $0x0;
	v5 =	vld [tilespmem:$0x1F0]  }
0xf8: {  	vm3 =	vmand vm4, vm3  }
0xf9: {  	vm3 =	vmand vm3, vm0  }
0xfa: {  	vm4 =	vne.s32 v20, v0;
	vm3 =	vmneg vm3  }
0xfb: {  	vm5 =	vcmask $0x3F3C;
	vm3 =	vmand vm4, vm3  }
0xfc: {  	vm3 =	vmand vm3, vm1;
	vm1 =	vne.s32 v57, $0x0;
	vm4 =	vne.s32 v5, $0x0  }
0xfd: {  	vm5 =	vmand vm3, vm5;
	v5 =	vmctz.xlane vm1;
	v58 =	vmctz.xlane vm4  }
0xfe: {  	v59 =	vmpcnt.ones.xlane vm5  }
0xff: {  	vm1 =	vlt.s32 v5, $0x10;
	v21 =	vadd.s32 $0x10, v58  }
0x100: {  	vm4 =	vgt.s32 v59, $0x0;
	v5 =	vsel vm1, v5, v21  }
0x101: {  	v5 =	vnsel vm4, $0x20, v5  }
0x102: {  	vm1 =	vne.s32 v20, v3;
	vm5 =	vne.s32 v5, v3  }
0x103: {  	vm6 =	vne.s32 v19, v3;
	vm1 =	vmand vm5, vm1  }
0x104: {  	vm5 =	vne.s32 v18, v3;
	vm1 =	vmand vm1, vm6  }
0x105: {  	vm6 =	vne.s32 v17, v3;
	vm1 =	vmand vm1, vm5  }
0x106: {  	vm5 =	vne.s32 v16, v3;
	vm1 =	vmand vm1, vm6  }
0x107: {  	vm6 =	vne.s32 v15, v3;
	vm1 =	vmand vm1, vm5  }
0x108: {  	vm5 =	vne.s32 v14, v3;
	vm1 =	vmand vm1, vm6  }
0x109: {  	vm6 =	vne.s32 v13, v3;
	vm1 =	vmand vm1, vm5  }
0x10a: {  	vm5 =	vne.s32 v12, v3;
	vm1 =	vmand vm1, vm6  }
0x10b: {  	v60 =	vld [tilespmem:$0x200];
	vm6 =	vne.s32 v11, v3;
	vm1 =	vmand vm1, vm5  }
0x10c: {  	v61 =	vld [tilespmem:$0x210];
	vm5 =	vne.s32 v10, v3;
	vm1 =	vmand vm1, vm6  }
0x10d: {  	vm6 =	vne.s32 v9, v3;
	vm1 =	vmand vm1, vm5  }
0x10e: {  	vm5 =	vne.s32 v8, v3;
	vm1 =	vmand vm1, vm6  }
0x10f: {  	vm6 =	vne.s32 v7, v3;
	vm1 =	vmand vm1, vm5  }
0x110: {  	vm5 =	vne.s32 v6, v3;
	vm1 =	vmand vm1, vm6  }
0x111: {  	v62 =	vld [tilespmem:$0x610];
	vm6 =	vne.s32 v61, $0x0;
	vm1 =	vmand vm1, vm5;
	vm5 =	vne.s32 v60, $0x0  }
0x112: {  	v7 =	vld [tilespmem:$0x600];
	v63 =	vmctz.xlane vm6;
	vm7 =	vmand vm1, vm9;
	v6 =	vmctz.xlane vm5  }
0x113: {  	v12 =	vmpcnt.ones.xlane vm7  }
0x114: {  	v9 =	vadd.s32 $0x10, v63;
	vm5 =	vlt.s32 v6, $0x10  }
0x115: {  	vm6 =	vgt.s32 v12, $0x0;
	v6 =	vsel vm5, v6, v9  }
0x116: {  	vm8 =	vne.s32 v62, $0x0;
	vm0 =	vmmov vm9;
	v6 =	vnsel vm6, $0x20, v6  }
0x117: {  	vm5 =	vne.s32 v7, $0x0;
	vm7 =	vgt.s32 v6, v1;
	vm9 =	vgt.s32 v6, v2  }
0x118: {  	vm5 =	vmand vm5, vm7;
	vm7 =	vmand vm8, vm9  }
0x119: {  	v7 =	vmpcnt.ones.xlane vm5;
	v13 =	vmpcnt.ones.xlane vm7;
	_ =	sdelay $0x1  }
0x11a: {  	v14 =	vld [tilespmem:$0x220];
	v7 =	vadd.s32 v7, v13  }
0x11b: {  	vm5 =	vgt.s32 v7, $0x0;
	v7 =	vld [tilespmem:$0x230]  }
0x11c: {  	vm5 =	vmand vm6, vm5  }
0x11d: {  	vm5 =	vmand vm5, vm0  }
0x11e: {  	vm6 =	vne.s32 v6, v3;
	vm5 =	vmneg vm5  }
0x11f: {  	vm5 =	vmand vm6, vm5  }
0x120: {  	v16 =	vld [tilespmem:$0x630];
	vm1 =	vmand vm5, vm1;
	vm5 =	vne.s32 v14, $0x0;
	vm6 =	vne.s32 v7, $0x0  }
0x121: {  	v15 =	vld [tilespmem:$0x620];
	vm7 =	vmand vm1, vm10;
	v7 =	vmctz.xlane vm5;
	v17 =	vmctz.xlane vm6  }
0x122: {  	v18 =	vmpcnt.ones.xlane vm7  }
0x123: {  	vm5 =	vlt.s32 v7, $0x10;
	v10 =	vadd.s32 $0x10, v17  }
0x124: {  	vm6 =	vgt.s32 v18, $0x0;
	v7 =	vsel vm5, v7, v10  }
0x125: {  	vm8 =	vne.s32 v16, $0x0;
	v7 =	vnsel vm6, $0x20, v7  }
0x126: {  	vm5 =	vne.s32 v15, $0x0;
	vm7 =	vgt.s32 v7, v1;
	vm9 =	vgt.s32 v7, v2  }
0x127: {  	vm5 =	vmand vm5, vm7;
	vm7 =	vmand vm8, vm9  }
0x128: {  	v19 =	vmpcnt.ones.xlane vm5;
	v20 =	vmpcnt.ones.xlane vm7;
	_ =	sdelay $0x1  }
0x129: {  	v22 =	vld [tilespmem:$0x250];
	v8 =	vadd.s32 v19, v20  }
0x12a: {  	v21 =	vld [tilespmem:$0x240];
	vm5 =	vgt.s32 v8, $0x0  }
0x12b: {  	vm5 =	vmand vm6, vm5  }
0x12c: {  	vm5 =	vmand vm5, vm10  }
0x12d: {  	vm6 =	vne.s32 v7, v3;
	vm5 =	vmneg vm5  }
0x12e: {  	vm5 =	vmand vm6, vm5  }
0x12f: {  	v24 =	vld [tilespmem:$0x650];
	vm6 =	vne.s32 v22, $0x0;
	vm1 =	vmand vm5, vm1;
	vm5 =	vne.s32 v21, $0x0  }
0x130: {  	v23 =	vld [tilespmem:$0x640];
	v26 =	vmctz.xlane vm6;
	vm7 =	vmand vm1, vm11;
	v25 =	vmctz.xlane vm5  }
0x131: {  	v27 =	vmpcnt.ones.xlane vm7  }
0x132: {  	v11 =	vadd.s32 $0x10, v26;
	vm5 =	vlt.s32 v25, $0x10  }
0x133: {  	vm6 =	vgt.s32 v27, $0x0;
	v8 =	vsel vm5, v25, v11  }
0x134: {  	vm8 =	vne.s32 v24, $0x0;
	v8 =	vnsel vm6, $0x20, v8  }
0x135: {  	vm5 =	vne.s32 v23, $0x0;
	vm7 =	vgt.s32 v8, v1;
	vm9 =	vgt.s32 v8, v2  }
0x136: {  	vm5 =	vmand vm5, vm7;
	vm7 =	vmand vm8, vm9  }
0x137: {  	v28 =	vmpcnt.ones.xlane vm5;
	v29 =	vmpcnt.ones.xlane vm7;
	_ =	sdelay $0x1  }
0x138: {  	v31 =	vld [tilespmem:$0x270];
	v9 =	vadd.s32 v28, v29  }
0x139: {  	v30 =	vld [tilespmem:$0x260];
	vm5 =	vgt.s32 v9, $0x0  }
0x13a: {  	vm5 =	vmand vm6, vm5  }
0x13b: {  	vm5 =	vmand vm5, vm11  }
0x13c: {  	vm6 =	vne.s32 v8, v3;
	vm5 =	vmneg vm5  }
0x13d: {  	vm5 =	vmand vm6, vm5  }
0x13e: {  	v33 =	vld [tilespmem:$0x670];
	vm6 =	vne.s32 v31, $0x0;
	vm1 =	vmand vm5, vm1;
	vm5 =	vne.s32 v30, $0x0  }
0x13f: {  	v32 =	vld [tilespmem:$0x660];
	v35 =	vmctz.xlane vm6;
	vm7 =	vmand vm1, vm12;
	v34 =	vmctz.xlane vm5  }
0x140: {  	v36 =	vmpcnt.ones.xlane vm7  }
0x141: {  	v12 =	vadd.s32 $0x10, v35;
	vm5 =	vlt.s32 v34, $0x10  }
0x142: {  	vm6 =	vgt.s32 v36, $0x0;
	v9 =	vsel vm5, v34, v12  }
0x143: {  	vm8 =	vne.s32 v33, $0x0;
	v9 =	vnsel vm6, $0x20, v9  }
0x144: {  	vm5 =	vne.s32 v32, $0x0;
	vm7 =	vgt.s32 v9, v1;
	vm9 =	vgt.s32 v9, v2  }
0x145: {  	vm5 =	vmand vm5, vm7;
	vm7 =	vmand vm8, vm9  }
0x146: {  	v37 =	vmpcnt.ones.xlane vm5;
	v38 =	vmpcnt.ones.xlane vm7;
	_ =	sdelay $0x1  }
0x147: {  	v39 =	vld [tilespmem:$0x280];
	v10 =	vadd.s32 v37, v38  }
0x148: {  	v40 =	vld [tilespmem:$0x290];
	vm5 =	vgt.s32 v10, $0x0  }
0x149: {  	vm5 =	vmand vm6, vm5  }
0x14a: {  	vm5 =	vmand vm5, vm12  }
0x14b: {  	vm6 =	vne.s32 v9, v3;
	vm5 =	vmneg vm5  }
0x14c: {  	vm5 =	vmand vm6, vm5  }
0x14d: {  	v42 =	vld [tilespmem:$0x690];
	vm6 =	vne.s32 v40, $0x0;
	vm1 =	vmand vm5, vm1;
	vm5 =	vne.s32 v39, $0x0  }
0x14e: {  	v41 =	vld [tilespmem:$0x680];
	v44 =	vmctz.xlane vm6;
	vm7 =	vmand vm1, vm13;
	v43 =	vmctz.xlane vm5  }
0x14f: {  	v45 =	vmpcnt.ones.xlane vm7  }
0x150: {  	v13 =	vadd.s32 $0x10, v44;
	vm5 =	vlt.s32 v43, $0x10  }
0x151: {  	vm6 =	vgt.s32 v45, $0x0;
	v10 =	vsel vm5, v43, v13  }
0x152: {  	vm8 =	vne.s32 v42, $0x0;
	v10 =	vnsel vm6, $0x20, v10  }
0x153: {  	vm5 =	vne.s32 v41, $0x0;
	vm7 =	vgt.s32 v10, v1;
	vm9 =	vgt.s32 v10, v2  }
0x154: {  	vm5 =	vmand vm5, vm7;
	vm7 =	vmand vm8, vm9  }
0x155: {  	v46 =	vmpcnt.ones.xlane vm5;
	v47 =	vmpcnt.ones.xlane vm7;
	_ =	sdelay $0x1  }
0x156: {  	v48 =	vld [tilespmem:$0x2A0];
	v11 =	vadd.s32 v46, v47  }
0x157: {  	v49 =	vld [tilespmem:$0x2B0];
	vm5 =	vgt.s32 v11, $0x0  }
0x158: {  	vm5 =	vmand vm6, vm5  }
0x159: {  	vm5 =	vmand vm5, vm13  }
0x15a: {  	vm6 =	vne.s32 v10, v3;
	vm5 =	vmneg vm5  }
0x15b: {  	vm5 =	vmand vm6, vm5  }
0x15c: {  	v51 =	vld [tilespmem:$0x6B0];
	vm6 =	vne.s32 v49, $0x0;
	vm1 =	vmand vm5, vm1;
	vm5 =	vne.s32 v48, $0x0  }
0x15d: {  	v50 =	vld [tilespmem:$0x6A0];
	v53 =	vmctz.xlane vm6;
	vm7 =	vmand vm1, vm14;
	v52 =	vmctz.xlane vm5  }
0x15e: {  	v54 =	vmpcnt.ones.xlane vm7  }
0x15f: {  	v14 =	vadd.s32 $0x10, v53;
	vm5 =	vlt.s32 v52, $0x10  }
0x160: {  	vm6 =	vgt.s32 v54, $0x0;
	v11 =	vsel vm5, v52, v14  }
0x161: {  	vm8 =	vne.s32 v51, $0x0;
	v11 =	vnsel vm6, $0x20, v11  }
0x162: {  	vm5 =	vne.s32 v50, $0x0;
	vm7 =	vgt.s32 v11, v1;
	vm9 =	vgt.s32 v11, v2  }
0x163: {  	vm5 =	vmand vm5, vm7;
	vm7 =	vmand vm8, vm9  }
0x164: {  	v55 =	vmpcnt.ones.xlane vm5;
	v56 =	vmpcnt.ones.xlane vm7;
	_ =	sdelay $0x1  }
0x165: {  	v57 =	vld [tilespmem:$0x2C0];
	v12 =	vadd.s32 v55, v56  }
0x166: {  	v58 =	vld [tilespmem:$0x2D0];
	vm5 =	vgt.s32 v12, $0x0  }
0x167: {  	vm5 =	vmand vm6, vm5  }
0x168: {  	vm5 =	vmand vm5, vm14  }
0x169: {  	vm6 =	vne.s32 v11, v3;
	vm5 =	vmneg vm5  }
0x16a: {  	vm5 =	vmand vm6, vm5  }
0x16b: {  	v60 =	vld [tilespmem:$0x6D0];
	vm6 =	vne.s32 v58, $0x0;
	vm1 =	vmand vm5, vm1;
	vm5 =	vne.s32 v57, $0x0  }
0x16c: {  	v59 =	vld [tilespmem:$0x6C0];
	v62 =	vmctz.xlane vm6;
	vm7 =	vmand vm1, vm15;
	v61 =	vmctz.xlane vm5  }
0x16d: {  	v63 =	vmpcnt.ones.xlane vm7  }
0x16e: {  	v15 =	vadd.s32 $0x10, v62;
	vm5 =	vlt.s32 v61, $0x10  }
0x16f: {  	vm6 =	vgt.s32 v63, $0x0;
	v12 =	vsel vm5, v61, v15  }
0x170: {  	vm8 =	vne.s32 v60, $0x0;
	v12 =	vnsel vm6, $0x20, v12  }
0x171: {  	vm5 =	vne.s32 v59, $0x0;
	vm7 =	vgt.s32 v12, v1;
	vm9 =	vgt.s32 v12, v2  }
0x172: {  	vm5 =	vmand vm5, vm7;
	vm7 =	vmand vm8, vm9  }
0x173: {  	v19 =	vmpcnt.ones.xlane vm5;
	v20 =	vmpcnt.ones.xlane vm7;
	_ =	sdelay $0x1  }
0x174: {  	v22 =	vld [tilespmem:$0x2F0];
	v13 =	vadd.s32 v19, v20  }
0x175: {  	v21 =	vld [tilespmem:$0x2E0];
	vm5 =	vgt.s32 v13, $0x0  }
0x176: {  	vm5 =	vmand vm6, vm5  }
0x177: {  	vm5 =	vmand vm5, vm15  }
0x178: {  	vm6 =	vne.s32 v12, v3;
	vm5 =	vmneg vm5  }
0x179: {  	vm5 =	vmand vm6, vm5  }
0x17a: {  	v24 =	vld [tilespmem:$0x6F0];
	vm6 =	vne.s32 v22, $0x0;
	vm1 =	vmand vm5, vm1;
	vm5 =	vne.s32 v21, $0x0  }
0x17b: {  	v23 =	vld [tilespmem:$0x6E0];
	v26 =	vmctz.xlane vm6;
	vm7 =	vmand vm1, vm2;
	v25 =	vmctz.xlane vm5  }
0x17c: {  	v27 =	vmpcnt.ones.xlane vm7  }
0x17d: {  	v16 =	vadd.s32 $0x10, v26;
	vm5 =	vlt.s32 v25, $0x10  }
0x17e: {  	vm6 =	vgt.s32 v27, $0x0;
	v13 =	vsel vm5, v25, v16  }
0x17f: {  	vm8 =	vne.s32 v24, $0x0;
	v13 =	vnsel vm6, $0x20, v13  }
0x180: {  	vm5 =	vne.s32 v23, $0x0;
	vm7 =	vgt.s32 v13, v1;
	vm9 =	vgt.s32 v13, v2  }
0x181: {  	vm5 =	vmand vm5, vm7;
	vm7 =	vmand vm8, vm9  }
0x182: {  	v28 =	vmpcnt.ones.xlane vm5;
	v29 =	vmpcnt.ones.xlane vm7;
	_ =	sdelay $0x1  }
0x183: {  	v31 =	vld [tilespmem:$0x310];
	v14 =	vadd.s32 v28, v29  }
0x184: {  	v30 =	vld [tilespmem:$0x300];
	vm5 =	vgt.s32 v14, $0x0  }
0x185: {  	vm5 =	vmand vm6, vm5  }
0x186: {  	vm5 =	vmand vm5, vm2  }
0x187: {  	vm6 =	vne.s32 v13, v3;
	vm5 =	vmneg vm5  }
0x188: {  	vm0 =	vcmask $0x2320;
	vm5 =	vmand vm6, vm5  }
0x189: {  	v33 =	vld [tilespmem:$0x710];
	vm6 =	vne.s32 v31, $0x0;
	vm1 =	vmand vm5, vm1;
	vm5 =	vne.s32 v30, $0x0  }
0x18a: {  	v32 =	vld [tilespmem:$0x700];
	v35 =	vmctz.xlane vm6;
	vm7 =	vmand vm1, vm0;
	v34 =	vmctz.xlane vm5  }
0x18b: {  	v36 =	vmpcnt.ones.xlane vm7  }
0x18c: {  	v17 =	vadd.s32 $0x10, v35;
	vm5 =	vlt.s32 v34, $0x10  }
0x18d: {  	vm6 =	vgt.s32 v36, $0x0;
	v14 =	vsel vm5, v34, v17  }
0x18e: {  	vm8 =	vne.s32 v33, $0x0;
	v14 =	vnsel vm6, $0x20, v14  }
0x18f: {  	vm5 =	vne.s32 v32, $0x0;
	vm7 =	vgt.s32 v14, v1;
	vm9 =	vgt.s32 v14, v2  }
0x190: {  	vm5 =	vmand vm5, vm7;
	vm7 =	vmand vm8, vm9  }
0x191: {  	v37 =	vmpcnt.ones.xlane vm5;
	v38 =	vmpcnt.ones.xlane vm7;
	_ =	sdelay $0x1  }
0x192: {  	v40 =	vld [tilespmem:$0x330];
	v15 =	vadd.s32 v37, v38  }
0x193: {  	v39 =	vld [tilespmem:$0x320];
	vm5 =	vgt.s32 v15, $0x0  }
0x194: {  	vm5 =	vmand vm6, vm5  }
0x195: {  	vm5 =	vmand vm5, vm0  }
0x196: {  	vm6 =	vne.s32 v14, v3;
	vm5 =	vmneg vm5  }
0x197: {  	vm0 =	vcmask $0x2724;
	vm5 =	vmand vm6, vm5  }
0x198: {  	v42 =	vld [tilespmem:$0x730];
	vm6 =	vne.s32 v40, $0x0;
	vm1 =	vmand vm5, vm1;
	vm5 =	vne.s32 v39, $0x0  }
0x199: {  	v41 =	vld [tilespmem:$0x720];
	v44 =	vmctz.xlane vm6;
	vm7 =	vmand vm1, vm0;
	v43 =	vmctz.xlane vm5  }
0x19a: {  	v45 =	vmpcnt.ones.xlane vm7  }
0x19b: {  	v18 =	vadd.s32 $0x10, v44;
	vm5 =	vlt.s32 v43, $0x10  }
0x19c: {  	vm6 =	vgt.s32 v45, $0x0;
	v15 =	vsel vm5, v43, v18  }
0x19d: {  	vm8 =	vne.s32 v42, $0x0;
	v15 =	vnsel vm6, $0x20, v15  }
0x19e: {  	vm5 =	vne.s32 v41, $0x0;
	vm7 =	vgt.s32 v15, v1;
	vm9 =	vgt.s32 v15, v2  }
0x19f: {  	vm5 =	vmand vm5, vm7;
	vm7 =	vmand vm8, vm9  }
0x1a0: {  	v46 =	vmpcnt.ones.xlane vm5;
	v47 =	vmpcnt.ones.xlane vm7;
	_ =	sdelay $0x1  }
0x1a1: {  	v49 =	vld [tilespmem:$0x350];
	v16 =	vadd.s32 v46, v47  }
0x1a2: {  	v48 =	vld [tilespmem:$0x340];
	vm5 =	vgt.s32 v16, $0x0  }
0x1a3: {  	vm5 =	vmand vm6, vm5  }
0x1a4: {  	vm5 =	vmand vm5, vm0  }
0x1a5: {  	vm6 =	vne.s32 v15, v3;
	vm5 =	vmneg vm5  }
0x1a6: {  	vm0 =	vcmask $0x2B28;
	vm5 =	vmand vm6, vm5  }
0x1a7: {  	v51 =	vld [tilespmem:$0x750];
	vm6 =	vne.s32 v49, $0x0;
	vm1 =	vmand vm5, vm1;
	vm5 =	vne.s32 v48, $0x0  }
0x1a8: {  	v50 =	vld [tilespmem:$0x740];
	v53 =	vmctz.xlane vm6;
	vm7 =	vmand vm1, vm0;
	v52 =	vmctz.xlane vm5  }
0x1a9: {  	v54 =	vmpcnt.ones.xlane vm7  }
0x1aa: {  	v19 =	vadd.s32 $0x10, v53;
	vm5 =	vlt.s32 v52, $0x10  }
0x1ab: {  	vm6 =	vgt.s32 v54, $0x0;
	v16 =	vsel vm5, v52, v19  }
0x1ac: {  	vm8 =	vne.s32 v51, $0x0;
	v16 =	vnsel vm6, $0x20, v16  }
0x1ad: {  	vm5 =	vne.s32 v50, $0x0;
	vm7 =	vgt.s32 v16, v1;
	vm9 =	vgt.s32 v16, v2  }
0x1ae: {  	vm5 =	vmand vm5, vm7;
	vm7 =	vmand vm8, vm9  }
0x1af: {  	v55 =	vmpcnt.ones.xlane vm5;
	v56 =	vmpcnt.ones.xlane vm7;
	_ =	sdelay $0x1  }
0x1b0: {  	v58 =	vld [tilespmem:$0x370];
	v17 =	vadd.s32 v55, v56  }
0x1b1: {  	v57 =	vld [tilespmem:$0x360];
	vm5 =	vgt.s32 v17, $0x0  }
0x1b2: {  	vm5 =	vmand vm6, vm5  }
0x1b3: {  	vm5 =	vmand vm5, vm0  }
0x1b4: {  	vm6 =	vne.s32 v16, v3;
	vm5 =	vmneg vm5  }
0x1b5: {  	vm0 =	vcmask $0x2F2C;
	vm5 =	vmand vm6, vm5  }
0x1b6: {  	v60 =	vld [tilespmem:$0x770];
	vm6 =	vne.s32 v58, $0x0;
	vm1 =	vmand vm5, vm1;
	vm5 =	vne.s32 v57, $0x0  }
0x1b7: {  	v59 =	vld [tilespmem:$0x760];
	v62 =	vmctz.xlane vm6;
	vm7 =	vmand vm1, vm0;
	v61 =	vmctz.xlane vm5  }
0x1b8: {  	v63 =	vmpcnt.ones.xlane vm7  }
0x1b9: {  	v20 =	vadd.s32 $0x10, v62;
	vm5 =	vlt.s32 v61, $0x10  }
0x1ba: {  	vm6 =	vgt.s32 v63, $0x0;
	v17 =	vsel vm5, v61, v20  }
0x1bb: {  	vm8 =	vne.s32 v60, $0x0;
	v17 =	vnsel vm6, $0x20, v17  }
0x1bc: {  	vm5 =	vne.s32 v59, $0x0;
	vm7 =	vgt.s32 v17, v1;
	vm9 =	vgt.s32 v17, v2  }
0x1bd: {  	vm5 =	vmand vm5, vm7;
	vm7 =	vmand vm8, vm9  }
0x1be: {  	v24 =	vmpcnt.ones.xlane vm5;
	v25 =	vmpcnt.ones.xlane vm7;
	_ =	sdelay $0x1  }
0x1bf: {  	v26 =	vld [tilespmem:$0x380];
	v18 =	vadd.s32 v24, v25  }
0x1c0: {  	v27 =	vld [tilespmem:$0x390];
	vm5 =	vgt.s32 v18, $0x0  }
0x1c1: {  	vm5 =	vmand vm6, vm5  }
0x1c2: {  	vm5 =	vmand vm5, vm0  }
0x1c3: {  	vm6 =	vne.s32 v17, v3;
	vm5 =	vmneg vm5  }
0x1c4: {  	vm0 =	vcmask $0x3330;
	vm5 =	vmand vm6, vm5  }
0x1c5: {  	v29 =	vld [tilespmem:$0x790];
	vm6 =	vne.s32 v27, $0x0;
	vm1 =	vmand vm5, vm1;
	vm5 =	vne.s32 v26, $0x0  }
0x1c6: {  	v28 =	vld [tilespmem:$0x780];
	v30 =	vmctz.xlane vm6;
	vm7 =	vmand vm1, vm0;
	v19 =	vmctz.xlane vm5  }
0x1c7: {  	v31 =	vmpcnt.ones.xlane vm7  }
0x1c8: {  	v21 =	vadd.s32 $0x10, v30;
	vm5 =	vlt.s32 v19, $0x10  }
0x1c9: {  	vm6 =	vgt.s32 v31, $0x0;
	v19 =	vsel vm5, v19, v21  }
0x1ca: {  	vm8 =	vne.s32 v29, $0x0;
	v19 =	vnsel vm6, $0x20, v19  }
0x1cb: {  	vm5 =	vne.s32 v28, $0x0;
	vm7 =	vgt.s32 v19, v1;
	vm9 =	vgt.s32 v19, v2  }
0x1cc: {  	vm5 =	vmand vm5, vm7;
	vm7 =	vmand vm8, vm9  }
0x1cd: {  	v32 =	vmpcnt.ones.xlane vm5;
	v33 =	vmpcnt.ones.xlane vm7;
	_ =	sdelay $0x1  }
0x1ce: {  	v35 =	vld [tilespmem:$0x3B0];
	v18 =	vadd.s32 v32, v33  }
0x1cf: {  	v34 =	vld [tilespmem:$0x3A0];
	vm5 =	vgt.s32 v18, $0x0  }
0x1d0: {  	vm5 =	vmand vm6, vm5  }
0x1d1: {  	vm5 =	vmand vm5, vm0  }
0x1d2: {  	vm6 =	vne.s32 v19, v3;
	vm5 =	vmneg vm5  }
0x1d3: {  	vm0 =	vcmask $0x3734;
	vm5 =	vmand vm6, vm5  }
0x1d4: {  	v37 =	vld [tilespmem:$0x7B0];
	vm6 =	vne.s32 v35, $0x0;
	vm1 =	vmand vm5, vm1;
	vm5 =	vne.s32 v34, $0x0  }
0x1d5: {  	v36 =	vld [tilespmem:$0x7A0];
	v38 =	vmctz.xlane vm6;
	vm7 =	vmand vm1, vm0;
	v20 =	vmctz.xlane vm5  }
0x1d6: {  	v39 =	vmpcnt.ones.xlane vm7  }
0x1d7: {  	v22 =	vadd.s32 $0x10, v38;
	vm5 =	vlt.s32 v20, $0x10  }
0x1d8: {  	vm6 =	vgt.s32 v39, $0x0;
	v20 =	vsel vm5, v20, v22  }
0x1d9: {  	vm8 =	vne.s32 v37, $0x0;
	v20 =	vnsel vm6, $0x20, v20  }
0x1da: {  	vm5 =	vne.s32 v36, $0x0;
	vm7 =	vgt.s32 v20, v1;
	vm9 =	vgt.s32 v20, v2  }
0x1db: {  	vm5 =	vmand vm5, vm7;
	vm7 =	vmand vm8, vm9  }
0x1dc: {  	v40 =	vmpcnt.ones.xlane vm5;
	v41 =	vmpcnt.ones.xlane vm7;
	_ =	sdelay $0x1  }
0x1dd: {  	v42 =	vld [tilespmem:$0x3C0];
	v18 =	vadd.s32 v40, v41  }
0x1de: {  	v43 =	vld [tilespmem:$0x3D0];
	vm5 =	vgt.s32 v18, $0x0  }
0x1df: {  	vm5 =	vmand vm6, vm5  }
0x1e0: {  	vm5 =	vmand vm5, vm0  }
0x1e1: {  	vm6 =	vne.s32 v20, v3;
	vm5 =	vmneg vm5  }
0x1e2: {  	vm0 =	vcmask $0x3B38;
	vm5 =	vmand vm6, vm5  }
0x1e3: {  	v45 =	vld [tilespmem:$0x7D0];
	vm6 =	vne.s32 v43, $0x0;
	vm1 =	vmand vm5, vm1;
	vm5 =	vne.s32 v42, $0x0  }
0x1e4: {  	v44 =	vld [tilespmem:$0x7C0];
	v46 =	vmctz.xlane vm6;
	vm7 =	vmand vm1, vm0;
	v21 =	vmctz.xlane vm5  }
0x1e5: {  	v24 =	vmpcnt.ones.xlane vm7  }
0x1e6: {  	v23 =	vadd.s32 $0x10, v46;
	vm5 =	vlt.s32 v21, $0x10  }
0x1e7: {  	vm6 =	vgt.s32 v24, $0x0;
	v21 =	vsel vm5, v21, v23  }
0x1e8: {  	vm8 =	vne.s32 v45, $0x0;
	v21 =	vnsel vm6, $0x20, v21  }
0x1e9: {  	vm5 =	vne.s32 v44, $0x0;
	vm7 =	vgt.s32 v21, v1;
	vm9 =	vgt.s32 v21, v2  }
0x1ea: {  	vm5 =	vmand vm5, vm7;
	vm7 =	vmand vm8, vm9  }
0x1eb: {  	v47 =	vmpcnt.ones.xlane vm5;
	v48 =	vmpcnt.ones.xlane vm7  }
0x1ec: {  	v51 =	vld [tilespmem:$0x3F0]  }
0x1ed: {  	v49 =	vld [tilespmem:$0x5E0];
	v18 =	vadd.s32 v47, v48  }
0x1ee: {  	v50 =	vld [tilespmem:$0x3E0];
	vm5 =	vgt.s32 v18, $0x0  }
0x1ef: {  	vm5 =	vmand vm6, vm5  }
0x1f0: {  	v52 =	vld [tilespmem:$0x5F0];
	vm5 =	vmand vm5, vm0  }
0x1f1: {  	vm6 =	vne.s32 v21, v3;
	vm5 =	vmneg vm5  }
0x1f2: {  	vm7 =	vne.s32 v49, $0x0;
	vm0 =	vcmask $0x3F3C;
	vm5 =	vmand vm6, vm5  }
0x1f3: {  	vm6 =	vne.s32 v51, $0x0;
	vm5 =	vmand vm5, vm1;
	vm1 =	vne.s32 v50, $0x0  }
0x1f4: {  	v54 =	vmctz.xlane vm6;
	vm8 =	vmand vm5, vm0;
	v53 =	vmctz.xlane vm1  }
0x1f5: {  	vm6 =	vne.s32 v52, $0x0;
	vm1 =	vgt.s32 v5, v1;
	v55 =	vmpcnt.ones.xlane vm8  }
0x1f6: {  	v56 =	vld [tilespmem:$0x7E0];
	vm8 =	vne.s32 v19, v0;
	v22 =	vadd.s32 $0x10, v54;
	vm9 =	vlt.s32 v53, $0x10  }
0x1f7: {  	vm7 =	vmand vm7, vm1;
	v18 =	vsel vm9, v53, v22;
	vm1 =	vgt.s32 v55, $0x0  }
0x1f8: {  	v57 =	vmpcnt.ones.xlane vm7;
	vm7 =	vgt.s32 v5, v2;
	v18 =	vnsel vm1, $0x20, v18  }
0x1f9: {  	vm6 =	vmand vm6, vm7;
	vm7 =	vne.s32 v21, v0;
	vm9 =	vne.s32 v18, v0  }
0x1fa: {  	v59 =	vld [tilespmem:$0x7F0];
	v58 =	vmpcnt.ones.xlane vm6;
	vm6 =	vne.s32 v20, v0;
	vm7 =	vmand vm9, vm7  }
0x1fb: {  	vm9 =	vne.s32 v56, $0x0;
	vm6 =	vmand vm7, vm6;
	vm7 =	vgt.s32 v18, v1  }
0x1fc: {  	vm7 =	vmand vm9, vm7;
	vm9 =	vne.s32 v17, v0;
	vm6 =	vmand vm6, vm8  }
0x1fd: {  	v61 =	vadd.s32 v57, v58;
	vm6 =	vmand vm6, vm9;
	vm9 =	vne.s32 v16, v0  }
0x1fe: {  	v60 =	vmpcnt.ones.xlane vm7;
	vm7 =	vne.s32 v15, v0;
	vm6 =	vmand vm6, vm9  }
0x1ff: {  	vm8 =	vne.s32 v14, v0;
	vm9 =	vne.s32 v59, $0x0;
	vm6 =	vmand vm6, vm7  }
0x200: {  	vm7 =	vgt.s32 v18, v2;
	vm6 =	vmand vm6, vm8;
	vm8 =	vne.s32 v13, v0  }
0x201: {  	vm7 =	vmand vm9, vm7;
	vm6 =	vmand vm6, vm8;
	vm8 =	vne.s32 v12, v0  }
0x202: {  	v62 =	vmpcnt.ones.xlane vm7;
	vm7 =	vne.s32 v11, v0;
	vm6 =	vmand vm6, vm8  }
0x203: {  	vm8 =	vgt.s32 v61, $0x0;
	vm6 =	vmand vm6, vm7;
	vm7 =	vne.s32 v10, v0  }
0x204: {  	vm4 =	vmand vm4, vm8;
	vm8 =	vne.s32 v9, v0;
	vm6 =	vmand vm6, vm7  }
0x205: {  	v63 =	vadd.s32 v60, v62;
	vm7 =	vne.s32 v8, v0;
	vm6 =	vmand vm6, vm8  }
0x206: {  	vm8 =	vne.s32 v7, v0;
	vm6 =	vmand vm6, vm7;
	vm7 =	vgt.s32 v63, $0x0  }
0x207: {  	vm1 =	vmand vm1, vm7;
	vm6 =	vmand vm6, vm8;
	vm7 =	vne.s32 v6, v0  }
0x208: {  	vm4 =	vmand vm4, vm0;
	vm6 =	vmand vm6, vm7;
	vm7 =	vne.s32 v5, v0  }
0x209: {  	vm4 =	vmneg vm4;
	vm1 =	vmand vm1, vm0;
	vm6 =	vmand vm6, vm7  }
0x20a: {  	vm1 =	vmneg vm1;
	vm4 =	vmand vm6, vm4;
	vm6 =	vne.s32 v18, v3  }
0x20b: {  	vm3 =	vmand vm4, vm3;
	vm1 =	vmand vm6, vm1  }
0x20c: {  	v5 =	vsel vm3, $0x1, v4;
	vm1 =	vmand vm1, vm5  }
0x20d: {  	p0 =	sne.s32 s5, $0x1;
	v6 =	vsel vm1, $0x1, v4;
	[tilespmem:$0x800] =	vst v5  }
.Ltmp1:
0x20e: {  	[tilespmem:$0x810] =	vst v6;
	(pc) =	sbr.rel @p0 .LBB2_2-.Ltmp1, $4  }
0x20f: {  	[hbm4b:s4+s6] =	stream.linear.scatter [tilespmem:s9], [sflag:$0x1], $0x80, $0x38;
	[tilespmem:$0x880] =	vst v63  }
0x210: {  	_ =	swait.ge [sflag:s7], $0x80  }
0x211: {  	[sflag:s7] =	ssyncset.done $0x0  }
0x212: {  	s5 =	sadd.s32 $0xFFFFFFFF, s5;
	[sflag:s7] =	ssyncadd.s32 $0xFFFFFF80  }
.LBB2_3:
0x213: {  	_ =	sfence.sel $0x180000  }
0x214: {  	[bflag:$0x0] =	sbarrier.arrive $0xFFFF  }
0x215: {  	p0 =	sne.s32 s0, $0x0;
	_ =	strace $0x90000047  }
0x216: {  	s0 =	sadd.s32 @!p0 $0x100000, s1;
	[bflag:$0x2] =	sbarrier.arrive $0xFFFF  }
0x217: {  	[sflag:s0] =	ssyncadd.tile.s32 @!p0 $0x1;
	_ =	shalt  }
.Lfunc_end2:
_tile_overlayer_lowered:
.L_overlay_start_2:
0x218: {  	(tag) =	ssettag $0x2  }
0x219: {  	s0 =	rddreg [dreg:$0x0];
	s2 =	stileid.u32  }
0x21a: {  	s1 =	rddreg [dreg:$0x1];
	p0 =	sne.s32 s2, $0x0  }
0x21b: {  	s3 =	rddreg [dreg:$0x2];
	[bflag:$0x3] =	sbarrier.arrive $0xFFFF;
	s2 =	simm.s32 @!p0 $0x1C01  }
0x21c: {  	[timem:s3], [sflag:s2] =	dma.local @!p0 [hbm:s0], s1  }
0x21d: {  	s0 =	simm.s32 @!p0 $0x1  }
0x21e: {  	_ =	swait.ge @!p0 [sflag:s0], s1  }
0x21f: {  	s1 =	ssub.s32 @!p0 $0x0, s1;
	[sflag:s0] =	ssyncset.done @!p0 $0x0  }
0x220: {  	[sflag:s0] =	ssyncadd.s32 @!p0 s1  }
0x221: {  	[bflag:$0x3] =	sbarrier.arrive $0xFFFF  }
0x222: {  	_ =	shalt  }

</sc_bundles>
